<compile_context>
chip_gen: v7x
topology: tpu7x:2x2x1
jax: 0.10.2.dev20260603
libtpu: 0.0.44.dev20260713+nightly
codegen_flags: <defaults>
</compile_context>

<pallas_src>
import jax
import jax.numpy as jnp
from jax import lax
from jax.experimental import pallas as pl
from jax.experimental.pallas import tpu as pltpu
from jax.experimental.pallas import tpu_sc as plsc

B = 16384
F = 26
V = 1000000
D = 16

NC = 2
NS = 16
NW = NC * NS

IDX_PER_W = (B * F) // NW
ROWS_PER_W = B // NW
B_CHUNK = 64
IDX_CHUNK = B_CHUNK * F
NSUB = IDX_CHUNK // 128
N_CHUNKS = ROWS_PER_W // B_CHUNK


TCH = 1536
NFULL = 999936 // TCH
TAIL0 = NFULL * TCH
TAILN = (V - TAIL0) * D


def _sc_transpose_body(wideT_hbm, deepT_hbm, wtail_hbm, dtail_hbm,
                       wide_rs, deep_rm, ibufa, ibufb, tl1d, wsbuf, obufb,
                       sema, semb, semoa, semob):
    wid = lax.axis_index("s") * NC + lax.axis_index("c")
    lanes16 = lax.iota(jnp.int32, 16) * 16

    def transpose_buf(ibuf, obuf, ch):
        def grp(g, cc):
            sl = obuf.at[pl.ds(g * 256, 256)]
            for d in range(16):
                vals = ibuf[d, pl.ds(g * 16, 16)]
                plsc.store_scatter(sl, [lanes16 + d], vals)
            return cc
        lax.fori_loop(0, ch // 16, grp, 0, unroll=False)

    def rowsum_buf(ibuf, obuf, ch):
        def grp(g, cc):
            acc = ibuf[0, pl.ds(g * 16, 16)]
            for d in range(1, 16):
                acc = acc + ibuf[d, pl.ds(g * 16, 16)]
            obuf[pl.ds(g * 16, 16)] = acc
            return cc
        lax.fori_loop(0, ch // 16, grp, 0, unroll=False)

    def chunk(k, _):
        c = wid + k * NW

        @pl.when(c < NFULL)
        def _do():
            v0 = c * TCH
            ina = pltpu.async_copy(wideT_hbm.at[:, pl.ds(v0, TCH)],
                                   ibufa, sema)
            inb = pltpu.async_copy(deepT_hbm.at[:, pl.ds(v0, TCH)],
                                   ibufb, semb)

            @pl.when(k > 0)
            def _drain_prev():
                pltpu.make_async_copy(
                    wsbuf, wide_rs.at[pl.ds(0, TCH)], semoa).wait()
                pltpu.make_async_copy(
                    obufb, deep_rm.at[pl.ds(0, TCH * D)], semob).wait()

            ina.wait()
            rowsum_buf(ibufa, wsbuf, TCH)
            pltpu.async_copy(wsbuf, wide_rs.at[pl.ds(v0, TCH)], semoa)
            inb.wait()
            transpose_buf(ibufb, obufb, TCH)
            pltpu.async_copy(obufb, deep_rm.at[pl.ds(v0 * D, TCH * D)],
                             semob)
        return _

    niter = (NFULL + NW - 1) // NW
    lax.fori_loop(0, niter, chunk, 0, unroll=False)

    pltpu.make_async_copy(
        wsbuf, wide_rs.at[pl.ds(0, TCH)], semoa).wait()
    pltpu.make_async_copy(
        obufb, deep_rm.at[pl.ds(0, TCH * D)], semob).wait()

    @pl.when(wid == 2)
    def _tail_w():
        pltpu.sync_copy(wtail_hbm, tl1d.at[pl.ds(0, TAILN)])
        nt = TAILN // D
        for u in range(nt // 16):
            acc = plsc.load_gather(tl1d, [u * 256 + lanes16])
            for d in range(1, 16):
                acc = acc + plsc.load_gather(tl1d, [u * 256 + lanes16 + d])
            wsbuf[pl.ds(u * 16, 16)] = acc
        pltpu.sync_copy(wsbuf.at[pl.ds(0, nt)],
                        wide_rs.at[pl.ds(TAIL0, nt)])

    @pl.when(wid == 3)
    def _tail_d():
        pltpu.sync_copy(dtail_hbm, deep_rm.at[pl.ds(TAIL0 * D, TAILN)])


def _sc_transpose(wideT, deepT, wtail, dtail):
    mesh = plsc.VectorSubcoreMesh(core_axis_name="c", subcore_axis_name="s",
                                  num_cores=NC, num_subcores=NS)
    f = pl.kernel(
        _sc_transpose_body,
        out_type=[
            jax.ShapeDtypeStruct((V,), jnp.float32),
            jax.ShapeDtypeStruct((V * D,), jnp.float32),
        ],
        mesh=mesh,
        scratch_types=[
            pltpu.VMEM((16, TCH), jnp.float32),
            pltpu.VMEM((16, TCH), jnp.float32),
            pltpu.VMEM((TCH,), jnp.float32),
            pltpu.VMEM((TCH,), jnp.float32),
            pltpu.VMEM((TCH * D,), jnp.float32),
            pltpu.SemaphoreType.DMA,
            pltpu.SemaphoreType.DMA,
            pltpu.SemaphoreType.DMA,
            pltpu.SemaphoreType.DMA,
        ],
        compiler_params=pltpu.CompilerParams(use_tc_tiling_on_sc=True,
                                             needs_layout_passes=False),
    )
    return f(wideT, deepT, wtail, dtail)


def _sc_gather_body(x_hbm, wide_hbm, deep_hbm, deep_out, wide_out,
                    idx_v, drows_v, wvals_v, wsum_v, sem):
    wid = lax.axis_index("s") * NC + lax.axis_index("c")
    rows_per_w = IDX_PER_W // 128
    lanes26 = lax.iota(jnp.int32, 16) * F

    pltpu.sync_copy(x_hbm.at[pl.ds(wid * rows_per_w, rows_per_w)], idx_v)

    def chunk_body(c, _):
        def issue(j, _):
            pltpu.async_copy(deep_hbm.at[idx_v.at[c * NSUB + j]],
                             drows_v.at[pl.ds(j * 128, 128)], sem)
            pltpu.async_copy(wide_hbm.at[idx_v.at[c * NSUB + j]],
                             wvals_v.at[pl.ds(j * 128, 128)], sem)
            return _
        lax.fori_loop(0, NSUB, issue, 0, unroll=False)

        def drain_d(j, _):
            pltpu.make_async_copy(deep_hbm.at[pl.ds(0, 128)],
                                  drows_v.at[pl.ds(0, 128)], sem).wait()
            return _
        lax.fori_loop(0, NSUB, drain_d, 0, unroll=False)

        def drain_w(j, _):
            pltpu.make_async_copy(wide_hbm.at[pl.ds(0, 128)],
                                  wvals_v.at[pl.ds(0, 128)], sem).wait()
            return _
        lax.fori_loop(0, NSUB, drain_w, 0, unroll=False)

        pltpu.sync_copy(
            drows_v, deep_out.at[pl.ds(wid * IDX_PER_W + c * IDX_CHUNK,
                                       IDX_CHUNK)])

        for bg in range(B_CHUNK // 16):
            base = bg * 16 * F
            acc = plsc.load_gather(wvals_v, [base + lanes26])
            for f in range(1, F):
                acc = acc + plsc.load_gather(wvals_v, [base + lanes26 + f])
            wsum_v[pl.ds(bg * 16, 16)] = acc

        pltpu.sync_copy(
            wsum_v, wide_out.at[pl.ds(wid * ROWS_PER_W + c * B_CHUNK,
                                      B_CHUNK)])
        return _

    lax.fori_loop(0, N_CHUNKS, chunk_body, 0, unroll=False)


def _sc_gather(x_flat2d, wide_table, deep_table):
    mesh = plsc.VectorSubcoreMesh(core_axis_name="c", subcore_axis_name="s",
                                  num_cores=NC, num_subcores=NS)
    f = pl.kernel(
        _sc_gather_body,
        out_type=[
            jax.ShapeDtypeStruct((B * F, D), jnp.float32),
            jax.ShapeDtypeStruct((B,), jnp.float32),
        ],
        mesh=mesh,
        scratch_types=[
            pltpu.VMEM((IDX_PER_W // 128, 128), jnp.int32),
            pltpu.VMEM((IDX_CHUNK, D), jnp.float32),
            pltpu.VMEM((IDX_CHUNK,), jnp.float32),
            pltpu.VMEM((B_CHUNK,), jnp.float32),
            pltpu.SemaphoreType.DMA,
        ],
        compiler_params=pltpu.CompilerParams(use_tc_tiling_on_sc=False,
                                             needs_layout_passes=False),
    )
    return f(x_flat2d, wide_table, deep_table)


def _mlp_body(deep_ref, wpart_ref, gamma_ref, beta_ref,
              w0, b0, w1, b1, w2, b2, w3, b3, w4, b4, out_ref):
    h = deep_ref[...]
    mu = jnp.mean(h, axis=-1, keepdims=True)
    hc = h - mu
    var = jnp.mean(hc * hc, axis=-1, keepdims=True)
    h = hc * lax.rsqrt(var + 1e-5) * gamma_ref[...] + beta_ref[...]
    h = jnp.maximum(jnp.dot(h, w0[...], preferred_element_type=jnp.float32)
                    + b0[...], 0.0)
    h = jnp.maximum(jnp.dot(h, w1[...], preferred_element_type=jnp.float32)
                    + b1[...], 0.0)
    h = jnp.maximum(jnp.dot(h, w2[...], preferred_element_type=jnp.float32)
                    + b2[...], 0.0)
    h = jnp.maximum(jnp.dot(h, w3[...], preferred_element_type=jnp.float32)
                    + b3[...], 0.0)
    dnn = jnp.dot(h, w4[...], preferred_element_type=jnp.float32) + b4[...]
    out_ref[...] = jax.nn.sigmoid(dnn + wpart_ref[...])


def _mlp(deep_emb, wpart, ln_gamma, ln_beta, Ws, bs, block_b=1024):
    d_in = F * D
    full = lambda shape: pl.BlockSpec(shape, lambda i: (0, 0))
    in_specs = [
        pl.BlockSpec((block_b, d_in), lambda i: (i, 0)),
        pl.BlockSpec((block_b, 1), lambda i: (i, 0)),
        full((1, d_in)),
        full((1, d_in)),
    ]
    args = [deep_emb, wpart, ln_gamma.reshape(1, d_in), ln_beta.reshape(1, d_in)]
    for w, b in zip(Ws, bs):
        in_specs.append(full(w.shape))
        in_specs.append(full((1, b.shape[0])))
        args.append(w)
        args.append(b.reshape(1, -1))
    return pl.pallas_call(
        _mlp_body,
        grid=(B // block_b,),
        in_specs=in_specs,
        out_specs=pl.BlockSpec((block_b, 1), lambda i: (i, 0)),
        out_shape=jax.ShapeDtypeStruct((B, 1), jnp.float32),
        compiler_params=pltpu.CompilerParams(
            dimension_semantics=("arbitrary",)),
    )(*args)


def kernel(x, wide_table, deep_table, ln_gamma, ln_beta,
           W0, b0, W1, b1, W2, b2, W3, b3, W4, b4):
    x_flat2d = x.reshape(B * F // 128, 128)
    wide_rm, deep_rm = _sc_transpose(
        wide_table.T, deep_table.T,
        wide_table[TAIL0:].reshape(TAILN), deep_table[TAIL0:].reshape(TAILN))
    deep_rows, wpart = _sc_gather(x_flat2d, wide_rm,
                                  deep_rm.reshape(V, D))
    deep_emb = deep_rows.reshape(B, F * D)
    return _mlp(deep_emb, wpart.reshape(B, 1), ln_gamma, ln_beta,
                [W0, W1, W2, W3, W4], [b0, b1, b2, b3, b4])

# --- scband reference (transcript-rebuilt; emitter-appended) ---
"""Pipeline reference for scband-wide-deep-89429809038032 (READ-ONLY COPY).

The authoritative reference and input builder live on the scoring server;
editing this copy changes nothing except your own understanding.
"""

import jax, jax.numpy as jnp
import numpy as np

B = 16384
F = 26
V = 1000000
D = 16
HIDDEN = [1024, 512, 256, 128, 1]


def setup_inputs(seed: int = 0) -> dict:
    key = jax.random.key(seed)
    ks = jax.random.split(key, 20)
    x = jax.random.randint(ks[0], (B, F), 0, V, dtype=jnp.int32)
    wide_table = jax.random.normal(ks[1], (V, D), dtype=jnp.float32) * 0.01
    deep_table = jax.random.normal(ks[2], (V, D), dtype=jnp.float32) * 0.01
    d_in = F * D
    dims = [d_in] + HIDDEN
    inp = {
        'x': x,
        'wide_table': wide_table,
        'deep_table': deep_table,
        'ln_gamma': jnp.ones((d_in,), dtype=jnp.float32),
        'ln_beta': jnp.zeros((d_in,), dtype=jnp.float32),
    }
    for i in range(len(HIDDEN)):
        fan_in = dims[i]
        inp[f'W{i}'] = jax.random.normal(ks[3 + i], (dims[i], dims[i + 1]), dtype=jnp.float32) * np.sqrt(2.0 / fan_in)
        inp[f'b{i}'] = jnp.zeros((dims[i + 1],), dtype=jnp.float32)
    return inp


def _layernorm(h, gamma, beta, eps=1e-5):
    mu = jnp.mean(h, axis=-1, keepdims=True)
    var = jnp.var(h, axis=-1, keepdims=True)
    return (h - mu) * jax.lax.rsqrt(var + eps) * gamma + beta


def reference(x, wide_table, deep_table, ln_gamma, ln_beta, W0, b0, W1, b1, W2, b2, W3, b3, W4, b4):
    b = x.shape[0]
    # wide branch: EmbeddingSumConcat -> [B, F*D], then sum over dim 1 keepdim
    wide_emb = jnp.take(wide_table, x, axis=0).reshape(b, F * D)
    wide_out = jnp.sum(wide_emb, axis=1, keepdims=True)
    # deep branch: EmbeddingSumConcat -> [B, F*D]
    deep_emb = jnp.take(deep_table, x, axis=0).reshape(b, F * D)
    h = _layernorm(deep_emb, ln_gamma, ln_beta)
    h = jax.nn.relu(h @ W0 + b0)
    h = jax.nn.relu(h @ W1 + b1)
    h = jax.nn.relu(h @ W2 + b2)
    h = jax.nn.relu(h @ W3 + b3)
    dnn_out = h @ W4 + b4
    final_out = wide_out + dnn_out
    return jax.nn.sigmoid(final_out)

if __name__ == "__main__":
    import jax
    _d = setup_inputs()
    print(jax.jit(kernel)(*tuple(_d.values())))

</pallas_src>

<mosaic_0001>
#map = affine_map<(d0, d1) -> (0, 0)>
#map1 = affine_map<(d0, d1) -> (0)>
module attributes {stable_mosaic.version = 14 : i64} {
  func.func @_sc_transpose_body(%arg0: i32, %arg1: i32, %arg2: memref<16x1000000xf32, #tpu.memory_space<hbm>>, %arg3: memref<16x1000000xf32, #tpu.memory_space<hbm>>, %arg4: memref<1024xf32, #tpu.memory_space<hbm>>, %arg5: memref<1024xf32, #tpu.memory_space<hbm>>, %arg6: memref<1000000xf32, #tpu.memory_space<hbm>>, %arg7: memref<16000000xf32, #tpu.memory_space<hbm>>, %arg8: memref<16x1536xf32, #tpu.memory_space<vmem>>, %arg9: memref<16x1536xf32, #tpu.memory_space<vmem>>, %arg10: memref<1536xf32, #tpu.memory_space<vmem>>, %arg11: memref<1536xf32, #tpu.memory_space<vmem>>, %arg12: memref<24576xf32, #tpu.memory_space<vmem>>, %arg13: memref<!tpu.dma_semaphore, #tpu.memory_space<semaphore_mem>>, %arg14: memref<!tpu.dma_semaphore, #tpu.memory_space<semaphore_mem>>, %arg15: memref<!tpu.dma_semaphore, #tpu.memory_space<semaphore_mem>>, %arg16: memref<!tpu.dma_semaphore, #tpu.memory_space<semaphore_mem>>) attributes {dimension_semantics = [#tpu.dimension_semantics<core_parallel>, #tpu.dimension_semantics<subcore_parallel>], iteration_bounds = array<i64: 2, 16>, scalar_prefetch = 0 : i64, scratch_operands = 9 : i64, tpu.core_type = #tpu.core_type<sc_vector_subcore>, window_params = [{transform_indices = #map}, {transform_indices = #map}, {transform_indices = #map1}, {transform_indices = #map1}, {transform_indices = #map1}, {transform_indices = #map1}]} {
    %mul3A = arith.constant 2 : i32
    %mul3A_0 = arith.muli %arg1, %mul3A : i32
    %add3A = arith.addi %mul3A_0, %arg0 : i32
    %iota3A = tpu.iota {dimensions = array<i32: 0>} : vector<16xi32>
    %mul3A_1 = arith.constant 16 : i32
    %mul3A_2 = vector.broadcast %mul3A_1 : i32 to vector<16xi32>
    %mul3A_3 = arith.muli %iota3A, %mul3A_2 : vector<16xi32>
    %scan3A = arith.constant 0 : i32
    %scan3A_4 = arith.constant 0 : i32
    %scan3A_5 = arith.constant 21 : i32
    %scan3A_6 = arith.addi %scan3A_4, %scan3A_5 : i32
    %scan3A_7 = arith.constant 1 : i32
    scf.for %scan3A_23 = %scan3A_4 to %scan3A_6 step %scan3A_7  : i32 {
      %mul3A_24 = arith.constant 32 : i32
      %mul3A_25 = arith.muli %scan3A_23, %mul3A_24 : i32
      %add3A_26 = arith.addi %add3A, %mul3A_25 : i32
      %lt3A = arith.constant 651 : i32
      %lt3A_27 = arith.cmpi slt, %add3A_26, %lt3A : i32
      %convert_element_type3A_28 = arith.extui %lt3A_27 : i1 to i32
      %cond3A_29 = arith.constant 0 : i32
      %cond3A_30 = arith.cmpi ne, %convert_element_type3A_28, %cond3A_29 : i32
      scf.if %cond3A_30 {
        %mul3A_31 = arith.constant 1536 : i32
        %mul3A_32 = arith.muli %add3A_26, %mul3A_31 : i32
        %dma_start3A = arith.constant 0 : i32
        %dma_start3A_33 = tpu.memref_slice %arg2[%dma_start3A, %mul3A_32] : memref<16x1000000xf32, #tpu.memory_space<hbm>> -> memref<16x1536xf32, #tpu.memory_space<hbm>>
        %dma_start3A_34 = arith.constant 0 : i32
        %dma_start3A_35 = tpu.memref_slice %arg2[%dma_start3A_34, %mul3A_32] : memref<16x1000000xf32, #tpu.memory_space<hbm>> -> memref<16x1536xf32, #tpu.memory_space<hbm>>
        tpu.enqueue_dma source(%dma_start3A_35 : memref<16x1536xf32, #tpu.memory_space<hbm>>) target(%arg8 : memref<16x1536xf32, #tpu.memory_space<vmem>>) target_semaphore(%arg13 : memref<!tpu.dma_semaphore, #tpu.memory_space<semaphore_mem>>)
        %dma_start3A_36 = arith.constant 0 : i32
        %dma_start3A_37 = tpu.memref_slice %arg3[%dma_start3A_36, %mul3A_32] : memref<16x1000000xf32, #tpu.memory_space<hbm>> -> memref<16x1536xf32, #tpu.memory_space<hbm>>
        %dma_start3A_38 = arith.constant 0 : i32
        %dma_start3A_39 = tpu.memref_slice %arg3[%dma_start3A_38, %mul3A_32] : memref<16x1000000xf32, #tpu.memory_space<hbm>> -> memref<16x1536xf32, #tpu.memory_space<hbm>>
        tpu.enqueue_dma source(%dma_start3A_39 : memref<16x1536xf32, #tpu.memory_space<hbm>>) target(%arg9 : memref<16x1536xf32, #tpu.memory_space<vmem>>) target_semaphore(%arg14 : memref<!tpu.dma_semaphore, #tpu.memory_space<semaphore_mem>>)
        %gt3A = arith.constant 0 : i32
        %gt3A_40 = arith.cmpi sgt, %scan3A_23, %gt3A : i32
        %convert_element_type3A_41 = arith.extui %gt3A_40 : i1 to i32
        %cond3A_42 = arith.constant 0 : i32
        %cond3A_43 = arith.cmpi ne, %convert_element_type3A_41, %cond3A_42 : i32
        scf.if %cond3A_43 {
          %dma_wait3A_70 = arith.constant 0 : i32
          %dma_wait3A_71 = tpu.memref_slice %arg6[%dma_wait3A_70] : memref<1000000xf32, #tpu.memory_space<hbm>> -> memref<1536xf32, #tpu.memory_space<hbm>>
          %dma_wait3A_72 = arith.constant 0 : i32
          %dma_wait3A_73 = tpu.memref_slice %arg6[%dma_wait3A_72] : memref<1000000xf32, #tpu.memory_space<hbm>> -> memref<1536xf32, #tpu.memory_space<hbm>>
          tpu.wait_dma2 semaphore(%arg15 : memref<!tpu.dma_semaphore, #tpu.memory_space<semaphore_mem>>) src(%arg11 : memref<1536xf32, #tpu.memory_space<vmem>>) dst(%dma_wait3A_73 : memref<1536xf32, #tpu.memory_space<hbm>>)
          %dma_wait3A_74 = arith.constant 0 : i32
          %dma_wait3A_75 = tpu.memref_slice %arg7[%dma_wait3A_74] : memref<16000000xf32, #tpu.memory_space<hbm>> -> memref<24576xf32, #tpu.memory_space<hbm>>
          %dma_wait3A_76 = arith.constant 0 : i32
          %dma_wait3A_77 = tpu.memref_slice %arg7[%dma_wait3A_76] : memref<16000000xf32, #tpu.memory_space<hbm>> -> memref<24576xf32, #tpu.memory_space<hbm>>
          tpu.wait_dma2 semaphore(%arg16 : memref<!tpu.dma_semaphore, #tpu.memory_space<semaphore_mem>>) src(%arg12 : memref<24576xf32, #tpu.memory_space<vmem>>) dst(%dma_wait3A_77 : memref<24576xf32, #tpu.memory_space<hbm>>)
        } else {
        }
        %dma_wait3A_44 = arith.constant 0 : i32
        %dma_wait3A_45 = tpu.memref_slice %arg2[%dma_wait3A_44, %mul3A_32] : memref<16x1000000xf32, #tpu.memory_space<hbm>> -> memref<16x1536xf32, #tpu.memory_space<hbm>>
        %dma_wait3A_46 = arith.constant 0 : i32
        %dma_wait3A_47 = tpu.memref_slice %arg2[%dma_wait3A_46, %mul3A_32] : memref<16x1000000xf32, #tpu.memory_space<hbm>> -> memref<16x1536xf32, #tpu.memory_space<hbm>>
        tpu.wait_dma2 semaphore(%arg13 : memref<!tpu.dma_semaphore, #tpu.memory_space<semaphore_mem>>) src(%dma_wait3A_47 : memref<16x1536xf32, #tpu.memory_space<hbm>>) dst(%arg8 : memref<16x1536xf32, #tpu.memory_space<vmem>>)
        %scan3A_48 = arith.constant 0 : i32
        %scan3A_49 = arith.constant 0 : i32
        %scan3A_50 = arith.constant 96 : i32
        %scan3A_51 = arith.addi %scan3A_49, %scan3A_50 : i32
        %scan3A_52 = arith.constant 1 : i32
        scf.for %scan3A_70 = %scan3A_49 to %scan3A_51 step %scan3A_52  : i32 {
          %mul3A_71 = arith.constant 16 : i32
          %mul3A_72 = arith.muli %scan3A_70, %mul3A_71 : i32
          %get3A = arith.constant 0 : i32
          %get3A_73 = arith.index_cast %get3A : i32 to index
          %get3A_74 = arith.index_cast %mul3A_72 : i32 to index
          %get3A_75 = tpu.vector_load %arg8[%get3A_73, %get3A_74] {strides = array<i32>} : memref<16x1536xf32, #tpu.memory_space<vmem>>, vector<16xf32>,
          %mul3A_76 = arith.constant 16 : i32
          %mul3A_77 = arith.muli %scan3A_70, %mul3A_76 : i32
          %get3A_78 = arith.constant 1 : i32
          %get3A_79 = arith.index_cast %get3A_78 : i32 to index
          %get3A_80 = arith.index_cast %mul3A_77 : i32 to index
          %get3A_81 = tpu.vector_load %arg8[%get3A_79, %get3A_80] {strides = array<i32>} : memref<16x1536xf32, #tpu.memory_space<vmem>>, vector<16xf32>,
          %add3A_82 = arith.addf %get3A_75, %get3A_81 : vector<16xf32>
          %mul3A_83 = arith.constant 16 : i32
          %mul3A_84 = arith.muli %scan3A_70, %mul3A_83 : i32
          %get3A_85 = arith.constant 2 : i32
          %get3A_86 = arith.index_cast %get3A_85 : i32 to index
          %get3A_87 = arith.index_cast %mul3A_84 : i32 to index
          %get3A_88 = tpu.vector_load %arg8[%get3A_86, %get3A_87] {strides = array<i32>} : memref<16x1536xf32, #tpu.memory_space<vmem>>, vector<16xf32>,
          %add3A_89 = arith.addf %add3A_82, %get3A_88 : vector<16xf32>
          %mul3A_90 = arith.constant 16 : i32
          %mul3A_91 = arith.muli %scan3A_70, %mul3A_90 : i32
          %get3A_92 = arith.constant 3 : i32
          %get3A_93 = arith.index_cast %get3A_92 : i32 to index
          %get3A_94 = arith.index_cast %mul3A_91 : i32 to index
          %get3A_95 = tpu.vector_load %arg8[%get3A_93, %get3A_94] {strides = array<i32>} : memref<16x1536xf32, #tpu.memory_space<vmem>>, vector<16xf32>,
          %add3A_96 = arith.addf %add3A_89, %get3A_95 : vector<16xf32>
          %mul3A_97 = arith.constant 16 : i32
          %mul3A_98 = arith.muli %scan3A_70, %mul3A_97 : i32
          %get3A_99 = arith.constant 4 : i32
          %get3A_100 = arith.index_cast %get3A_99 : i32 to index
          %get3A_101 = arith.index_cast %mul3A_98 : i32 to index
          %get3A_102 = tpu.vector_load %arg8[%get3A_100, %get3A_101] {strides = array<i32>} : memref<16x1536xf32, #tpu.memory_space<vmem>>, vector<16xf32>,
          %add3A_103 = arith.addf %add3A_96, %get3A_102 : vector<16xf32>
          %mul3A_104 = arith.constant 16 : i32
          %mul3A_105 = arith.muli %scan3A_70, %mul3A_104 : i32
          %get3A_106 = arith.constant 5 : i32
          %get3A_107 = arith.index_cast %get3A_106 : i32 to index
          %get3A_108 = arith.index_cast %mul3A_105 : i32 to index
          %get3A_109 = tpu.vector_load %arg8[%get3A_107, %get3A_108] {strides = array<i32>} : memref<16x1536xf32, #tpu.memory_space<vmem>>, vector<16xf32>,
          %add3A_110 = arith.addf %add3A_103, %get3A_109 : vector<16xf32>
          %mul3A_111 = arith.constant 16 : i32
          %mul3A_112 = arith.muli %scan3A_70, %mul3A_111 : i32
          %get3A_113 = arith.constant 6 : i32
          %get3A_114 = arith.index_cast %get3A_113 : i32 to index
          %get3A_115 = arith.index_cast %mul3A_112 : i32 to index
          %get3A_116 = tpu.vector_load %arg8[%get3A_114, %get3A_115] {strides = array<i32>} : memref<16x1536xf32, #tpu.memory_space<vmem>>, vector<16xf32>,
          %add3A_117 = arith.addf %add3A_110, %get3A_116 : vector<16xf32>
          %mul3A_118 = arith.constant 16 : i32
          %mul3A_119 = arith.muli %scan3A_70, %mul3A_118 : i32
          %get3A_120 = arith.constant 7 : i32
          %get3A_121 = arith.index_cast %get3A_120 : i32 to index
          %get3A_122 = arith.index_cast %mul3A_119 : i32 to index
          %get3A_123 = tpu.vector_load %arg8[%get3A_121, %get3A_122] {strides = array<i32>} : memref<16x1536xf32, #tpu.memory_space<vmem>>, vector<16xf32>,
          %add3A_124 = arith.addf %add3A_117, %get3A_123 : vector<16xf32>
          %mul3A_125 = arith.constant 16 : i32
          %mul3A_126 = arith.muli %scan3A_70, %mul3A_125 : i32
          %get3A_127 = arith.constant 8 : i32
          %get3A_128 = arith.index_cast %get3A_127 : i32 to index
          %get3A_129 = arith.index_cast %mul3A_126 : i32 to index
          %get3A_130 = tpu.vector_load %arg8[%get3A_128, %get3A_129] {strides = array<i32>} : memref<16x1536xf32, #tpu.memory_space<vmem>>, vector<16xf32>,
          %add3A_131 = arith.addf %add3A_124, %get3A_130 : vector<16xf32>
          %mul3A_132 = arith.constant 16 : i32
          %mul3A_133 = arith.muli %scan3A_70, %mul3A_132 : i32
          %get3A_134 = arith.constant 9 : i32
          %get3A_135 = arith.index_cast %get3A_134 : i32 to index
          %get3A_136 = arith.index_cast %mul3A_133 : i32 to index
          %get3A_137 = tpu.vector_load %arg8[%get3A_135, %get3A_136] {strides = array<i32>} : memref<16x1536xf32, #tpu.memory_space<vmem>>, vector<16xf32>,
          %add3A_138 = arith.addf %add3A_131, %get3A_137 : vector<16xf32>
          %mul3A_139 = arith.constant 16 : i32
          %mul3A_140 = arith.muli %scan3A_70, %mul3A_139 : i32
          %get3A_141 = arith.constant 10 : i32
          %get3A_142 = arith.index_cast %get3A_141 : i32 to index
          %get3A_143 = arith.index_cast %mul3A_140 : i32 to index
          %get3A_144 = tpu.vector_load %arg8[%get3A_142, %get3A_143] {strides = array<i32>} : memref<16x1536xf32, #tpu.memory_space<vmem>>, vector<16xf32>,
          %add3A_145 = arith.addf %add3A_138, %get3A_144 : vector<16xf32>
          %mul3A_146 = arith.constant 16 : i32
          %mul3A_147 = arith.muli %scan3A_70, %mul3A_146 : i32
          %get3A_148 = arith.constant 11 : i32
          %get3A_149 = arith.index_cast %get3A_148 : i32 to index
          %get3A_150 = arith.index_cast %mul3A_147 : i32 to index
          %get3A_151 = tpu.vector_load %arg8[%get3A_149, %get3A_150] {strides = array<i32>} : memref<16x1536xf32, #tpu.memory_space<vmem>>, vector<16xf32>,
          %add3A_152 = arith.addf %add3A_145, %get3A_151 : vector<16xf32>
          %mul3A_153 = arith.constant 16 : i32
          %mul3A_154 = arith.muli %scan3A_70, %mul3A_153 : i32
          %get3A_155 = arith.constant 12 : i32
          %get3A_156 = arith.index_cast %get3A_155 : i32 to index
          %get3A_157 = arith.index_cast %mul3A_154 : i32 to index
          %get3A_158 = tpu.vector_load %arg8[%get3A_156, %get3A_157] {strides = array<i32>} : memref<16x1536xf32, #tpu.memory_space<vmem>>, vector<16xf32>,
          %add3A_159 = arith.addf %add3A_152, %get3A_158 : vector<16xf32>
          %mul3A_160 = arith.constant 16 : i32
          %mul3A_161 = arith.muli %scan3A_70, %mul3A_160 : i32
          %get3A_162 = arith.constant 13 : i32
          %get3A_163 = arith.index_cast %get3A_162 : i32 to index
          %get3A_164 = arith.index_cast %mul3A_161 : i32 to index
          %get3A_165 = tpu.vector_load %arg8[%get3A_163, %get3A_164] {strides = array<i32>} : memref<16x1536xf32, #tpu.memory_space<vmem>>, vector<16xf32>,
          %add3A_166 = arith.addf %add3A_159, %get3A_165 : vector<16xf32>
          %mul3A_167 = arith.constant 16 : i32
          %mul3A_168 = arith.muli %scan3A_70, %mul3A_167 : i32
          %get3A_169 = arith.constant 14 : i32
          %get3A_170 = arith.index_cast %get3A_169 : i32 to index
          %get3A_171 = arith.index_cast %mul3A_168 : i32 to index
          %get3A_172 = tpu.vector_load %arg8[%get3A_170, %get3A_171] {strides = array<i32>} : memref<16x1536xf32, #tpu.memory_space<vmem>>, vector<16xf32>,
          %add3A_173 = arith.addf %add3A_166, %get3A_172 : vector<16xf32>
          %mul3A_174 = arith.constant 16 : i32
          %mul3A_175 = arith.muli %scan3A_70, %mul3A_174 : i32
          %get3A_176 = arith.constant 15 : i32
          %get3A_177 = arith.index_cast %get3A_176 : i32 to index
          %get3A_178 = arith.index_cast %mul3A_175 : i32 to index
          %get3A_179 = tpu.vector_load %arg8[%get3A_177, %get3A_178] {strides = array<i32>} : memref<16x1536xf32, #tpu.memory_space<vmem>>, vector<16xf32>,
          %add3A_180 = arith.addf %add3A_173, %get3A_179 : vector<16xf32>
          %mul3A_181 = arith.constant 16 : i32
          %mul3A_182 = arith.muli %scan3A_70, %mul3A_181 : i32
          %swap3A = arith.index_cast %mul3A_182 : i32 to index
          %swap3A_183 = tpu.vector_load %arg11[%swap3A] {strides = array<i32>} : memref<1536xf32, #tpu.memory_space<vmem>>, vector<16xf32>,
          tpu.vector_store %arg11[%swap3A], %add3A_180 {strides = array<i32>} : memref<1536xf32, #tpu.memory_space<vmem>>, vector<16xf32>,
        }
        %scan3A_53 = arith.constant 96 : i32
        %dma_start3A_54 = tpu.memref_slice %arg6[%mul3A_32] : memref<1000000xf32, #tpu.memory_space<hbm>> -> memref<1536xf32, #tpu.memory_space<hbm>>
        %dma_start3A_55 = tpu.memref_slice %arg6[%mul3A_32] : memref<1000000xf32, #tpu.memory_space<hbm>> -> memref<1536xf32, #tpu.memory_space<hbm>>
        tpu.enqueue_dma source(%arg11 : memref<1536xf32, #tpu.memory_space<vmem>>) target(%dma_start3A_55 : memref<1536xf32, #tpu.memory_space<hbm>>) target_semaphore(%arg15 : memref<!tpu.dma_semaphore, #tpu.memory_space<semaphore_mem>>)
        %dma_wait3A_56 = arith.constant 0 : i32
        %dma_wait3A_57 = tpu.memref_slice %arg3[%dma_wait3A_56, %mul3A_32] : memref<16x1000000xf32, #tpu.memory_space<hbm>> -> memref<16x1536xf32, #tpu.memory_space<hbm>>
        %dma_wait3A_58 = arith.constant 0 : i32
        %dma_wait3A_59 = tpu.memref_slice %arg3[%dma_wait3A_58, %mul3A_32] : memref<16x1000000xf32, #tpu.memory_space<hbm>> -> memref<16x1536xf32, #tpu.memory_space<hbm>>
        tpu.wait_dma2 semaphore(%arg14 : memref<!tpu.dma_semaphore, #tpu.memory_space<semaphore_mem>>) src(%dma_wait3A_59 : memref<16x1536xf32, #tpu.memory_space<hbm>>) dst(%arg9 : memref<16x1536xf32, #tpu.memory_space<vmem>>)
        %scan3A_60 = arith.constant 0 : i32
        %scan3A_61 = arith.constant 0 : i32
        %scan3A_62 = arith.constant 96 : i32
        %scan3A_63 = arith.addi %scan3A_61, %scan3A_62 : i32
        %scan3A_64 = arith.constant 1 : i32
        scf.for %scan3A_70 = %scan3A_61 to %scan3A_63 step %scan3A_64  : i32 {
          %mul3A_71 = arith.constant 256 : i32
          %mul3A_72 = arith.muli %scan3A_70, %mul3A_71 : i32
          %mul3A_73 = arith.constant 16 : i32
          %mul3A_74 = arith.muli %scan3A_70, %mul3A_73 : i32
          %get3A = arith.constant 0 : i32
          %get3A_75 = arith.index_cast %get3A : i32 to index
          %get3A_76 = arith.index_cast %mul3A_74 : i32 to index
          %get3A_77 = tpu.vector_load %arg9[%get3A_75, %get3A_76] {strides = array<i32>} : memref<16x1536xf32, #tpu.memory_space<vmem>>, vector<16xf32>,
          %add3A_78 = arith.constant 0 : i32
          %add3A_79 = vector.broadcast %add3A_78 : i32 to vector<16xi32>
          %add3A_80 = arith.addi %mul3A_3, %add3A_79 : vector<16xi32>
          %scatter3A = tpu.memref_slice %arg12[%mul3A_72] : memref<24576xf32, #tpu.memory_space<vmem>> -> memref<256xf32, #tpu.memory_space<vmem>>
          tpu.vector_store_idx %scatter3A[%add3A_80], %get3A_77 : memref<256xf32, #tpu.memory_space<vmem>>[vector<16xi32>], vector<16xf32>,
          %mul3A_81 = arith.constant 16 : i32
          %mul3A_82 = arith.muli %scan3A_70, %mul3A_81 : i32
          %get3A_83 = arith.constant 1 : i32
          %get3A_84 = arith.index_cast %get3A_83 : i32 to index
          %get3A_85 = arith.index_cast %mul3A_82 : i32 to index
          %get3A_86 = tpu.vector_load %arg9[%get3A_84, %get3A_85] {strides = array<i32>} : memref<16x1536xf32, #tpu.memory_space<vmem>>, vector<16xf32>,
          %add3A_87 = arith.constant 1 : i32
          %add3A_88 = vector.broadcast %add3A_87 : i32 to vector<16xi32>
          %add3A_89 = arith.addi %mul3A_3, %add3A_88 : vector<16xi32>
          %scatter3A_90 = tpu.memref_slice %arg12[%mul3A_72] : memref<24576xf32, #tpu.memory_space<vmem>> -> memref<256xf32, #tpu.memory_space<vmem>>
          tpu.vector_store_idx %scatter3A_90[%add3A_89], %get3A_86 : memref<256xf32, #tpu.memory_space<vmem>>[vector<16xi32>], vector<16xf32>,
          %mul3A_91 = arith.constant 16 : i32
          %mul3A_92 = arith.muli %scan3A_70, %mul3A_91 : i32
          %get3A_93 = arith.constant 2 : i32
          %get3A_94 = arith.index_cast %get3A_93 : i32 to index
          %get3A_95 = arith.index_cast %mul3A_92 : i32 to index
          %get3A_96 = tpu.vector_load %arg9[%get3A_94, %get3A_95] {strides = array<i32>} : memref<16x1536xf32, #tpu.memory_space<vmem>>, vector<16xf32>,
          %add3A_97 = arith.constant 2 : i32
          %add3A_98 = vector.broadcast %add3A_97 : i32 to vector<16xi32>
          %add3A_99 = arith.addi %mul3A_3, %add3A_98 : vector<16xi32>
          %scatter3A_100 = tpu.memref_slice %arg12[%mul3A_72] : memref<24576xf32, #tpu.memory_space<vmem>> -> memref<256xf32, #tpu.memory_space<vmem>>
          tpu.vector_store_idx %scatter3A_100[%add3A_99], %get3A_96 : memref<256xf32, #tpu.memory_space<vmem>>[vector<16xi32>], vector<16xf32>,
          %mul3A_101 = arith.constant 16 : i32
          %mul3A_102 = arith.muli %scan3A_70, %mul3A_101 : i32
          %get3A_103 = arith.constant 3 : i32
          %get3A_104 = arith.index_cast %get3A_103 : i32 to index
          %get3A_105 = arith.index_cast %mul3A_102 : i32 to index
          %get3A_106 = tpu.vector_load %arg9[%get3A_104, %get3A_105] {strides = array<i32>} : memref<16x1536xf32, #tpu.memory_space<vmem>>, vector<16xf32>,
          %add3A_107 = arith.constant 3 : i32
          %add3A_108 = vector.broadcast %add3A_107 : i32 to vector<16xi32>
          %add3A_109 = arith.addi %mul3A_3, %add3A_108 : vector<16xi32>
          %scatter3A_110 = tpu.memref_slice %arg12[%mul3A_72] : memref<24576xf32, #tpu.memory_space<vmem>> -> memref<256xf32, #tpu.memory_space<vmem>>
          tpu.vector_store_idx %scatter3A_110[%add3A_109], %get3A_106 : memref<256xf32, #tpu.memory_space<vmem>>[vector<16xi32>], vector<16xf32>,
          %mul3A_111 = arith.constant 16 : i32
          %mul3A_112 = arith.muli %scan3A_70, %mul3A_111 : i32
          %get3A_113 = arith.constant 4 : i32
          %get3A_114 = arith.index_cast %get3A_113 : i32 to index
          %get3A_115 = arith.index_cast %mul3A_112 : i32 to index
          %get3A_116 = tpu.vector_load %arg9[%get3A_114, %get3A_115] {strides = array<i32>} : memref<16x1536xf32, #tpu.memory_space<vmem>>, vector<16xf32>,
          %add3A_117 = arith.constant 4 : i32
          %add3A_118 = vector.broadcast %add3A_117 : i32 to vector<16xi32>
          %add3A_119 = arith.addi %mul3A_3, %add3A_118 : vector<16xi32>
          %scatter3A_120 = tpu.memref_slice %arg12[%mul3A_72] : memref<24576xf32, #tpu.memory_space<vmem>> -> memref<256xf32, #tpu.memory_space<vmem>>
          tpu.vector_store_idx %scatter3A_120[%add3A_119], %get3A_116 : memref<256xf32, #tpu.memory_space<vmem>>[vector<16xi32>], vector<16xf32>,
          %mul3A_121 = arith.constant 16 : i32
          %mul3A_122 = arith.muli %scan3A_70, %mul3A_121 : i32
          %get3A_123 = arith.constant 5 : i32
          %get3A_124 = arith.index_cast %get3A_123 : i32 to index
          %get3A_125 = arith.index_cast %mul3A_122 : i32 to index
          %get3A_126 = tpu.vector_load %arg9[%get3A_124, %get3A_125] {strides = array<i32>} : memref<16x1536xf32, #tpu.memory_space<vmem>>, vector<16xf32>,
          %add3A_127 = arith.constant 5 : i32
          %add3A_128 = vector.broadcast %add3A_127 : i32 to vector<16xi32>
          %add3A_129 = arith.addi %mul3A_3, %add3A_128 : vector<16xi32>
          %scatter3A_130 = tpu.memref_slice %arg12[%mul3A_72] : memref<24576xf32, #tpu.memory_space<vmem>> -> memref<256xf32, #tpu.memory_space<vmem>>
          tpu.vector_store_idx %scatter3A_130[%add3A_129], %get3A_126 : memref<256xf32, #tpu.memory_space<vmem>>[vector<16xi32>], vector<16xf32>,
          %mul3A_131 = arith.constant 16 : i32
          %mul3A_132 = arith.muli %scan3A_70, %mul3A_131 : i32
          %get3A_133 = arith.constant 6 : i32
          %get3A_134 = arith.index_cast %get3A_133 : i32 to index
          %get3A_135 = arith.index_cast %mul3A_132 : i32 to index
          %get3A_136 = tpu.vector_load %arg9[%get3A_134, %get3A_135] {strides = array<i32>} : memref<16x1536xf32, #tpu.memory_space<vmem>>, vector<16xf32>,
          %add3A_137 = arith.constant 6 : i32
          %add3A_138 = vector.broadcast %add3A_137 : i32 to vector<16xi32>
          %add3A_139 = arith.addi %mul3A_3, %add3A_138 : vector<16xi32>
          %scatter3A_140 = tpu.memref_slice %arg12[%mul3A_72] : memref<24576xf32, #tpu.memory_space<vmem>> -> memref<256xf32, #tpu.memory_space<vmem>>
          tpu.vector_store_idx %scatter3A_140[%add3A_139], %get3A_136 : memref<256xf32, #tpu.memory_space<vmem>>[vector<16xi32>], vector<16xf32>,
          %mul3A_141 = arith.constant 16 : i32
          %mul3A_142 = arith.muli %scan3A_70, %mul3A_141 : i32
          %get3A_143 = arith.constant 7 : i32
          %get3A_144 = arith.index_cast %get3A_143 : i32 to index
          %get3A_145 = arith.index_cast %mul3A_142 : i32 to index
          %get3A_146 = tpu.vector_load %arg9[%get3A_144, %get3A_145] {strides = array<i32>} : memref<16x1536xf32, #tpu.memory_space<vmem>>, vector<16xf32>,
          %add3A_147 = arith.constant 7 : i32
          %add3A_148 = vector.broadcast %add3A_147 : i32 to vector<16xi32>
          %add3A_149 = arith.addi %mul3A_3, %add3A_148 : vector<16xi32>
          %scatter3A_150 = tpu.memref_slice %arg12[%mul3A_72] : memref<24576xf32, #tpu.memory_space<vmem>> -> memref<256xf32, #tpu.memory_space<vmem>>
          tpu.vector_store_idx %scatter3A_150[%add3A_149], %get3A_146 : memref<256xf32, #tpu.memory_space<vmem>>[vector<16xi32>], vector<16xf32>,
          %mul3A_151 = arith.constant 16 : i32
          %mul3A_152 = arith.muli %scan3A_70, %mul3A_151 : i32
          %get3A_153 = arith.constant 8 : i32
          %get3A_154 = arith.index_cast %get3A_153 : i32 to index
          %get3A_155 = arith.index_cast %mul3A_152 : i32 to index
          %get3A_156 = tpu.vector_load %arg9[%get3A_154, %get3A_155] {strides = array<i32>} : memref<16x1536xf32, #tpu.memory_space<vmem>>, vector<16xf32>,
          %add3A_157 = arith.constant 8 : i32
          %add3A_158 = vector.broadcast %add3A_157 : i32 to vector<16xi32>
          %add3A_159 = arith.addi %mul3A_3, %add3A_158 : vector<16xi32>
          %scatter3A_160 = tpu.memref_slice %arg12[%mul3A_72] : memref<24576xf32, #tpu.memory_space<vmem>> -> memref<256xf32, #tpu.memory_space<vmem>>
          tpu.vector_store_idx %scatter3A_160[%add3A_159], %get3A_156 : memref<256xf32, #tpu.memory_space<vmem>>[vector<16xi32>], vector<16xf32>,
          %mul3A_161 = arith.constant 16 : i32
          %mul3A_162 = arith.muli %scan3A_70, %mul3A_161 : i32
          %get3A_163 = arith.constant 9 : i32
          %get3A_164 = arith.index_cast %get3A_163 : i32 to index
          %get3A_165 = arith.index_cast %mul3A_162 : i32 to index
          %get3A_166 = tpu.vector_load %arg9[%get3A_164, %get3A_165] {strides = array<i32>} : memref<16x1536xf32, #tpu.memory_space<vmem>>, vector<16xf32>,
          %add3A_167 = arith.constant 9 : i32
          %add3A_168 = vector.broadcast %add3A_167 : i32 to vector<16xi32>
          %add3A_169 = arith.addi %mul3A_3, %add3A_168 : vector<16xi32>
          %scatter3A_170 = tpu.memref_slice %arg12[%mul3A_72] : memref<24576xf32, #tpu.memory_space<vmem>> -> memref<256xf32, #tpu.memory_space<vmem>>
          tpu.vector_store_idx %scatter3A_170[%add3A_169], %get3A_166 : memref<256xf32, #tpu.memory_space<vmem>>[vector<16xi32>], vector<16xf32>,
          %mul3A_171 = arith.constant 16 : i32
          %mul3A_172 = arith.muli %scan3A_70, %mul3A_171 : i32
          %get3A_173 = arith.constant 10 : i32
          %get3A_174 = arith.index_cast %get3A_173 : i32 to index
          %get3A_175 = arith.index_cast %mul3A_172 : i32 to index
          %get3A_176 = tpu.vector_load %arg9[%get3A_174, %get3A_175] {strides = array<i32>} : memref<16x1536xf32, #tpu.memory_space<vmem>>, vector<16xf32>,
          %add3A_177 = arith.constant 10 : i32
          %add3A_178 = vector.broadcast %add3A_177 : i32 to vector<16xi32>
          %add3A_179 = arith.addi %mul3A_3, %add3A_178 : vector<16xi32>
          %scatter3A_180 = tpu.memref_slice %arg12[%mul3A_72] : memref<24576xf32, #tpu.memory_space<vmem>> -> memref<256xf32, #tpu.memory_space<vmem>>
          tpu.vector_store_idx %scatter3A_180[%add3A_179], %get3A_176 : memref<256xf32, #tpu.memory_space<vmem>>[vector<16xi32>], vector<16xf32>,
          %mul3A_181 = arith.constant 16 : i32
          %mul3A_182 = arith.muli %scan3A_70, %mul3A_181 : i32
          %get3A_183 = arith.constant 11 : i32
          %get3A_184 = arith.index_cast %get3A_183 : i32 to index
          %get3A_185 = arith.index_cast %mul3A_182 : i32 to index
          %get3A_186 = tpu.vector_load %arg9[%get3A_184, %get3A_185] {strides = array<i32>} : memref<16x1536xf32, #tpu.memory_space<vmem>>, vector<16xf32>,
          %add3A_187 = arith.constant 11 : i32
          %add3A_188 = vector.broadcast %add3A_187 : i32 to vector<16xi32>
          %add3A_189 = arith.addi %mul3A_3, %add3A_188 : vector<16xi32>
          %scatter3A_190 = tpu.memref_slice %arg12[%mul3A_72] : memref<24576xf32, #tpu.memory_space<vmem>> -> memref<256xf32, #tpu.memory_space<vmem>>
          tpu.vector_store_idx %scatter3A_190[%add3A_189], %get3A_186 : memref<256xf32, #tpu.memory_space<vmem>>[vector<16xi32>], vector<16xf32>,
          %mul3A_191 = arith.constant 16 : i32
          %mul3A_192 = arith.muli %scan3A_70, %mul3A_191 : i32
          %get3A_193 = arith.constant 12 : i32
          %get3A_194 = arith.index_cast %get3A_193 : i32 to index
          %get3A_195 = arith.index_cast %mul3A_192 : i32 to index
          %get3A_196 = tpu.vector_load %arg9[%get3A_194, %get3A_195] {strides = array<i32>} : memref<16x1536xf32, #tpu.memory_space<vmem>>, vector<16xf32>,
          %add3A_197 = arith.constant 12 : i32
          %add3A_198 = vector.broadcast %add3A_197 : i32 to vector<16xi32>
          %add3A_199 = arith.addi %mul3A_3, %add3A_198 : vector<16xi32>
          %scatter3A_200 = tpu.memref_slice %arg12[%mul3A_72] : memref<24576xf32, #tpu.memory_space<vmem>> -> memref<256xf32, #tpu.memory_space<vmem>>
          tpu.vector_store_idx %scatter3A_200[%add3A_199], %get3A_196 : memref<256xf32, #tpu.memory_space<vmem>>[vector<16xi32>], vector<16xf32>,
          %mul3A_201 = arith.constant 16 : i32
          %mul3A_202 = arith.muli %scan3A_70, %mul3A_201 : i32
          %get3A_203 = arith.constant 13 : i32
          %get3A_204 = arith.index_cast %get3A_203 : i32 to index
          %get3A_205 = arith.index_cast %mul3A_202 : i32 to index
          %get3A_206 = tpu.vector_load %arg9[%get3A_204, %get3A_205] {strides = array<i32>} : memref<16x1536xf32, #tpu.memory_space<vmem>>, vector<16xf32>,
          %add3A_207 = arith.constant 13 : i32
          %add3A_208 = vector.broadcast %add3A_207 : i32 to vector<16xi32>
          %add3A_209 = arith.addi %mul3A_3, %add3A_208 : vector<16xi32>
          %scatter3A_210 = tpu.memref_slice %arg12[%mul3A_72] : memref<24576xf32, #tpu.memory_space<vmem>> -> memref<256xf32, #tpu.memory_space<vmem>>
          tpu.vector_store_idx %scatter3A_210[%add3A_209], %get3A_206 : memref<256xf32, #tpu.memory_space<vmem>>[vector<16xi32>], vector<16xf32>,
          %mul3A_211 = arith.constant 16 : i32
          %mul3A_212 = arith.muli %scan3A_70, %mul3A_211 : i32
          %get3A_213 = arith.constant 14 : i32
          %get3A_214 = arith.index_cast %get3A_213 : i32 to index
          %get3A_215 = arith.index_cast %mul3A_212 : i32 to index
          %get3A_216 = tpu.vector_load %arg9[%get3A_214, %get3A_215] {strides = array<i32>} : memref<16x1536xf32, #tpu.memory_space<vmem>>, vector<16xf32>,
          %add3A_217 = arith.constant 14 : i32
          %add3A_218 = vector.broadcast %add3A_217 : i32 to vector<16xi32>
          %add3A_219 = arith.addi %mul3A_3, %add3A_218 : vector<16xi32>
          %scatter3A_220 = tpu.memref_slice %arg12[%mul3A_72] : memref<24576xf32, #tpu.memory_space<vmem>> -> memref<256xf32, #tpu.memory_space<vmem>>
          tpu.vector_store_idx %scatter3A_220[%add3A_219], %get3A_216 : memref<256xf32, #tpu.memory_space<vmem>>[vector<16xi32>], vector<16xf32>,
          %mul3A_221 = arith.constant 16 : i32
          %mul3A_222 = arith.muli %scan3A_70, %mul3A_221 : i32
          %get3A_223 = arith.constant 15 : i32
          %get3A_224 = arith.index_cast %get3A_223 : i32 to index
          %get3A_225 = arith.index_cast %mul3A_222 : i32 to index
          %get3A_226 = tpu.vector_load %arg9[%get3A_224, %get3A_225] {strides = array<i32>} : memref<16x1536xf32, #tpu.memory_space<vmem>>, vector<16xf32>,
          %add3A_227 = arith.constant 15 : i32
          %add3A_228 = vector.broadcast %add3A_227 : i32 to vector<16xi32>
          %add3A_229 = arith.addi %mul3A_3, %add3A_228 : vector<16xi32>
          %scatter3A_230 = tpu.memref_slice %arg12[%mul3A_72] : memref<24576xf32, #tpu.memory_space<vmem>> -> memref<256xf32, #tpu.memory_space<vmem>>
          tpu.vector_store_idx %scatter3A_230[%add3A_229], %get3A_226 : memref<256xf32, #tpu.memory_space<vmem>>[vector<16xi32>], vector<16xf32>,
        }
        %scan3A_65 = arith.constant 96 : i32
        %mul3A_66 = arith.constant 16 : i32
        %mul3A_67 = arith.muli %mul3A_32, %mul3A_66 : i32
        %dma_start3A_68 = tpu.memref_slice %arg7[%mul3A_67] : memref<16000000xf32, #tpu.memory_space<hbm>> -> memref<24576xf32, #tpu.memory_space<hbm>>
        %dma_start3A_69 = tpu.memref_slice %arg7[%mul3A_67] : memref<16000000xf32, #tpu.memory_space<hbm>> -> memref<24576xf32, #tpu.memory_space<hbm>>
        tpu.enqueue_dma source(%arg12 : memref<24576xf32, #tpu.memory_space<vmem>>) target(%dma_start3A_69 : memref<24576xf32, #tpu.memory_space<hbm>>) target_semaphore(%arg16 : memref<!tpu.dma_semaphore, #tpu.memory_space<semaphore_mem>>)
      } else {
      }
    }
    %scan3A_8 = arith.constant 21 : i32
    %dma_wait3A = arith.constant 0 : i32
    %dma_wait3A_9 = tpu.memref_slice %arg6[%dma_wait3A] : memref<1000000xf32, #tpu.memory_space<hbm>> -> memref<1536xf32, #tpu.memory_space<hbm>>
    %dma_wait3A_10 = arith.constant 0 : i32
    %dma_wait3A_11 = tpu.memref_slice %arg6[%dma_wait3A_10] : memref<1000000xf32, #tpu.memory_space<hbm>> -> memref<1536xf32, #tpu.memory_space<hbm>>
    tpu.wait_dma2 semaphore(%arg15 : memref<!tpu.dma_semaphore, #tpu.memory_space<semaphore_mem>>) src(%arg11 : memref<1536xf32, #tpu.memory_space<vmem>>) dst(%dma_wait3A_11 : memref<1536xf32, #tpu.memory_space<hbm>>)
    %dma_wait3A_12 = arith.constant 0 : i32
    %dma_wait3A_13 = tpu.memref_slice %arg7[%dma_wait3A_12] : memref<16000000xf32, #tpu.memory_space<hbm>> -> memref<24576xf32, #tpu.memory_space<hbm>>
    %dma_wait3A_14 = arith.constant 0 : i32
    %dma_wait3A_15 = tpu.memref_slice %arg7[%dma_wait3A_14] : memref<16000000xf32, #tpu.memory_space<hbm>> -> memref<24576xf32, #tpu.memory_space<hbm>>
    tpu.wait_dma2 semaphore(%arg16 : memref<!tpu.dma_semaphore, #tpu.memory_space<semaphore_mem>>) src(%arg12 : memref<24576xf32, #tpu.memory_space<vmem>>) dst(%dma_wait3A_15 : memref<24576xf32, #tpu.memory_space<hbm>>)
    %eq3A = arith.constant 2 : i32
    %eq3A_16 = arith.cmpi eq, %add3A, %eq3A : i32
    %convert_element_type3A = arith.extui %eq3A_16 : i1 to i32
    %cond3A = arith.constant 0 : i32
    %cond3A_17 = arith.cmpi ne, %convert_element_type3A, %cond3A : i32
    scf.if %cond3A_17 {
      "tpu.region"() ({
        %run_scoped3A = tpu.sem_alloc : memref<!tpu.dma_semaphore, #tpu.memory_space<semaphore_mem>>
        %dma_start3A = arith.constant 0 : i32
        %dma_start3A_525 = tpu.memref_slice %arg10[%dma_start3A] : memref<1536xf32, #tpu.memory_space<vmem>> -> memref<1024xf32, #tpu.memory_space<vmem>>
        %dma_start3A_526 = arith.constant 0 : i32
        %dma_start3A_527 = tpu.memref_slice %arg10[%dma_start3A_526] : memref<1536xf32, #tpu.memory_space<vmem>> -> memref<1024xf32, #tpu.memory_space<vmem>>
        tpu.enqueue_dma source(%arg4 : memref<1024xf32, #tpu.memory_space<hbm>>) target(%dma_start3A_527 : memref<1024xf32, #tpu.memory_space<vmem>>) target_semaphore(%run_scoped3A : memref<!tpu.dma_semaphore, #tpu.memory_space<semaphore_mem>>)
        %dma_wait3A_528 = arith.constant 0 : i32
        %dma_wait3A_529 = tpu.memref_slice %arg10[%dma_wait3A_528] : memref<1536xf32, #tpu.memory_space<vmem>> -> memref<1024xf32, #tpu.memory_space<vmem>>
        %dma_wait3A_530 = arith.constant 0 : i32
        %dma_wait3A_531 = tpu.memref_slice %arg10[%dma_wait3A_530] : memref<1536xf32, #tpu.memory_space<vmem>> -> memref<1024xf32, #tpu.memory_space<vmem>>
        tpu.wait_dma2 semaphore(%run_scoped3A : memref<!tpu.dma_semaphore, #tpu.memory_space<semaphore_mem>>) src(%arg4 : memref<1024xf32, #tpu.memory_space<hbm>>) dst(%dma_wait3A_531 : memref<1024xf32, #tpu.memory_space<vmem>>)
        tpu.yield
      }) : () -> ()
      %add3A_23 = arith.constant 0 : i32
      %add3A_24 = vector.broadcast %add3A_23 : i32 to vector<16xi32>
      %add3A_25 = arith.addi %add3A_24, %mul3A_3 : vector<16xi32>
      %gather3A = tpu.vector_load_idx %arg10[%add3A_25] : memref<1536xf32, #tpu.memory_space<vmem>>[vector<16xi32>], vector<16xf32>,
      %add3A_26 = arith.constant 0 : i32
      %add3A_27 = vector.broadcast %add3A_26 : i32 to vector<16xi32>
      %add3A_28 = arith.addi %add3A_27, %mul3A_3 : vector<16xi32>
      %add3A_29 = arith.constant 1 : i32
      %add3A_30 = vector.broadcast %add3A_29 : i32 to vector<16xi32>
      %add3A_31 = arith.addi %add3A_28, %add3A_30 : vector<16xi32>
      %gather3A_32 = tpu.vector_load_idx %arg10[%add3A_31] : memref<1536xf32, #tpu.memory_space<vmem>>[vector<16xi32>], vector<16xf32>,
      %add3A_33 = arith.addf %gather3A, %gather3A_32 : vector<16xf32>
      %add3A_34 = arith.constant 0 : i32
      %add3A_35 = vector.broadcast %add3A_34 : i32 to vector<16xi32>
      %add3A_36 = arith.addi %add3A_35, %mul3A_3 : vector<16xi32>
      %add3A_37 = arith.constant 2 : i32
      %add3A_38 = vector.broadcast %add3A_37 : i32 to vector<16xi32>
      %add3A_39 = arith.addi %add3A_36, %add3A_38 : vector<16xi32>
      %gather3A_40 = tpu.vector_load_idx %arg10[%add3A_39] : memref<1536xf32, #tpu.memory_space<vmem>>[vector<16xi32>], vector<16xf32>,
      %add3A_41 = arith.addf %add3A_33, %gather3A_40 : vector<16xf32>
      %add3A_42 = arith.constant 0 : i32
      %add3A_43 = vector.broadcast %add3A_42 : i32 to vector<16xi32>
      %add3A_44 = arith.addi %add3A_43, %mul3A_3 : vector<16xi32>
      %add3A_45 = arith.constant 3 : i32
      %add3A_46 = vector.broadcast %add3A_45 : i32 to vector<16xi32>
      %add3A_47 = arith.addi %add3A_44, %add3A_46 : vector<16xi32>
      %gather3A_48 = tpu.vector_load_idx %arg10[%add3A_47] : memref<1536xf32, #tpu.memory_space<vmem>>[vector<16xi32>], vector<16xf32>,
      %add3A_49 = arith.addf %add3A_41, %gather3A_48 : vector<16xf32>
      %add3A_50 = arith.constant 0 : i32
      %add3A_51 = vector.broadcast %add3A_50 : i32 to vector<16xi32>
      %add3A_52 = arith.addi %add3A_51, %mul3A_3 : vector<16xi32>
      %add3A_53 = arith.constant 4 : i32
      %add3A_54 = vector.broadcast %add3A_53 : i32 to vector<16xi32>
      %add3A_55 = arith.addi %add3A_52, %add3A_54 : vector<16xi32>
      %gather3A_56 = tpu.vector_load_idx %arg10[%add3A_55] : memref<1536xf32, #tpu.memory_space<vmem>>[vector<16xi32>], vector<16xf32>,
      %add3A_57 = arith.addf %add3A_49, %gather3A_56 : vector<16xf32>
      %add3A_58 = arith.constant 0 : i32
      %add3A_59 = vector.broadcast %add3A_58 : i32 to vector<16xi32>
      %add3A_60 = arith.addi %add3A_59, %mul3A_3 : vector<16xi32>
      %add3A_61 = arith.constant 5 : i32
      %add3A_62 = vector.broadcast %add3A_61 : i32 to vector<16xi32>
      %add3A_63 = arith.addi %add3A_60, %add3A_62 : vector<16xi32>
      %gather3A_64 = tpu.vector_load_idx %arg10[%add3A_63] : memref<1536xf32, #tpu.memory_space<vmem>>[vector<16xi32>], vector<16xf32>,
      %add3A_65 = arith.addf %add3A_57, %gather3A_64 : vector<16xf32>
      %add3A_66 = arith.constant 0 : i32
      %add3A_67 = vector.broadcast %add3A_66 : i32 to vector<16xi32>
      %add3A_68 = arith.addi %add3A_67, %mul3A_3 : vector<16xi32>
      %add3A_69 = arith.constant 6 : i32
      %add3A_70 = vector.broadcast %add3A_69 : i32 to vector<16xi32>
      %add3A_71 = arith.addi %add3A_68, %add3A_70 : vector<16xi32>
      %gather3A_72 = tpu.vector_load_idx %arg10[%add3A_71] : memref<1536xf32, #tpu.memory_space<vmem>>[vector<16xi32>], vector<16xf32>,
      %add3A_73 = arith.addf %add3A_65, %gather3A_72 : vector<16xf32>
      %add3A_74 = arith.constant 0 : i32
      %add3A_75 = vector.broadcast %add3A_74 : i32 to vector<16xi32>
      %add3A_76 = arith.addi %add3A_75, %mul3A_3 : vector<16xi32>
      %add3A_77 = arith.constant 7 : i32
      %add3A_78 = vector.broadcast %add3A_77 : i32 to vector<16xi32>
      %add3A_79 = arith.addi %add3A_76, %add3A_78 : vector<16xi32>
      %gather3A_80 = tpu.vector_load_idx %arg10[%add3A_79] : memref<1536xf32, #tpu.memory_space<vmem>>[vector<16xi32>], vector<16xf32>,
      %add3A_81 = arith.addf %add3A_73, %gather3A_80 : vector<16xf32>
      %add3A_82 = arith.constant 0 : i32
      %add3A_83 = vector.broadcast %add3A_82 : i32 to vector<16xi32>
      %add3A_84 = arith.addi %add3A_83, %mul3A_3 : vector<16xi32>
      %add3A_85 = arith.constant 8 : i32
      %add3A_86 = vector.broadcast %add3A_85 : i32 to vector<16xi32>
      %add3A_87 = arith.addi %add3A_84, %add3A_86 : vector<16xi32>
      %gather3A_88 = tpu.vector_load_idx %arg10[%add3A_87] : memref<1536xf32, #tpu.memory_space<vmem>>[vector<16xi32>], vector<16xf32>,
      %add3A_89 = arith.addf %add3A_81, %gather3A_88 : vector<16xf32>
      %add3A_90 = arith.constant 0 : i32
      %add3A_91 = vector.broadcast %add3A_90 : i32 to vector<16xi32>
      %add3A_92 = arith.addi %add3A_91, %mul3A_3 : vector<16xi32>
      %add3A_93 = arith.constant 9 : i32
      %add3A_94 = vector.broadcast %add3A_93 : i32 to vector<16xi32>
      %add3A_95 = arith.addi %add3A_92, %add3A_94 : vector<16xi32>
      %gather3A_96 = tpu.vector_load_idx %arg10[%add3A_95] : memref<1536xf32, #tpu.memory_space<vmem>>[vector<16xi32>], vector<16xf32>,
      %add3A_97 = arith.addf %add3A_89, %gather3A_96 : vector<16xf32>
      %add3A_98 = arith.constant 0 : i32
      %add3A_99 = vector.broadcast %add3A_98 : i32 to vector<16xi32>
      %add3A_100 = arith.addi %add3A_99, %mul3A_3 : vector<16xi32>
      %add3A_101 = arith.constant 10 : i32
      %add3A_102 = vector.broadcast %add3A_101 : i32 to vector<16xi32>
      %add3A_103 = arith.addi %add3A_100, %add3A_102 : vector<16xi32>
      %gather3A_104 = tpu.vector_load_idx %arg10[%add3A_103] : memref<1536xf32, #tpu.memory_space<vmem>>[vector<16xi32>], vector<16xf32>,
      %add3A_105 = arith.addf %add3A_97, %gather3A_104 : vector<16xf32>
      %add3A_106 = arith.constant 0 : i32
      %add3A_107 = vector.broadcast %add3A_106 : i32 to vector<16xi32>
      %add3A_108 = arith.addi %add3A_107, %mul3A_3 : vector<16xi32>
      %add3A_109 = arith.constant 11 : i32
      %add3A_110 = vector.broadcast %add3A_109 : i32 to vector<16xi32>
      %add3A_111 = arith.addi %add3A_108, %add3A_110 : vector<16xi32>
      %gather3A_112 = tpu.vector_load_idx %arg10[%add3A_111] : memref<1536xf32, #tpu.memory_space<vmem>>[vector<16xi32>], vector<16xf32>,
      %add3A_113 = arith.addf %add3A_105, %gather3A_112 : vector<16xf32>
      %add3A_114 = arith.constant 0 : i32
      %add3A_115 = vector.broadcast %add3A_114 : i32 to vector<16xi32>
      %add3A_116 = arith.addi %add3A_115, %mul3A_3 : vector<16xi32>
      %add3A_117 = arith.constant 12 : i32
      %add3A_118 = vector.broadcast %add3A_117 : i32 to vector<16xi32>
      %add3A_119 = arith.addi %add3A_116, %add3A_118 : vector<16xi32>
      %gather3A_120 = tpu.vector_load_idx %arg10[%add3A_119] : memref<1536xf32, #tpu.memory_space<vmem>>[vector<16xi32>], vector<16xf32>,
      %add3A_121 = arith.addf %add3A_113, %gather3A_120 : vector<16xf32>
      %add3A_122 = arith.constant 0 : i32
      %add3A_123 = vector.broadcast %add3A_122 : i32 to vector<16xi32>
      %add3A_124 = arith.addi %add3A_123, %mul3A_3 : vector<16xi32>
      %add3A_125 = arith.constant 13 : i32
      %add3A_126 = vector.broadcast %add3A_125 : i32 to vector<16xi32>
      %add3A_127 = arith.addi %add3A_124, %add3A_126 : vector<16xi32>
      %gather3A_128 = tpu.vector_load_idx %arg10[%add3A_127] : memref<1536xf32, #tpu.memory_space<vmem>>[vector<16xi32>], vector<16xf32>,
      %add3A_129 = arith.addf %add3A_121, %gather3A_128 : vector<16xf32>
      %add3A_130 = arith.constant 0 : i32
      %add3A_131 = vector.broadcast %add3A_130 : i32 to vector<16xi32>
      %add3A_132 = arith.addi %add3A_131, %mul3A_3 : vector<16xi32>
      %add3A_133 = arith.constant 14 : i32
      %add3A_134 = vector.broadcast %add3A_133 : i32 to vector<16xi32>
      %add3A_135 = arith.addi %add3A_132, %add3A_134 : vector<16xi32>
      %gather3A_136 = tpu.vector_load_idx %arg10[%add3A_135] : memref<1536xf32, #tpu.memory_space<vmem>>[vector<16xi32>], vector<16xf32>,
      %add3A_137 = arith.addf %add3A_129, %gather3A_136 : vector<16xf32>
      %add3A_138 = arith.constant 0 : i32
      %add3A_139 = vector.broadcast %add3A_138 : i32 to vector<16xi32>
      %add3A_140 = arith.addi %add3A_139, %mul3A_3 : vector<16xi32>
      %add3A_141 = arith.constant 15 : i32
      %add3A_142 = vector.broadcast %add3A_141 : i32 to vector<16xi32>
      %add3A_143 = arith.addi %add3A_140, %add3A_142 : vector<16xi32>
      %gather3A_144 = tpu.vector_load_idx %arg10[%add3A_143] : memref<1536xf32, #tpu.memory_space<vmem>>[vector<16xi32>], vector<16xf32>,
      %add3A_145 = arith.addf %add3A_137, %gather3A_144 : vector<16xf32>
      %swap3A = arith.constant 0 : index
      %swap3A_146 = tpu.vector_load %arg11[%swap3A] {strides = array<i32>} : memref<1536xf32, #tpu.memory_space<vmem>>, vector<16xf32>,
      tpu.vector_store %arg11[%swap3A], %add3A_145 {strides = array<i32>} : memref<1536xf32, #tpu.memory_space<vmem>>, vector<16xf32>,
      %add3A_147 = arith.constant 256 : i32
      %add3A_148 = vector.broadcast %add3A_147 : i32 to vector<16xi32>
      %add3A_149 = arith.addi %add3A_148, %mul3A_3 : vector<16xi32>
      %gather3A_150 = tpu.vector_load_idx %arg10[%add3A_149] : memref<1536xf32, #tpu.memory_space<vmem>>[vector<16xi32>], vector<16xf32>,
      %add3A_151 = arith.constant 256 : i32
      %add3A_152 = vector.broadcast %add3A_151 : i32 to vector<16xi32>
      %add3A_153 = arith.addi %add3A_152, %mul3A_3 : vector<16xi32>
      %add3A_154 = arith.constant 1 : i32
      %add3A_155 = vector.broadcast %add3A_154 : i32 to vector<16xi32>
      %add3A_156 = arith.addi %add3A_153, %add3A_155 : vector<16xi32>
      %gather3A_157 = tpu.vector_load_idx %arg10[%add3A_156] : memref<1536xf32, #tpu.memory_space<vmem>>[vector<16xi32>], vector<16xf32>,
      %add3A_158 = arith.addf %gather3A_150, %gather3A_157 : vector<16xf32>
      %add3A_159 = arith.constant 256 : i32
      %add3A_160 = vector.broadcast %add3A_159 : i32 to vector<16xi32>
      %add3A_161 = arith.addi %add3A_160, %mul3A_3 : vector<16xi32>
      %add3A_162 = arith.constant 2 : i32
      %add3A_163 = vector.broadcast %add3A_162 : i32 to vector<16xi32>
      %add3A_164 = arith.addi %add3A_161, %add3A_163 : vector<16xi32>
      %gather3A_165 = tpu.vector_load_idx %arg10[%add3A_164] : memref<1536xf32, #tpu.memory_space<vmem>>[vector<16xi32>], vector<16xf32>,
      %add3A_166 = arith.addf %add3A_158, %gather3A_165 : vector<16xf32>
      %add3A_167 = arith.constant 256 : i32
      %add3A_168 = vector.broadcast %add3A_167 : i32 to vector<16xi32>
      %add3A_169 = arith.addi %add3A_168, %mul3A_3 : vector<16xi32>
      %add3A_170 = arith.constant 3 : i32
      %add3A_171 = vector.broadcast %add3A_170 : i32 to vector<16xi32>
      %add3A_172 = arith.addi %add3A_169, %add3A_171 : vector<16xi32>
      %gather3A_173 = tpu.vector_load_idx %arg10[%add3A_172] : memref<1536xf32, #tpu.memory_space<vmem>>[vector<16xi32>], vector<16xf32>,
      %add3A_174 = arith.addf %add3A_166, %gather3A_173 : vector<16xf32>
      %add3A_175 = arith.constant 256 : i32
      %add3A_176 = vector.broadcast %add3A_175 : i32 to vector<16xi32>
      %add3A_177 = arith.addi %add3A_176, %mul3A_3 : vector<16xi32>
      %add3A_178 = arith.constant 4 : i32
      %add3A_179 = vector.broadcast %add3A_178 : i32 to vector<16xi32>
      %add3A_180 = arith.addi %add3A_177, %add3A_179 : vector<16xi32>
      %gather3A_181 = tpu.vector_load_idx %arg10[%add3A_180] : memref<1536xf32, #tpu.memory_space<vmem>>[vector<16xi32>], vector<16xf32>,
      %add3A_182 = arith.addf %add3A_174, %gather3A_181 : vector<16xf32>
      %add3A_183 = arith.constant 256 : i32
      %add3A_184 = vector.broadcast %add3A_183 : i32 to vector<16xi32>
      %add3A_185 = arith.addi %add3A_184, %mul3A_3 : vector<16xi32>
      %add3A_186 = arith.constant 5 : i32
      %add3A_187 = vector.broadcast %add3A_186 : i32 to vector<16xi32>
      %add3A_188 = arith.addi %add3A_185, %add3A_187 : vector<16xi32>
      %gather3A_189 = tpu.vector_load_idx %arg10[%add3A_188] : memref<1536xf32, #tpu.memory_space<vmem>>[vector<16xi32>], vector<16xf32>,
      %add3A_190 = arith.addf %add3A_182, %gather3A_189 : vector<16xf32>
      %add3A_191 = arith.constant 256 : i32
      %add3A_192 = vector.broadcast %add3A_191 : i32 to vector<16xi32>
      %add3A_193 = arith.addi %add3A_192, %mul3A_3 : vector<16xi32>
      %add3A_194 = arith.constant 6 : i32
      %add3A_195 = vector.broadcast %add3A_194 : i32 to vector<16xi32>
      %add3A_196 = arith.addi %add3A_193, %add3A_195 : vector<16xi32>
      %gather3A_197 = tpu.vector_load_idx %arg10[%add3A_196] : memref<1536xf32, #tpu.memory_space<vmem>>[vector<16xi32>], vector<16xf32>,
      %add3A_198 = arith.addf %add3A_190, %gather3A_197 : vector<16xf32>
      %add3A_199 = arith.constant 256 : i32
      %add3A_200 = vector.broadcast %add3A_199 : i32 to vector<16xi32>
      %add3A_201 = arith.addi %add3A_200, %mul3A_3 : vector<16xi32>
      %add3A_202 = arith.constant 7 : i32
      %add3A_203 = vector.broadcast %add3A_202 : i32 to vector<16xi32>
      %add3A_204 = arith.addi %add3A_201, %add3A_203 : vector<16xi32>
      %gather3A_205 = tpu.vector_load_idx %arg10[%add3A_204] : memref<1536xf32, #tpu.memory_space<vmem>>[vector<16xi32>], vector<16xf32>,
      %add3A_206 = arith.addf %add3A_198, %gather3A_205 : vector<16xf32>
      %add3A_207 = arith.constant 256 : i32
      %add3A_208 = vector.broadcast %add3A_207 : i32 to vector<16xi32>
      %add3A_209 = arith.addi %add3A_208, %mul3A_3 : vector<16xi32>
      %add3A_210 = arith.constant 8 : i32
      %add3A_211 = vector.broadcast %add3A_210 : i32 to vector<16xi32>
      %add3A_212 = arith.addi %add3A_209, %add3A_211 : vector<16xi32>
      %gather3A_213 = tpu.vector_load_idx %arg10[%add3A_212] : memref<1536xf32, #tpu.memory_space<vmem>>[vector<16xi32>], vector<16xf32>,
      %add3A_214 = arith.addf %add3A_206, %gather3A_213 : vector<16xf32>
      %add3A_215 = arith.constant 256 : i32
      %add3A_216 = vector.broadcast %add3A_215 : i32 to vector<16xi32>
      %add3A_217 = arith.addi %add3A_216, %mul3A_3 : vector<16xi32>
      %add3A_218 = arith.constant 9 : i32
      %add3A_219 = vector.broadcast %add3A_218 : i32 to vector<16xi32>
      %add3A_220 = arith.addi %add3A_217, %add3A_219 : vector<16xi32>
      %gather3A_221 = tpu.vector_load_idx %arg10[%add3A_220] : memref<1536xf32, #tpu.memory_space<vmem>>[vector<16xi32>], vector<16xf32>,
      %add3A_222 = arith.addf %add3A_214, %gather3A_221 : vector<16xf32>
      %add3A_223 = arith.constant 256 : i32
      %add3A_224 = vector.broadcast %add3A_223 : i32 to vector<16xi32>
      %add3A_225 = arith.addi %add3A_224, %mul3A_3 : vector<16xi32>
      %add3A_226 = arith.constant 10 : i32
      %add3A_227 = vector.broadcast %add3A_226 : i32 to vector<16xi32>
      %add3A_228 = arith.addi %add3A_225, %add3A_227 : vector<16xi32>
      %gather3A_229 = tpu.vector_load_idx %arg10[%add3A_228] : memref<1536xf32, #tpu.memory_space<vmem>>[vector<16xi32>], vector<16xf32>,
      %add3A_230 = arith.addf %add3A_222, %gather3A_229 : vector<16xf32>
      %add3A_231 = arith.constant 256 : i32
      %add3A_232 = vector.broadcast %add3A_231 : i32 to vector<16xi32>
      %add3A_233 = arith.addi %add3A_232, %mul3A_3 : vector<16xi32>
      %add3A_234 = arith.constant 11 : i32
      %add3A_235 = vector.broadcast %add3A_234 : i32 to vector<16xi32>
      %add3A_236 = arith.addi %add3A_233, %add3A_235 : vector<16xi32>
      %gather3A_237 = tpu.vector_load_idx %arg10[%add3A_236] : memref<1536xf32, #tpu.memory_space<vmem>>[vector<16xi32>], vector<16xf32>,
      %add3A_238 = arith.addf %add3A_230, %gather3A_237 : vector<16xf32>
      %add3A_239 = arith.constant 256 : i32
      %add3A_240 = vector.broadcast %add3A_239 : i32 to vector<16xi32>
      %add3A_241 = arith.addi %add3A_240, %mul3A_3 : vector<16xi32>
      %add3A_242 = arith.constant 12 : i32
      %add3A_243 = vector.broadcast %add3A_242 : i32 to vector<16xi32>
      %add3A_244 = arith.addi %add3A_241, %add3A_243 : vector<16xi32>
      %gather3A_245 = tpu.vector_load_idx %arg10[%add3A_244] : memref<1536xf32, #tpu.memory_space<vmem>>[vector<16xi32>], vector<16xf32>,
      %add3A_246 = arith.addf %add3A_238, %gather3A_245 : vector<16xf32>
      %add3A_247 = arith.constant 256 : i32
      %add3A_248 = vector.broadcast %add3A_247 : i32 to vector<16xi32>
      %add3A_249 = arith.addi %add3A_248, %mul3A_3 : vector<16xi32>
      %add3A_250 = arith.constant 13 : i32
      %add3A_251 = vector.broadcast %add3A_250 : i32 to vector<16xi32>
      %add3A_252 = arith.addi %add3A_249, %add3A_251 : vector<16xi32>
      %gather3A_253 = tpu.vector_load_idx %arg10[%add3A_252] : memref<1536xf32, #tpu.memory_space<vmem>>[vector<16xi32>], vector<16xf32>,
      %add3A_254 = arith.addf %add3A_246, %gather3A_253 : vector<16xf32>
      %add3A_255 = arith.constant 256 : i32
      %add3A_256 = vector.broadcast %add3A_255 : i32 to vector<16xi32>
      %add3A_257 = arith.addi %add3A_256, %mul3A_3 : vector<16xi32>
      %add3A_258 = arith.constant 14 : i32
      %add3A_259 = vector.broadcast %add3A_258 : i32 to vector<16xi32>
      %add3A_260 = arith.addi %add3A_257, %add3A_259 : vector<16xi32>
      %gather3A_261 = tpu.vector_load_idx %arg10[%add3A_260] : memref<1536xf32, #tpu.memory_space<vmem>>[vector<16xi32>], vector<16xf32>,
      %add3A_262 = arith.addf %add3A_254, %gather3A_261 : vector<16xf32>
      %add3A_263 = arith.constant 256 : i32
      %add3A_264 = vector.broadcast %add3A_263 : i32 to vector<16xi32>
      %add3A_265 = arith.addi %add3A_264, %mul3A_3 : vector<16xi32>
      %add3A_266 = arith.constant 15 : i32
      %add3A_267 = vector.broadcast %add3A_266 : i32 to vector<16xi32>
      %add3A_268 = arith.addi %add3A_265, %add3A_267 : vector<16xi32>
      %gather3A_269 = tpu.vector_load_idx %arg10[%add3A_268] : memref<1536xf32, #tpu.memory_space<vmem>>[vector<16xi32>], vector<16xf32>,
      %add3A_270 = arith.addf %add3A_262, %gather3A_269 : vector<16xf32>
      %swap3A_271 = arith.constant 16 : index
      %swap3A_272 = tpu.vector_load %arg11[%swap3A_271] {strides = array<i32>} : memref<1536xf32, #tpu.memory_space<vmem>>, vector<16xf32>,
      tpu.vector_store %arg11[%swap3A_271], %add3A_270 {strides = array<i32>} : memref<1536xf32, #tpu.memory_space<vmem>>, vector<16xf32>,
      %add3A_273 = arith.constant 512 : i32
      %add3A_274 = vector.broadcast %add3A_273 : i32 to vector<16xi32>
      %add3A_275 = arith.addi %add3A_274, %mul3A_3 : vector<16xi32>
      %gather3A_276 = tpu.vector_load_idx %arg10[%add3A_275] : memref<1536xf32, #tpu.memory_space<vmem>>[vector<16xi32>], vector<16xf32>,
      %add3A_277 = arith.constant 512 : i32
      %add3A_278 = vector.broadcast %add3A_277 : i32 to vector<16xi32>
      %add3A_279 = arith.addi %add3A_278, %mul3A_3 : vector<16xi32>
      %add3A_280 = arith.constant 1 : i32
      %add3A_281 = vector.broadcast %add3A_280 : i32 to vector<16xi32>
      %add3A_282 = arith.addi %add3A_279, %add3A_281 : vector<16xi32>
      %gather3A_283 = tpu.vector_load_idx %arg10[%add3A_282] : memref<1536xf32, #tpu.memory_space<vmem>>[vector<16xi32>], vector<16xf32>,
      %add3A_284 = arith.addf %gather3A_276, %gather3A_283 : vector<16xf32>
      %add3A_285 = arith.constant 512 : i32
      %add3A_286 = vector.broadcast %add3A_285 : i32 to vector<16xi32>
      %add3A_287 = arith.addi %add3A_286, %mul3A_3 : vector<16xi32>
      %add3A_288 = arith.constant 2 : i32
      %add3A_289 = vector.broadcast %add3A_288 : i32 to vector<16xi32>
      %add3A_290 = arith.addi %add3A_287, %add3A_289 : vector<16xi32>
      %gather3A_291 = tpu.vector_load_idx %arg10[%add3A_290] : memref<1536xf32, #tpu.memory_space<vmem>>[vector<16xi32>], vector<16xf32>,
      %add3A_292 = arith.addf %add3A_284, %gather3A_291 : vector<16xf32>
      %add3A_293 = arith.constant 512 : i32
      %add3A_294 = vector.broadcast %add3A_293 : i32 to vector<16xi32>
      %add3A_295 = arith.addi %add3A_294, %mul3A_3 : vector<16xi32>
      %add3A_296 = arith.constant 3 : i32
      %add3A_297 = vector.broadcast %add3A_296 : i32 to vector<16xi32>
      %add3A_298 = arith.addi %add3A_295, %add3A_297 : vector<16xi32>
      %gather3A_299 = tpu.vector_load_idx %arg10[%add3A_298] : memref<1536xf32, #tpu.memory_space<vmem>>[vector<16xi32>], vector<16xf32>,
      %add3A_300 = arith.addf %add3A_292, %gather3A_299 : vector<16xf32>
      %add3A_301 = arith.constant 512 : i32
      %add3A_302 = vector.broadcast %add3A_301 : i32 to vector<16xi32>
      %add3A_303 = arith.addi %add3A_302, %mul3A_3 : vector<16xi32>
      %add3A_304 = arith.constant 4 : i32
      %add3A_305 = vector.broadcast %add3A_304 : i32 to vector<16xi32>
      %add3A_306 = arith.addi %add3A_303, %add3A_305 : vector<16xi32>
      %gather3A_307 = tpu.vector_load_idx %arg10[%add3A_306] : memref<1536xf32, #tpu.memory_space<vmem>>[vector<16xi32>], vector<16xf32>,
      %add3A_308 = arith.addf %add3A_300, %gather3A_307 : vector<16xf32>
      %add3A_309 = arith.constant 512 : i32
      %add3A_310 = vector.broadcast %add3A_309 : i32 to vector<16xi32>
      %add3A_311 = arith.addi %add3A_310, %mul3A_3 : vector<16xi32>
      %add3A_312 = arith.constant 5 : i32
      %add3A_313 = vector.broadcast %add3A_312 : i32 to vector<16xi32>
      %add3A_314 = arith.addi %add3A_311, %add3A_313 : vector<16xi32>
      %gather3A_315 = tpu.vector_load_idx %arg10[%add3A_314] : memref<1536xf32, #tpu.memory_space<vmem>>[vector<16xi32>], vector<16xf32>,
      %add3A_316 = arith.addf %add3A_308, %gather3A_315 : vector<16xf32>
      %add3A_317 = arith.constant 512 : i32
      %add3A_318 = vector.broadcast %add3A_317 : i32 to vector<16xi32>
      %add3A_319 = arith.addi %add3A_318, %mul3A_3 : vector<16xi32>
      %add3A_320 = arith.constant 6 : i32
      %add3A_321 = vector.broadcast %add3A_320 : i32 to vector<16xi32>
      %add3A_322 = arith.addi %add3A_319, %add3A_321 : vector<16xi32>
      %gather3A_323 = tpu.vector_load_idx %arg10[%add3A_322] : memref<1536xf32, #tpu.memory_space<vmem>>[vector<16xi32>], vector<16xf32>,
      %add3A_324 = arith.addf %add3A_316, %gather3A_323 : vector<16xf32>
      %add3A_325 = arith.constant 512 : i32
      %add3A_326 = vector.broadcast %add3A_325 : i32 to vector<16xi32>
      %add3A_327 = arith.addi %add3A_326, %mul3A_3 : vector<16xi32>
      %add3A_328 = arith.constant 7 : i32
      %add3A_329 = vector.broadcast %add3A_328 : i32 to vector<16xi32>
      %add3A_330 = arith.addi %add3A_327, %add3A_329 : vector<16xi32>
      %gather3A_331 = tpu.vector_load_idx %arg10[%add3A_330] : memref<1536xf32, #tpu.memory_space<vmem>>[vector<16xi32>], vector<16xf32>,
      %add3A_332 = arith.addf %add3A_324, %gather3A_331 : vector<16xf32>
      %add3A_333 = arith.constant 512 : i32
      %add3A_334 = vector.broadcast %add3A_333 : i32 to vector<16xi32>
      %add3A_335 = arith.addi %add3A_334, %mul3A_3 : vector<16xi32>
      %add3A_336 = arith.constant 8 : i32
      %add3A_337 = vector.broadcast %add3A_336 : i32 to vector<16xi32>
      %add3A_338 = arith.addi %add3A_335, %add3A_337 : vector<16xi32>
      %gather3A_339 = tpu.vector_load_idx %arg10[%add3A_338] : memref<1536xf32, #tpu.memory_space<vmem>>[vector<16xi32>], vector<16xf32>,
      %add3A_340 = arith.addf %add3A_332, %gather3A_339 : vector<16xf32>
      %add3A_341 = arith.constant 512 : i32
      %add3A_342 = vector.broadcast %add3A_341 : i32 to vector<16xi32>
      %add3A_343 = arith.addi %add3A_342, %mul3A_3 : vector<16xi32>
      %add3A_344 = arith.constant 9 : i32
      %add3A_345 = vector.broadcast %add3A_344 : i32 to vector<16xi32>
      %add3A_346 = arith.addi %add3A_343, %add3A_345 : vector<16xi32>
      %gather3A_347 = tpu.vector_load_idx %arg10[%add3A_346] : memref<1536xf32, #tpu.memory_space<vmem>>[vector<16xi32>], vector<16xf32>,
      %add3A_348 = arith.addf %add3A_340, %gather3A_347 : vector<16xf32>
      %add3A_349 = arith.constant 512 : i32
      %add3A_350 = vector.broadcast %add3A_349 : i32 to vector<16xi32>
      %add3A_351 = arith.addi %add3A_350, %mul3A_3 : vector<16xi32>
      %add3A_352 = arith.constant 10 : i32
      %add3A_353 = vector.broadcast %add3A_352 : i32 to vector<16xi32>
      %add3A_354 = arith.addi %add3A_351, %add3A_353 : vector<16xi32>
      %gather3A_355 = tpu.vector_load_idx %arg10[%add3A_354] : memref<1536xf32, #tpu.memory_space<vmem>>[vector<16xi32>], vector<16xf32>,
      %add3A_356 = arith.addf %add3A_348, %gather3A_355 : vector<16xf32>
      %add3A_357 = arith.constant 512 : i32
      %add3A_358 = vector.broadcast %add3A_357 : i32 to vector<16xi32>
      %add3A_359 = arith.addi %add3A_358, %mul3A_3 : vector<16xi32>
      %add3A_360 = arith.constant 11 : i32
      %add3A_361 = vector.broadcast %add3A_360 : i32 to vector<16xi32>
      %add3A_362 = arith.addi %add3A_359, %add3A_361 : vector<16xi32>
      %gather3A_363 = tpu.vector_load_idx %arg10[%add3A_362] : memref<1536xf32, #tpu.memory_space<vmem>>[vector<16xi32>], vector<16xf32>,
      %add3A_364 = arith.addf %add3A_356, %gather3A_363 : vector<16xf32>
      %add3A_365 = arith.constant 512 : i32
      %add3A_366 = vector.broadcast %add3A_365 : i32 to vector<16xi32>
      %add3A_367 = arith.addi %add3A_366, %mul3A_3 : vector<16xi32>
      %add3A_368 = arith.constant 12 : i32
      %add3A_369 = vector.broadcast %add3A_368 : i32 to vector<16xi32>
      %add3A_370 = arith.addi %add3A_367, %add3A_369 : vector<16xi32>
      %gather3A_371 = tpu.vector_load_idx %arg10[%add3A_370] : memref<1536xf32, #tpu.memory_space<vmem>>[vector<16xi32>], vector<16xf32>,
      %add3A_372 = arith.addf %add3A_364, %gather3A_371 : vector<16xf32>
      %add3A_373 = arith.constant 512 : i32
      %add3A_374 = vector.broadcast %add3A_373 : i32 to vector<16xi32>
      %add3A_375 = arith.addi %add3A_374, %mul3A_3 : vector<16xi32>
      %add3A_376 = arith.constant 13 : i32
      %add3A_377 = vector.broadcast %add3A_376 : i32 to vector<16xi32>
      %add3A_378 = arith.addi %add3A_375, %add3A_377 : vector<16xi32>
      %gather3A_379 = tpu.vector_load_idx %arg10[%add3A_378] : memref<1536xf32, #tpu.memory_space<vmem>>[vector<16xi32>], vector<16xf32>,
      %add3A_380 = arith.addf %add3A_372, %gather3A_379 : vector<16xf32>
      %add3A_381 = arith.constant 512 : i32
      %add3A_382 = vector.broadcast %add3A_381 : i32 to vector<16xi32>
      %add3A_383 = arith.addi %add3A_382, %mul3A_3 : vector<16xi32>
      %add3A_384 = arith.constant 14 : i32
      %add3A_385 = vector.broadcast %add3A_384 : i32 to vector<16xi32>
      %add3A_386 = arith.addi %add3A_383, %add3A_385 : vector<16xi32>
      %gather3A_387 = tpu.vector_load_idx %arg10[%add3A_386] : memref<1536xf32, #tpu.memory_space<vmem>>[vector<16xi32>], vector<16xf32>,
      %add3A_388 = arith.addf %add3A_380, %gather3A_387 : vector<16xf32>
      %add3A_389 = arith.constant 512 : i32
      %add3A_390 = vector.broadcast %add3A_389 : i32 to vector<16xi32>
      %add3A_391 = arith.addi %add3A_390, %mul3A_3 : vector<16xi32>
      %add3A_392 = arith.constant 15 : i32
      %add3A_393 = vector.broadcast %add3A_392 : i32 to vector<16xi32>
      %add3A_394 = arith.addi %add3A_391, %add3A_393 : vector<16xi32>
      %gather3A_395 = tpu.vector_load_idx %arg10[%add3A_394] : memref<1536xf32, #tpu.memory_space<vmem>>[vector<16xi32>], vector<16xf32>,
      %add3A_396 = arith.addf %add3A_388, %gather3A_395 : vector<16xf32>
      %swap3A_397 = arith.constant 32 : index
      %swap3A_398 = tpu.vector_load %arg11[%swap3A_397] {strides = array<i32>} : memref<1536xf32, #tpu.memory_space<vmem>>, vector<16xf32>,
      tpu.vector_store %arg11[%swap3A_397], %add3A_396 {strides = array<i32>} : memref<1536xf32, #tpu.memory_space<vmem>>, vector<16xf32>,
      %add3A_399 = arith.constant 768 : i32
      %add3A_400 = vector.broadcast %add3A_399 : i32 to vector<16xi32>
      %add3A_401 = arith.addi %add3A_400, %mul3A_3 : vector<16xi32>
      %gather3A_402 = tpu.vector_load_idx %arg10[%add3A_401] : memref<1536xf32, #tpu.memory_space<vmem>>[vector<16xi32>], vector<16xf32>,
      %add3A_403 = arith.constant 768 : i32
      %add3A_404 = vector.broadcast %add3A_403 : i32 to vector<16xi32>
      %add3A_405 = arith.addi %add3A_404, %mul3A_3 : vector<16xi32>
      %add3A_406 = arith.constant 1 : i32
      %add3A_407 = vector.broadcast %add3A_406 : i32 to vector<16xi32>
      %add3A_408 = arith.addi %add3A_405, %add3A_407 : vector<16xi32>
      %gather3A_409 = tpu.vector_load_idx %arg10[%add3A_408] : memref<1536xf32, #tpu.memory_space<vmem>>[vector<16xi32>], vector<16xf32>,
      %add3A_410 = arith.addf %gather3A_402, %gather3A_409 : vector<16xf32>
      %add3A_411 = arith.constant 768 : i32
      %add3A_412 = vector.broadcast %add3A_411 : i32 to vector<16xi32>
      %add3A_413 = arith.addi %add3A_412, %mul3A_3 : vector<16xi32>
      %add3A_414 = arith.constant 2 : i32
      %add3A_415 = vector.broadcast %add3A_414 : i32 to vector<16xi32>
      %add3A_416 = arith.addi %add3A_413, %add3A_415 : vector<16xi32>
      %gather3A_417 = tpu.vector_load_idx %arg10[%add3A_416] : memref<1536xf32, #tpu.memory_space<vmem>>[vector<16xi32>], vector<16xf32>,
      %add3A_418 = arith.addf %add3A_410, %gather3A_417 : vector<16xf32>
      %add3A_419 = arith.constant 768 : i32
      %add3A_420 = vector.broadcast %add3A_419 : i32 to vector<16xi32>
      %add3A_421 = arith.addi %add3A_420, %mul3A_3 : vector<16xi32>
      %add3A_422 = arith.constant 3 : i32
      %add3A_423 = vector.broadcast %add3A_422 : i32 to vector<16xi32>
      %add3A_424 = arith.addi %add3A_421, %add3A_423 : vector<16xi32>
      %gather3A_425 = tpu.vector_load_idx %arg10[%add3A_424] : memref<1536xf32, #tpu.memory_space<vmem>>[vector<16xi32>], vector<16xf32>,
      %add3A_426 = arith.addf %add3A_418, %gather3A_425 : vector<16xf32>
      %add3A_427 = arith.constant 768 : i32
      %add3A_428 = vector.broadcast %add3A_427 : i32 to vector<16xi32>
      %add3A_429 = arith.addi %add3A_428, %mul3A_3 : vector<16xi32>
      %add3A_430 = arith.constant 4 : i32
      %add3A_431 = vector.broadcast %add3A_430 : i32 to vector<16xi32>
      %add3A_432 = arith.addi %add3A_429, %add3A_431 : vector<16xi32>
      %gather3A_433 = tpu.vector_load_idx %arg10[%add3A_432] : memref<1536xf32, #tpu.memory_space<vmem>>[vector<16xi32>], vector<16xf32>,
      %add3A_434 = arith.addf %add3A_426, %gather3A_433 : vector<16xf32>
      %add3A_435 = arith.constant 768 : i32
      %add3A_436 = vector.broadcast %add3A_435 : i32 to vector<16xi32>
      %add3A_437 = arith.addi %add3A_436, %mul3A_3 : vector<16xi32>
      %add3A_438 = arith.constant 5 : i32
      %add3A_439 = vector.broadcast %add3A_438 : i32 to vector<16xi32>
      %add3A_440 = arith.addi %add3A_437, %add3A_439 : vector<16xi32>
      %gather3A_441 = tpu.vector_load_idx %arg10[%add3A_440] : memref<1536xf32, #tpu.memory_space<vmem>>[vector<16xi32>], vector<16xf32>,
      %add3A_442 = arith.addf %add3A_434, %gather3A_441 : vector<16xf32>
      %add3A_443 = arith.constant 768 : i32
      %add3A_444 = vector.broadcast %add3A_443 : i32 to vector<16xi32>
      %add3A_445 = arith.addi %add3A_444, %mul3A_3 : vector<16xi32>
      %add3A_446 = arith.constant 6 : i32
      %add3A_447 = vector.broadcast %add3A_446 : i32 to vector<16xi32>
      %add3A_448 = arith.addi %add3A_445, %add3A_447 : vector<16xi32>
      %gather3A_449 = tpu.vector_load_idx %arg10[%add3A_448] : memref<1536xf32, #tpu.memory_space<vmem>>[vector<16xi32>], vector<16xf32>,
      %add3A_450 = arith.addf %add3A_442, %gather3A_449 : vector<16xf32>
      %add3A_451 = arith.constant 768 : i32
      %add3A_452 = vector.broadcast %add3A_451 : i32 to vector<16xi32>
      %add3A_453 = arith.addi %add3A_452, %mul3A_3 : vector<16xi32>
      %add3A_454 = arith.constant 7 : i32
      %add3A_455 = vector.broadcast %add3A_454 : i32 to vector<16xi32>
      %add3A_456 = arith.addi %add3A_453, %add3A_455 : vector<16xi32>
      %gather3A_457 = tpu.vector_load_idx %arg10[%add3A_456] : memref<1536xf32, #tpu.memory_space<vmem>>[vector<16xi32>], vector<16xf32>,
      %add3A_458 = arith.addf %add3A_450, %gather3A_457 : vector<16xf32>
      %add3A_459 = arith.constant 768 : i32
      %add3A_460 = vector.broadcast %add3A_459 : i32 to vector<16xi32>
      %add3A_461 = arith.addi %add3A_460, %mul3A_3 : vector<16xi32>
      %add3A_462 = arith.constant 8 : i32
      %add3A_463 = vector.broadcast %add3A_462 : i32 to vector<16xi32>
      %add3A_464 = arith.addi %add3A_461, %add3A_463 : vector<16xi32>
      %gather3A_465 = tpu.vector_load_idx %arg10[%add3A_464] : memref<1536xf32, #tpu.memory_space<vmem>>[vector<16xi32>], vector<16xf32>,
      %add3A_466 = arith.addf %add3A_458, %gather3A_465 : vector<16xf32>
      %add3A_467 = arith.constant 768 : i32
      %add3A_468 = vector.broadcast %add3A_467 : i32 to vector<16xi32>
      %add3A_469 = arith.addi %add3A_468, %mul3A_3 : vector<16xi32>
      %add3A_470 = arith.constant 9 : i32
      %add3A_471 = vector.broadcast %add3A_470 : i32 to vector<16xi32>
      %add3A_472 = arith.addi %add3A_469, %add3A_471 : vector<16xi32>
      %gather3A_473 = tpu.vector_load_idx %arg10[%add3A_472] : memref<1536xf32, #tpu.memory_space<vmem>>[vector<16xi32>], vector<16xf32>,
      %add3A_474 = arith.addf %add3A_466, %gather3A_473 : vector<16xf32>
      %add3A_475 = arith.constant 768 : i32
      %add3A_476 = vector.broadcast %add3A_475 : i32 to vector<16xi32>
      %add3A_477 = arith.addi %add3A_476, %mul3A_3 : vector<16xi32>
      %add3A_478 = arith.constant 10 : i32
      %add3A_479 = vector.broadcast %add3A_478 : i32 to vector<16xi32>
      %add3A_480 = arith.addi %add3A_477, %add3A_479 : vector<16xi32>
      %gather3A_481 = tpu.vector_load_idx %arg10[%add3A_480] : memref<1536xf32, #tpu.memory_space<vmem>>[vector<16xi32>], vector<16xf32>,
      %add3A_482 = arith.addf %add3A_474, %gather3A_481 : vector<16xf32>
      %add3A_483 = arith.constant 768 : i32
      %add3A_484 = vector.broadcast %add3A_483 : i32 to vector<16xi32>
      %add3A_485 = arith.addi %add3A_484, %mul3A_3 : vector<16xi32>
      %add3A_486 = arith.constant 11 : i32
      %add3A_487 = vector.broadcast %add3A_486 : i32 to vector<16xi32>
      %add3A_488 = arith.addi %add3A_485, %add3A_487 : vector<16xi32>
      %gather3A_489 = tpu.vector_load_idx %arg10[%add3A_488] : memref<1536xf32, #tpu.memory_space<vmem>>[vector<16xi32>], vector<16xf32>,
      %add3A_490 = arith.addf %add3A_482, %gather3A_489 : vector<16xf32>
      %add3A_491 = arith.constant 768 : i32
      %add3A_492 = vector.broadcast %add3A_491 : i32 to vector<16xi32>
      %add3A_493 = arith.addi %add3A_492, %mul3A_3 : vector<16xi32>
      %add3A_494 = arith.constant 12 : i32
      %add3A_495 = vector.broadcast %add3A_494 : i32 to vector<16xi32>
      %add3A_496 = arith.addi %add3A_493, %add3A_495 : vector<16xi32>
      %gather3A_497 = tpu.vector_load_idx %arg10[%add3A_496] : memref<1536xf32, #tpu.memory_space<vmem>>[vector<16xi32>], vector<16xf32>,
      %add3A_498 = arith.addf %add3A_490, %gather3A_497 : vector<16xf32>
      %add3A_499 = arith.constant 768 : i32
      %add3A_500 = vector.broadcast %add3A_499 : i32 to vector<16xi32>
      %add3A_501 = arith.addi %add3A_500, %mul3A_3 : vector<16xi32>
      %add3A_502 = arith.constant 13 : i32
      %add3A_503 = vector.broadcast %add3A_502 : i32 to vector<16xi32>
      %add3A_504 = arith.addi %add3A_501, %add3A_503 : vector<16xi32>
      %gather3A_505 = tpu.vector_load_idx %arg10[%add3A_504] : memref<1536xf32, #tpu.memory_space<vmem>>[vector<16xi32>], vector<16xf32>,
      %add3A_506 = arith.addf %add3A_498, %gather3A_505 : vector<16xf32>
      %add3A_507 = arith.constant 768 : i32
      %add3A_508 = vector.broadcast %add3A_507 : i32 to vector<16xi32>
      %add3A_509 = arith.addi %add3A_508, %mul3A_3 : vector<16xi32>
      %add3A_510 = arith.constant 14 : i32
      %add3A_511 = vector.broadcast %add3A_510 : i32 to vector<16xi32>
      %add3A_512 = arith.addi %add3A_509, %add3A_511 : vector<16xi32>
      %gather3A_513 = tpu.vector_load_idx %arg10[%add3A_512] : memref<1536xf32, #tpu.memory_space<vmem>>[vector<16xi32>], vector<16xf32>,
      %add3A_514 = arith.addf %add3A_506, %gather3A_513 : vector<16xf32>
      %add3A_515 = arith.constant 768 : i32
      %add3A_516 = vector.broadcast %add3A_515 : i32 to vector<16xi32>
      %add3A_517 = arith.addi %add3A_516, %mul3A_3 : vector<16xi32>
      %add3A_518 = arith.constant 15 : i32
      %add3A_519 = vector.broadcast %add3A_518 : i32 to vector<16xi32>
      %add3A_520 = arith.addi %add3A_517, %add3A_519 : vector<16xi32>
      %gather3A_521 = tpu.vector_load_idx %arg10[%add3A_520] : memref<1536xf32, #tpu.memory_space<vmem>>[vector<16xi32>], vector<16xf32>,
      %add3A_522 = arith.addf %add3A_514, %gather3A_521 : vector<16xf32>
      %swap3A_523 = arith.constant 48 : index
      %swap3A_524 = tpu.vector_load %arg11[%swap3A_523] {strides = array<i32>} : memref<1536xf32, #tpu.memory_space<vmem>>, vector<16xf32>,
      tpu.vector_store %arg11[%swap3A_523], %add3A_522 {strides = array<i32>} : memref<1536xf32, #tpu.memory_space<vmem>>, vector<16xf32>,
      "tpu.region"() ({
        %run_scoped3A = tpu.sem_alloc : memref<!tpu.dma_semaphore, #tpu.memory_space<semaphore_mem>>
        %dma_start3A = arith.constant 0 : i32
        %dma_start3A_525 = tpu.memref_slice %arg11[%dma_start3A] : memref<1536xf32, #tpu.memory_space<vmem>> -> memref<64xf32, #tpu.memory_space<vmem>>
        %dma_start3A_526 = arith.constant 999936 : i32
        %dma_start3A_527 = tpu.memref_slice %arg6[%dma_start3A_526] : memref<1000000xf32, #tpu.memory_space<hbm>> -> memref<64xf32, #tpu.memory_space<hbm>>
        %dma_start3A_528 = arith.constant 999936 : i32
        %dma_start3A_529 = tpu.memref_slice %arg6[%dma_start3A_528] : memref<1000000xf32, #tpu.memory_space<hbm>> -> memref<64xf32, #tpu.memory_space<hbm>>
        %dma_start3A_530 = arith.constant 0 : i32
        %dma_start3A_531 = tpu.memref_slice %arg11[%dma_start3A_530] : memref<1536xf32, #tpu.memory_space<vmem>> -> memref<64xf32, #tpu.memory_space<vmem>>
        tpu.enqueue_dma source(%dma_start3A_531 : memref<64xf32, #tpu.memory_space<vmem>>) target(%dma_start3A_529 : memref<64xf32, #tpu.memory_space<hbm>>) target_semaphore(%run_scoped3A : memref<!tpu.dma_semaphore, #tpu.memory_space<semaphore_mem>>)
        %dma_wait3A_532 = arith.constant 0 : i32
        %dma_wait3A_533 = tpu.memref_slice %arg11[%dma_wait3A_532] : memref<1536xf32, #tpu.memory_space<vmem>> -> memref<64xf32, #tpu.memory_space<vmem>>
        %dma_wait3A_534 = arith.constant 999936 : i32
        %dma_wait3A_535 = tpu.memref_slice %arg6[%dma_wait3A_534] : memref<1000000xf32, #tpu.memory_space<hbm>> -> memref<64xf32, #tpu.memory_space<hbm>>
        %dma_wait3A_536 = arith.constant 999936 : i32
        %dma_wait3A_537 = tpu.memref_slice %arg6[%dma_wait3A_536] : memref<1000000xf32, #tpu.memory_space<hbm>> -> memref<64xf32, #tpu.memory_space<hbm>>
        %dma_wait3A_538 = arith.constant 0 : i32
        %dma_wait3A_539 = tpu.memref_slice %arg11[%dma_wait3A_538] : memref<1536xf32, #tpu.memory_space<vmem>> -> memref<64xf32, #tpu.memory_space<vmem>>
        tpu.wait_dma2 semaphore(%run_scoped3A : memref<!tpu.dma_semaphore, #tpu.memory_space<semaphore_mem>>) src(%dma_wait3A_539 : memref<64xf32, #tpu.memory_space<vmem>>) dst(%dma_wait3A_537 : memref<64xf32, #tpu.memory_space<hbm>>)
        tpu.yield
      }) : () -> ()
    } else {
    }
    %eq3A_18 = arith.constant 3 : i32
    %eq3A_19 = arith.cmpi eq, %add3A, %eq3A_18 : i32
    %convert_element_type3A_20 = arith.extui %eq3A_19 : i1 to i32
    %cond3A_21 = arith.constant 0 : i32
    %cond3A_22 = arith.cmpi ne, %convert_element_type3A_20, %cond3A_21 : i32
    scf.if %cond3A_22 {
      "tpu.region"() ({
        %run_scoped3A = tpu.sem_alloc : memref<!tpu.dma_semaphore, #tpu.memory_space<semaphore_mem>>
        %dma_start3A = arith.constant 15998976 : i32
        %dma_start3A_23 = tpu.memref_slice %arg7[%dma_start3A] : memref<16000000xf32, #tpu.memory_space<hbm>> -> memref<1024xf32, #tpu.memory_space<hbm>>
        tpu.enqueue_dma source(%arg5 : memref<1024xf32, #tpu.memory_space<hbm>>) target(%dma_start3A_23 : memref<1024xf32, #tpu.memory_space<hbm>>) target_semaphore(%run_scoped3A : memref<!tpu.dma_semaphore, #tpu.memory_space<semaphore_mem>>)
        %dma_wait3A_24 = arith.constant 15998976 : i32
        %dma_wait3A_25 = tpu.memref_slice %arg7[%dma_wait3A_24] : memref<16000000xf32, #tpu.memory_space<hbm>> -> memref<1024xf32, #tpu.memory_space<hbm>>
        tpu.wait_dma2 semaphore(%run_scoped3A : memref<!tpu.dma_semaphore, #tpu.memory_space<semaphore_mem>>) src(%arg5 : memref<1024xf32, #tpu.memory_space<hbm>>) dst(%dma_wait3A_25 : memref<1024xf32, #tpu.memory_space<hbm>>)
        tpu.yield
      }) : () -> ()
    } else {
    }
    return
  }
}

#map = affine_map<(d0, d1) -> (0, 0)>
#map1 = affine_map<(d0, d1) -> (0)>
module attributes {stable_mosaic.version = 14 : i64} {
  func.func @_sc_gather_body(%arg0: i32, %arg1: i32, %arg2: memref<3328x128xi32, #tpu.memory_space<hbm>>, %arg3: memref<1000000xf32, #tpu.memory_space<hbm>>, %arg4: memref<1000000x16xf32, #tpu.memory_space<hbm>>, %arg5: memref<425984x16xf32, #tpu.memory_space<hbm>>, %arg6: memref<16384xf32, #tpu.memory_space<hbm>>, %arg7: memref<104x128xi32, #tpu.memory_space<vmem>>, %arg8: memref<1664x16xf32, #tpu.memory_space<vmem>>, %arg9: memref<1664xf32, #tpu.memory_space<vmem>>, %arg10: memref<64xf32, #tpu.memory_space<vmem>>, %arg11: memref<!tpu.dma_semaphore, #tpu.memory_space<semaphore_mem>>) attributes {dimension_semantics = [#tpu.dimension_semantics<core_parallel>, #tpu.dimension_semantics<subcore_parallel>], iteration_bounds = array<i64: 2, 16>, scalar_prefetch = 0 : i64, scratch_operands = 5 : i64, tpu.core_type = #tpu.core_type<sc_vector_subcore>, window_params = [{transform_indices = #map}, {transform_indices = #map1}, {transform_indices = #map}, {transform_indices = #map}, {transform_indices = #map1}]} {
    %mul3A = arith.constant 2 : i32
    %mul3A_0 = arith.muli %arg1, %mul3A : i32
    %add3A = arith.addi %mul3A_0, %arg0 : i32
    %iota3A = tpu.iota {dimensions = array<i32: 0>} : vector<16xi32>
    %mul3A_1 = arith.constant 26 : i32
    %mul3A_2 = vector.broadcast %mul3A_1 : i32 to vector<16xi32>
    %mul3A_3 = arith.muli %iota3A, %mul3A_2 : vector<16xi32>
    %mul3A_4 = arith.constant 104 : i32
    %mul3A_5 = arith.muli %add3A, %mul3A_4 : i32
    "tpu.region"() ({
      %run_scoped3A = tpu.sem_alloc : memref<!tpu.dma_semaphore, #tpu.memory_space<semaphore_mem>>
      %dma_start3A = arith.constant 0 : i32
      %dma_start3A_11 = tpu.memref_slice %arg2[%mul3A_5, %dma_start3A] : memref<3328x128xi32, #tpu.memory_space<hbm>> -> memref<104x128xi32, #tpu.memory_space<hbm>>
      %dma_start3A_12 = arith.constant 0 : i32
      %dma_start3A_13 = tpu.memref_slice %arg2[%mul3A_5, %dma_start3A_12] : memref<3328x128xi32, #tpu.memory_space<hbm>> -> memref<104x128xi32, #tpu.memory_space<hbm>>
      tpu.enqueue_dma source(%dma_start3A_13 : memref<104x128xi32, #tpu.memory_space<hbm>>) target(%arg7 : memref<104x128xi32, #tpu.memory_space<vmem>>) target_semaphore(%run_scoped3A : memref<!tpu.dma_semaphore, #tpu.memory_space<semaphore_mem>>)
      %dma_wait3A = arith.constant 0 : i32
      %dma_wait3A_14 = tpu.memref_slice %arg2[%mul3A_5, %dma_wait3A] : memref<3328x128xi32, #tpu.memory_space<hbm>> -> memref<104x128xi32, #tpu.memory_space<hbm>>
      %dma_wait3A_15 = arith.constant 0 : i32
      %dma_wait3A_16 = tpu.memref_slice %arg2[%mul3A_5, %dma_wait3A_15] : memref<3328x128xi32, #tpu.memory_space<hbm>> -> memref<104x128xi32, #tpu.memory_space<hbm>>
      tpu.wait_dma2 semaphore(%run_scoped3A : memref<!tpu.dma_semaphore, #tpu.memory_space<semaphore_mem>>) src(%dma_wait3A_16 : memref<104x128xi32, #tpu.memory_space<hbm>>) dst(%arg7 : memref<104x128xi32, #tpu.memory_space<vmem>>)
      tpu.yield
    }) : () -> ()
    %scan3A = arith.constant 0 : i32
    %scan3A_6 = arith.constant 0 : i32
    %scan3A_7 = arith.constant 8 : i32
    %scan3A_8 = arith.addi %scan3A_6, %scan3A_7 : i32
    %scan3A_9 = arith.constant 1 : i32
    scf.for %scan3A_11 = %scan3A_6 to %scan3A_8 step %scan3A_9  : i32 {
      %scan3A_12 = arith.constant 0 : i32
      %scan3A_13 = arith.constant 0 : i32
      %scan3A_14 = arith.constant 13 : i32
      %scan3A_15 = arith.addi %scan3A_13, %scan3A_14 : i32
      %scan3A_16 = arith.constant 1 : i32
      scf.for %scan3A_862 = %scan3A_13 to %scan3A_15 step %scan3A_16  : i32 {
        %mul3A_863 = arith.constant 13 : i32
        %mul3A_864 = arith.muli %scan3A_11, %mul3A_863 : i32
        %add3A_865 = arith.addi %mul3A_864, %scan3A_862 : i32
        %mul3A_866 = arith.constant 128 : i32
        %mul3A_867 = arith.muli %scan3A_862, %mul3A_866 : i32
        %dma_start3A = arith.constant 0 : i32
        %dma_start3A_868 = tpu.memref_slice %arg8[%mul3A_867, %dma_start3A] : memref<1664x16xf32, #tpu.memory_space<vmem>> -> memref<128x16xf32, #tpu.memory_space<vmem>>
        %dma_start3A_869 = arith.constant 0 : i32
        %dma_start3A_870 = tpu.memref_slice %arg7[%add3A_865, %dma_start3A_869] : memref<104x128xi32, #tpu.memory_space<vmem>> -> memref<1x128xi32, #tpu.memory_space<vmem>>
        %dma_start3A_871 = tpu.memref_squeeze %dma_start3A_870 : memref<1x128xi32, #tpu.memory_space<vmem>> -> memref<128xi32, #tpu.memory_space<vmem>>
        %dma_start3A_872 = arith.constant 0 : i32
        %dma_start3A_873 = arith.constant 0 : i32
        %dma_start3A_874 = tpu.memref_slice %arg4[%dma_start3A_872, %dma_start3A_873] : memref<1000000x16xf32, #tpu.memory_space<hbm>> -> memref<1000000x16xf32, #tpu.memory_space<hbm>>
        tpu.enqueue_indirect_dma source(%dma_start3A_874 : memref<1000000x16xf32, #tpu.memory_space<hbm>>) target(%dma_start3A_868 : memref<128x16xf32, #tpu.memory_space<vmem>>) offsets(%dma_start3A_871 : memref<128xi32, #tpu.memory_space<vmem>>) semaphore(%arg11 : memref<!tpu.dma_semaphore, #tpu.memory_space<semaphore_mem>>)
        %mul3A_875 = arith.constant 13 : i32
        %mul3A_876 = arith.muli %scan3A_11, %mul3A_875 : i32
        %add3A_877 = arith.addi %mul3A_876, %scan3A_862 : i32
        %mul3A_878 = arith.constant 128 : i32
        %mul3A_879 = arith.muli %scan3A_862, %mul3A_878 : i32
        %dma_start3A_880 = tpu.memref_slice %arg9[%mul3A_879] : memref<1664xf32, #tpu.memory_space<vmem>> -> memref<128xf32, #tpu.memory_space<vmem>>
        %dma_start3A_881 = arith.constant 0 : i32
        %dma_start3A_882 = tpu.memref_slice %arg7[%add3A_877, %dma_start3A_881] : memref<104x128xi32, #tpu.memory_space<vmem>> -> memref<1x128xi32, #tpu.memory_space<vmem>>
        %dma_start3A_883 = tpu.memref_squeeze %dma_start3A_882 : memref<1x128xi32, #tpu.memory_space<vmem>> -> memref<128xi32, #tpu.memory_space<vmem>>
        %dma_start3A_884 = arith.constant 0 : i32
        %dma_start3A_885 = tpu.memref_slice %arg3[%dma_start3A_884] : memref<1000000xf32, #tpu.memory_space<hbm>> -> memref<1000000xf32, #tpu.memory_space<hbm>>
        tpu.enqueue_indirect_dma source(%dma_start3A_885 : memref<1000000xf32, #tpu.memory_space<hbm>>) target(%dma_start3A_880 : memref<128xf32, #tpu.memory_space<vmem>>) offsets(%dma_start3A_883 : memref<128xi32, #tpu.memory_space<vmem>>) semaphore(%arg11 : memref<!tpu.dma_semaphore, #tpu.memory_space<semaphore_mem>>)
      }
      %scan3A_17 = arith.constant 13 : i32
      %scan3A_18 = arith.constant 0 : i32
      %scan3A_19 = arith.constant 0 : i32
      %scan3A_20 = arith.constant 13 : i32
      %scan3A_21 = arith.addi %scan3A_19, %scan3A_20 : i32
      %scan3A_22 = arith.constant 1 : i32
      scf.for %scan3A_862 = %scan3A_19 to %scan3A_21 step %scan3A_22  : i32 {
        %dma_wait3A = arith.constant 0 : i32
        %dma_wait3A_863 = arith.constant 0 : i32
        %dma_wait3A_864 = tpu.memref_slice %arg8[%dma_wait3A, %dma_wait3A_863] : memref<1664x16xf32, #tpu.memory_space<vmem>> -> memref<128x16xf32, #tpu.memory_space<vmem>>
        %dma_wait3A_865 = arith.constant 0 : i32
        %dma_wait3A_866 = arith.constant 0 : i32
        %dma_wait3A_867 = tpu.memref_slice %arg4[%dma_wait3A_865, %dma_wait3A_866] : memref<1000000x16xf32, #tpu.memory_space<hbm>> -> memref<128x16xf32, #tpu.memory_space<hbm>>
        %dma_wait3A_868 = arith.constant 0 : i32
        %dma_wait3A_869 = arith.constant 0 : i32
        %dma_wait3A_870 = tpu.memref_slice %arg8[%dma_wait3A_868, %dma_wait3A_869] : memref<1664x16xf32, #tpu.memory_space<vmem>> -> memref<128x16xf32, #tpu.memory_space<vmem>>
        %dma_wait3A_871 = arith.constant 0 : i32
        %dma_wait3A_872 = arith.constant 0 : i32
        %dma_wait3A_873 = tpu.memref_slice %arg4[%dma_wait3A_871, %dma_wait3A_872] : memref<1000000x16xf32, #tpu.memory_space<hbm>> -> memref<128x16xf32, #tpu.memory_space<hbm>>
        tpu.wait_dma2 semaphore(%arg11 : memref<!tpu.dma_semaphore, #tpu.memory_space<semaphore_mem>>) src(%dma_wait3A_873 : memref<128x16xf32, #tpu.memory_space<hbm>>) dst(%dma_wait3A_870 : memref<128x16xf32, #tpu.memory_space<vmem>>)
      }
      %scan3A_23 = arith.constant 13 : i32
      %scan3A_24 = arith.constant 0 : i32
      %scan3A_25 = arith.constant 0 : i32
      %scan3A_26 = arith.constant 13 : i32
      %scan3A_27 = arith.addi %scan3A_25, %scan3A_26 : i32
      %scan3A_28 = arith.constant 1 : i32
      scf.for %scan3A_862 = %scan3A_25 to %scan3A_27 step %scan3A_28  : i32 {
        %dma_wait3A = arith.constant 0 : i32
        %dma_wait3A_863 = tpu.memref_slice %arg9[%dma_wait3A] : memref<1664xf32, #tpu.memory_space<vmem>> -> memref<128xf32, #tpu.memory_space<vmem>>
        %dma_wait3A_864 = arith.constant 0 : i32
        %dma_wait3A_865 = tpu.memref_slice %arg3[%dma_wait3A_864] : memref<1000000xf32, #tpu.memory_space<hbm>> -> memref<128xf32, #tpu.memory_space<hbm>>
        %dma_wait3A_866 = arith.constant 0 : i32
        %dma_wait3A_867 = tpu.memref_slice %arg9[%dma_wait3A_866] : memref<1664xf32, #tpu.memory_space<vmem>> -> memref<128xf32, #tpu.memory_space<vmem>>
        %dma_wait3A_868 = arith.constant 0 : i32
        %dma_wait3A_869 = tpu.memref_slice %arg3[%dma_wait3A_868] : memref<1000000xf32, #tpu.memory_space<hbm>> -> memref<128xf32, #tpu.memory_space<hbm>>
        tpu.wait_dma2 semaphore(%arg11 : memref<!tpu.dma_semaphore, #tpu.memory_space<semaphore_mem>>) src(%dma_wait3A_869 : memref<128xf32, #tpu.memory_space<hbm>>) dst(%dma_wait3A_867 : memref<128xf32, #tpu.memory_space<vmem>>)
      }
      %scan3A_29 = arith.constant 13 : i32
      %mul3A_30 = arith.constant 13312 : i32
      %mul3A_31 = arith.muli %add3A, %mul3A_30 : i32
      %mul3A_32 = arith.constant 1664 : i32
      %mul3A_33 = arith.muli %scan3A_11, %mul3A_32 : i32
      %add3A_34 = arith.addi %mul3A_31, %mul3A_33 : i32
      "tpu.region"() ({
        %run_scoped3A = tpu.sem_alloc : memref<!tpu.dma_semaphore, #tpu.memory_space<semaphore_mem>>
        %dma_start3A = arith.constant 0 : i32
        %dma_start3A_862 = tpu.memref_slice %arg5[%add3A_34, %dma_start3A] : memref<425984x16xf32, #tpu.memory_space<hbm>> -> memref<1664x16xf32, #tpu.memory_space<hbm>>
        %dma_start3A_863 = arith.constant 0 : i32
        %dma_start3A_864 = tpu.memref_slice %arg5[%add3A_34, %dma_start3A_863] : memref<425984x16xf32, #tpu.memory_space<hbm>> -> memref<1664x16xf32, #tpu.memory_space<hbm>>
        tpu.enqueue_dma source(%arg8 : memref<1664x16xf32, #tpu.memory_space<vmem>>) target(%dma_start3A_864 : memref<1664x16xf32, #tpu.memory_space<hbm>>) target_semaphore(%run_scoped3A : memref<!tpu.dma_semaphore, #tpu.memory_space<semaphore_mem>>)
        %dma_wait3A = arith.constant 0 : i32
        %dma_wait3A_865 = tpu.memref_slice %arg5[%add3A_34, %dma_wait3A] : memref<425984x16xf32, #tpu.memory_space<hbm>> -> memref<1664x16xf32, #tpu.memory_space<hbm>>
        %dma_wait3A_866 = arith.constant 0 : i32
        %dma_wait3A_867 = tpu.memref_slice %arg5[%add3A_34, %dma_wait3A_866] : memref<425984x16xf32, #tpu.memory_space<hbm>> -> memref<1664x16xf32, #tpu.memory_space<hbm>>
        tpu.wait_dma2 semaphore(%run_scoped3A : memref<!tpu.dma_semaphore, #tpu.memory_space<semaphore_mem>>) src(%arg8 : memref<1664x16xf32, #tpu.memory_space<vmem>>) dst(%dma_wait3A_867 : memref<1664x16xf32, #tpu.memory_space<hbm>>)
        tpu.yield
      }) : () -> ()
      %add3A_35 = arith.constant 0 : i32
      %add3A_36 = vector.broadcast %add3A_35 : i32 to vector<16xi32>
      %add3A_37 = arith.addi %add3A_36, %mul3A_3 : vector<16xi32>
      %gather3A = tpu.vector_load_idx %arg9[%add3A_37] : memref<1664xf32, #tpu.memory_space<vmem>>[vector<16xi32>], vector<16xf32>,
      %add3A_38 = arith.constant 0 : i32
      %add3A_39 = vector.broadcast %add3A_38 : i32 to vector<16xi32>
      %add3A_40 = arith.addi %add3A_39, %mul3A_3 : vector<16xi32>
      %add3A_41 = arith.constant 1 : i32
      %add3A_42 = vector.broadcast %add3A_41 : i32 to vector<16xi32>
      %add3A_43 = arith.addi %add3A_40, %add3A_42 : vector<16xi32>
      %gather3A_44 = tpu.vector_load_idx %arg9[%add3A_43] : memref<1664xf32, #tpu.memory_space<vmem>>[vector<16xi32>], vector<16xf32>,
      %add3A_45 = arith.addf %gather3A, %gather3A_44 : vector<16xf32>
      %add3A_46 = arith.constant 0 : i32
      %add3A_47 = vector.broadcast %add3A_46 : i32 to vector<16xi32>
      %add3A_48 = arith.addi %add3A_47, %mul3A_3 : vector<16xi32>
      %add3A_49 = arith.constant 2 : i32
      %add3A_50 = vector.broadcast %add3A_49 : i32 to vector<16xi32>
      %add3A_51 = arith.addi %add3A_48, %add3A_50 : vector<16xi32>
      %gather3A_52 = tpu.vector_load_idx %arg9[%add3A_51] : memref<1664xf32, #tpu.memory_space<vmem>>[vector<16xi32>], vector<16xf32>,
      %add3A_53 = arith.addf %add3A_45, %gather3A_52 : vector<16xf32>
      %add3A_54 = arith.constant 0 : i32
      %add3A_55 = vector.broadcast %add3A_54 : i32 to vector<16xi32>
      %add3A_56 = arith.addi %add3A_55, %mul3A_3 : vector<16xi32>
      %add3A_57 = arith.constant 3 : i32
      %add3A_58 = vector.broadcast %add3A_57 : i32 to vector<16xi32>
      %add3A_59 = arith.addi %add3A_56, %add3A_58 : vector<16xi32>
      %gather3A_60 = tpu.vector_load_idx %arg9[%add3A_59] : memref<1664xf32, #tpu.memory_space<vmem>>[vector<16xi32>], vector<16xf32>,
      %add3A_61 = arith.addf %add3A_53, %gather3A_60 : vector<16xf32>
      %add3A_62 = arith.constant 0 : i32
      %add3A_63 = vector.broadcast %add3A_62 : i32 to vector<16xi32>
      %add3A_64 = arith.addi %add3A_63, %mul3A_3 : vector<16xi32>
      %add3A_65 = arith.constant 4 : i32
      %add3A_66 = vector.broadcast %add3A_65 : i32 to vector<16xi32>
      %add3A_67 = arith.addi %add3A_64, %add3A_66 : vector<16xi32>
      %gather3A_68 = tpu.vector_load_idx %arg9[%add3A_67] : memref<1664xf32, #tpu.memory_space<vmem>>[vector<16xi32>], vector<16xf32>,
      %add3A_69 = arith.addf %add3A_61, %gather3A_68 : vector<16xf32>
      %add3A_70 = arith.constant 0 : i32
      %add3A_71 = vector.broadcast %add3A_70 : i32 to vector<16xi32>
      %add3A_72 = arith.addi %add3A_71, %mul3A_3 : vector<16xi32>
      %add3A_73 = arith.constant 5 : i32
      %add3A_74 = vector.broadcast %add3A_73 : i32 to vector<16xi32>
      %add3A_75 = arith.addi %add3A_72, %add3A_74 : vector<16xi32>
      %gather3A_76 = tpu.vector_load_idx %arg9[%add3A_75] : memref<1664xf32, #tpu.memory_space<vmem>>[vector<16xi32>], vector<16xf32>,
      %add3A_77 = arith.addf %add3A_69, %gather3A_76 : vector<16xf32>
      %add3A_78 = arith.constant 0 : i32
      %add3A_79 = vector.broadcast %add3A_78 : i32 to vector<16xi32>
      %add3A_80 = arith.addi %add3A_79, %mul3A_3 : vector<16xi32>
      %add3A_81 = arith.constant 6 : i32
      %add3A_82 = vector.broadcast %add3A_81 : i32 to vector<16xi32>
      %add3A_83 = arith.addi %add3A_80, %add3A_82 : vector<16xi32>
      %gather3A_84 = tpu.vector_load_idx %arg9[%add3A_83] : memref<1664xf32, #tpu.memory_space<vmem>>[vector<16xi32>], vector<16xf32>,
      %add3A_85 = arith.addf %add3A_77, %gather3A_84 : vector<16xf32>
      %add3A_86 = arith.constant 0 : i32
      %add3A_87 = vector.broadcast %add3A_86 : i32 to vector<16xi32>
      %add3A_88 = arith.addi %add3A_87, %mul3A_3 : vector<16xi32>
      %add3A_89 = arith.constant 7 : i32
      %add3A_90 = vector.broadcast %add3A_89 : i32 to vector<16xi32>
      %add3A_91 = arith.addi %add3A_88, %add3A_90 : vector<16xi32>
      %gather3A_92 = tpu.vector_load_idx %arg9[%add3A_91] : memref<1664xf32, #tpu.memory_space<vmem>>[vector<16xi32>], vector<16xf32>,
      %add3A_93 = arith.addf %add3A_85, %gather3A_92 : vector<16xf32>
      %add3A_94 = arith.constant 0 : i32
      %add3A_95 = vector.broadcast %add3A_94 : i32 to vector<16xi32>
      %add3A_96 = arith.addi %add3A_95, %mul3A_3 : vector<16xi32>
      %add3A_97 = arith.constant 8 : i32
      %add3A_98 = vector.broadcast %add3A_97 : i32 to vector<16xi32>
      %add3A_99 = arith.addi %add3A_96, %add3A_98 : vector<16xi32>
      %gather3A_100 = tpu.vector_load_idx %arg9[%add3A_99] : memref<1664xf32, #tpu.memory_space<vmem>>[vector<16xi32>], vector<16xf32>,
      %add3A_101 = arith.addf %add3A_93, %gather3A_100 : vector<16xf32>
      %add3A_102 = arith.constant 0 : i32
      %add3A_103 = vector.broadcast %add3A_102 : i32 to vector<16xi32>
      %add3A_104 = arith.addi %add3A_103, %mul3A_3 : vector<16xi32>
      %add3A_105 = arith.constant 9 : i32
      %add3A_106 = vector.broadcast %add3A_105 : i32 to vector<16xi32>
      %add3A_107 = arith.addi %add3A_104, %add3A_106 : vector<16xi32>
      %gather3A_108 = tpu.vector_load_idx %arg9[%add3A_107] : memref<1664xf32, #tpu.memory_space<vmem>>[vector<16xi32>], vector<16xf32>,
      %add3A_109 = arith.addf %add3A_101, %gather3A_108 : vector<16xf32>
      %add3A_110 = arith.constant 0 : i32
      %add3A_111 = vector.broadcast %add3A_110 : i32 to vector<16xi32>
      %add3A_112 = arith.addi %add3A_111, %mul3A_3 : vector<16xi32>
      %add3A_113 = arith.constant 10 : i32
      %add3A_114 = vector.broadcast %add3A_113 : i32 to vector<16xi32>
      %add3A_115 = arith.addi %add3A_112, %add3A_114 : vector<16xi32>
      %gather3A_116 = tpu.vector_load_idx %arg9[%add3A_115] : memref<1664xf32, #tpu.memory_space<vmem>>[vector<16xi32>], vector<16xf32>,
      %add3A_117 = arith.addf %add3A_109, %gather3A_116 : vector<16xf32>
      %add3A_118 = arith.constant 0 : i32
      %add3A_119 = vector.broadcast %add3A_118 : i32 to vector<16xi32>
      %add3A_120 = arith.addi %add3A_119, %mul3A_3 : vector<16xi32>
      %add3A_121 = arith.constant 11 : i32
      %add3A_122 = vector.broadcast %add3A_121 : i32 to vector<16xi32>
      %add3A_123 = arith.addi %add3A_120, %add3A_122 : vector<16xi32>
      %gather3A_124 = tpu.vector_load_idx %arg9[%add3A_123] : memref<1664xf32, #tpu.memory_space<vmem>>[vector<16xi32>], vector<16xf32>,
      %add3A_125 = arith.addf %add3A_117, %gather3A_124 : vector<16xf32>
      %add3A_126 = arith.constant 0 : i32
      %add3A_127 = vector.broadcast %add3A_126 : i32 to vector<16xi32>
      %add3A_128 = arith.addi %add3A_127, %mul3A_3 : vector<16xi32>
      %add3A_129 = arith.constant 12 : i32
      %add3A_130 = vector.broadcast %add3A_129 : i32 to vector<16xi32>
      %add3A_131 = arith.addi %add3A_128, %add3A_130 : vector<16xi32>
      %gather3A_132 = tpu.vector_load_idx %arg9[%add3A_131] : memref<1664xf32, #tpu.memory_space<vmem>>[vector<16xi32>], vector<16xf32>,
      %add3A_133 = arith.addf %add3A_125, %gather3A_132 : vector<16xf32>
      %add3A_134 = arith.constant 0 : i32
      %add3A_135 = vector.broadcast %add3A_134 : i32 to vector<16xi32>
      %add3A_136 = arith.addi %add3A_135, %mul3A_3 : vector<16xi32>
      %add3A_137 = arith.constant 13 : i32
      %add3A_138 = vector.broadcast %add3A_137 : i32 to vector<16xi32>
      %add3A_139 = arith.addi %add3A_136, %add3A_138 : vector<16xi32>
      %gather3A_140 = tpu.vector_load_idx %arg9[%add3A_139] : memref<1664xf32, #tpu.memory_space<vmem>>[vector<16xi32>], vector<16xf32>,
      %add3A_141 = arith.addf %add3A_133, %gather3A_140 : vector<16xf32>
      %add3A_142 = arith.constant 0 : i32
      %add3A_143 = vector.broadcast %add3A_142 : i32 to vector<16xi32>
      %add3A_144 = arith.addi %add3A_143, %mul3A_3 : vector<16xi32>
      %add3A_145 = arith.constant 14 : i32
      %add3A_146 = vector.broadcast %add3A_145 : i32 to vector<16xi32>
      %add3A_147 = arith.addi %add3A_144, %add3A_146 : vector<16xi32>
      %gather3A_148 = tpu.vector_load_idx %arg9[%add3A_147] : memref<1664xf32, #tpu.memory_space<vmem>>[vector<16xi32>], vector<16xf32>,
      %add3A_149 = arith.addf %add3A_141, %gather3A_148 : vector<16xf32>
      %add3A_150 = arith.constant 0 : i32
      %add3A_151 = vector.broadcast %add3A_150 : i32 to vector<16xi32>
      %add3A_152 = arith.addi %add3A_151, %mul3A_3 : vector<16xi32>
      %add3A_153 = arith.constant 15 : i32
      %add3A_154 = vector.broadcast %add3A_153 : i32 to vector<16xi32>
      %add3A_155 = arith.addi %add3A_152, %add3A_154 : vector<16xi32>
      %gather3A_156 = tpu.vector_load_idx %arg9[%add3A_155] : memref<1664xf32, #tpu.memory_space<vmem>>[vector<16xi32>], vector<16xf32>,
      %add3A_157 = arith.addf %add3A_149, %gather3A_156 : vector<16xf32>
      %add3A_158 = arith.constant 0 : i32
      %add3A_159 = vector.broadcast %add3A_158 : i32 to vector<16xi32>
      %add3A_160 = arith.addi %add3A_159, %mul3A_3 : vector<16xi32>
      %add3A_161 = arith.constant 16 : i32
      %add3A_162 = vector.broadcast %add3A_161 : i32 to vector<16xi32>
      %add3A_163 = arith.addi %add3A_160, %add3A_162 : vector<16xi32>
      %gather3A_164 = tpu.vector_load_idx %arg9[%add3A_163] : memref<1664xf32, #tpu.memory_space<vmem>>[vector<16xi32>], vector<16xf32>,
      %add3A_165 = arith.addf %add3A_157, %gather3A_164 : vector<16xf32>
      %add3A_166 = arith.constant 0 : i32
      %add3A_167 = vector.broadcast %add3A_166 : i32 to vector<16xi32>
      %add3A_168 = arith.addi %add3A_167, %mul3A_3 : vector<16xi32>
      %add3A_169 = arith.constant 17 : i32
      %add3A_170 = vector.broadcast %add3A_169 : i32 to vector<16xi32>
      %add3A_171 = arith.addi %add3A_168, %add3A_170 : vector<16xi32>
      %gather3A_172 = tpu.vector_load_idx %arg9[%add3A_171] : memref<1664xf32, #tpu.memory_space<vmem>>[vector<16xi32>], vector<16xf32>,
      %add3A_173 = arith.addf %add3A_165, %gather3A_172 : vector<16xf32>
      %add3A_174 = arith.constant 0 : i32
      %add3A_175 = vector.broadcast %add3A_174 : i32 to vector<16xi32>
      %add3A_176 = arith.addi %add3A_175, %mul3A_3 : vector<16xi32>
      %add3A_177 = arith.constant 18 : i32
      %add3A_178 = vector.broadcast %add3A_177 : i32 to vector<16xi32>
      %add3A_179 = arith.addi %add3A_176, %add3A_178 : vector<16xi32>
      %gather3A_180 = tpu.vector_load_idx %arg9[%add3A_179] : memref<1664xf32, #tpu.memory_space<vmem>>[vector<16xi32>], vector<16xf32>,
      %add3A_181 = arith.addf %add3A_173, %gather3A_180 : vector<16xf32>
      %add3A_182 = arith.constant 0 : i32
      %add3A_183 = vector.broadcast %add3A_182 : i32 to vector<16xi32>
      %add3A_184 = arith.addi %add3A_183, %mul3A_3 : vector<16xi32>
      %add3A_185 = arith.constant 19 : i32
      %add3A_186 = vector.broadcast %add3A_185 : i32 to vector<16xi32>
      %add3A_187 = arith.addi %add3A_184, %add3A_186 : vector<16xi32>
      %gather3A_188 = tpu.vector_load_idx %arg9[%add3A_187] : memref<1664xf32, #tpu.memory_space<vmem>>[vector<16xi32>], vector<16xf32>,
      %add3A_189 = arith.addf %add3A_181, %gather3A_188 : vector<16xf32>
      %add3A_190 = arith.constant 0 : i32
      %add3A_191 = vector.broadcast %add3A_190 : i32 to vector<16xi32>
      %add3A_192 = arith.addi %add3A_191, %mul3A_3 : vector<16xi32>
      %add3A_193 = arith.constant 20 : i32
      %add3A_194 = vector.broadcast %add3A_193 : i32 to vector<16xi32>
      %add3A_195 = arith.addi %add3A_192, %add3A_194 : vector<16xi32>
      %gather3A_196 = tpu.vector_load_idx %arg9[%add3A_195] : memref<1664xf32, #tpu.memory_space<vmem>>[vector<16xi32>], vector<16xf32>,
      %add3A_197 = arith.addf %add3A_189, %gather3A_196 : vector<16xf32>
      %add3A_198 = arith.constant 0 : i32
      %add3A_199 = vector.broadcast %add3A_198 : i32 to vector<16xi32>
      %add3A_200 = arith.addi %add3A_199, %mul3A_3 : vector<16xi32>
      %add3A_201 = arith.constant 21 : i32
      %add3A_202 = vector.broadcast %add3A_201 : i32 to vector<16xi32>
      %add3A_203 = arith.addi %add3A_200, %add3A_202 : vector<16xi32>
      %gather3A_204 = tpu.vector_load_idx %arg9[%add3A_203] : memref<1664xf32, #tpu.memory_space<vmem>>[vector<16xi32>], vector<16xf32>,
      %add3A_205 = arith.addf %add3A_197, %gather3A_204 : vector<16xf32>
      %add3A_206 = arith.constant 0 : i32
      %add3A_207 = vector.broadcast %add3A_206 : i32 to vector<16xi32>
      %add3A_208 = arith.addi %add3A_207, %mul3A_3 : vector<16xi32>
      %add3A_209 = arith.constant 22 : i32
      %add3A_210 = vector.broadcast %add3A_209 : i32 to vector<16xi32>
      %add3A_211 = arith.addi %add3A_208, %add3A_210 : vector<16xi32>
      %gather3A_212 = tpu.vector_load_idx %arg9[%add3A_211] : memref<1664xf32, #tpu.memory_space<vmem>>[vector<16xi32>], vector<16xf32>,
      %add3A_213 = arith.addf %add3A_205, %gather3A_212 : vector<16xf32>
      %add3A_214 = arith.constant 0 : i32
      %add3A_215 = vector.broadcast %add3A_214 : i32 to vector<16xi32>
      %add3A_216 = arith.addi %add3A_215, %mul3A_3 : vector<16xi32>
      %add3A_217 = arith.constant 23 : i32
      %add3A_218 = vector.broadcast %add3A_217 : i32 to vector<16xi32>
      %add3A_219 = arith.addi %add3A_216, %add3A_218 : vector<16xi32>
      %gather3A_220 = tpu.vector_load_idx %arg9[%add3A_219] : memref<1664xf32, #tpu.memory_space<vmem>>[vector<16xi32>], vector<16xf32>,
      %add3A_221 = arith.addf %add3A_213, %gather3A_220 : vector<16xf32>
      %add3A_222 = arith.constant 0 : i32
      %add3A_223 = vector.broadcast %add3A_222 : i32 to vector<16xi32>
      %add3A_224 = arith.addi %add3A_223, %mul3A_3 : vector<16xi32>
      %add3A_225 = arith.constant 24 : i32
      %add3A_226 = vector.broadcast %add3A_225 : i32 to vector<16xi32>
      %add3A_227 = arith.addi %add3A_224, %add3A_226 : vector<16xi32>
      %gather3A_228 = tpu.vector_load_idx %arg9[%add3A_227] : memref<1664xf32, #tpu.memory_space<vmem>>[vector<16xi32>], vector<16xf32>,
      %add3A_229 = arith.addf %add3A_221, %gather3A_228 : vector<16xf32>
      %add3A_230 = arith.constant 0 : i32
      %add3A_231 = vector.broadcast %add3A_230 : i32 to vector<16xi32>
      %add3A_232 = arith.addi %add3A_231, %mul3A_3 : vector<16xi32>
      %add3A_233 = arith.constant 25 : i32
      %add3A_234 = vector.broadcast %add3A_233 : i32 to vector<16xi32>
      %add3A_235 = arith.addi %add3A_232, %add3A_234 : vector<16xi32>
      %gather3A_236 = tpu.vector_load_idx %arg9[%add3A_235] : memref<1664xf32, #tpu.memory_space<vmem>>[vector<16xi32>], vector<16xf32>,
      %add3A_237 = arith.addf %add3A_229, %gather3A_236 : vector<16xf32>
      %swap3A = arith.constant 0 : index
      %swap3A_238 = tpu.vector_load %arg10[%swap3A] {strides = array<i32>} : memref<64xf32, #tpu.memory_space<vmem>>, vector<16xf32>,
      tpu.vector_store %arg10[%swap3A], %add3A_237 {strides = array<i32>} : memref<64xf32, #tpu.memory_space<vmem>>, vector<16xf32>,
      %add3A_239 = arith.constant 416 : i32
      %add3A_240 = vector.broadcast %add3A_239 : i32 to vector<16xi32>
      %add3A_241 = arith.addi %add3A_240, %mul3A_3 : vector<16xi32>
      %gather3A_242 = tpu.vector_load_idx %arg9[%add3A_241] : memref<1664xf32, #tpu.memory_space<vmem>>[vector<16xi32>], vector<16xf32>,
      %add3A_243 = arith.constant 416 : i32
      %add3A_244 = vector.broadcast %add3A_243 : i32 to vector<16xi32>
      %add3A_245 = arith.addi %add3A_244, %mul3A_3 : vector<16xi32>
      %add3A_246 = arith.constant 1 : i32
      %add3A_247 = vector.broadcast %add3A_246 : i32 to vector<16xi32>
      %add3A_248 = arith.addi %add3A_245, %add3A_247 : vector<16xi32>
      %gather3A_249 = tpu.vector_load_idx %arg9[%add3A_248] : memref<1664xf32, #tpu.memory_space<vmem>>[vector<16xi32>], vector<16xf32>,
      %add3A_250 = arith.addf %gather3A_242, %gather3A_249 : vector<16xf32>
      %add3A_251 = arith.constant 416 : i32
      %add3A_252 = vector.broadcast %add3A_251 : i32 to vector<16xi32>
      %add3A_253 = arith.addi %add3A_252, %mul3A_3 : vector<16xi32>
      %add3A_254 = arith.constant 2 : i32
      %add3A_255 = vector.broadcast %add3A_254 : i32 to vector<16xi32>
      %add3A_256 = arith.addi %add3A_253, %add3A_255 : vector<16xi32>
      %gather3A_257 = tpu.vector_load_idx %arg9[%add3A_256] : memref<1664xf32, #tpu.memory_space<vmem>>[vector<16xi32>], vector<16xf32>,
      %add3A_258 = arith.addf %add3A_250, %gather3A_257 : vector<16xf32>
      %add3A_259 = arith.constant 416 : i32
      %add3A_260 = vector.broadcast %add3A_259 : i32 to vector<16xi32>
      %add3A_261 = arith.addi %add3A_260, %mul3A_3 : vector<16xi32>
      %add3A_262 = arith.constant 3 : i32
      %add3A_263 = vector.broadcast %add3A_262 : i32 to vector<16xi32>
      %add3A_264 = arith.addi %add3A_261, %add3A_263 : vector<16xi32>
      %gather3A_265 = tpu.vector_load_idx %arg9[%add3A_264] : memref<1664xf32, #tpu.memory_space<vmem>>[vector<16xi32>], vector<16xf32>,
      %add3A_266 = arith.addf %add3A_258, %gather3A_265 : vector<16xf32>
      %add3A_267 = arith.constant 416 : i32
      %add3A_268 = vector.broadcast %add3A_267 : i32 to vector<16xi32>
      %add3A_269 = arith.addi %add3A_268, %mul3A_3 : vector<16xi32>
      %add3A_270 = arith.constant 4 : i32
      %add3A_271 = vector.broadcast %add3A_270 : i32 to vector<16xi32>
      %add3A_272 = arith.addi %add3A_269, %add3A_271 : vector<16xi32>
      %gather3A_273 = tpu.vector_load_idx %arg9[%add3A_272] : memref<1664xf32, #tpu.memory_space<vmem>>[vector<16xi32>], vector<16xf32>,
      %add3A_274 = arith.addf %add3A_266, %gather3A_273 : vector<16xf32>
      %add3A_275 = arith.constant 416 : i32
      %add3A_276 = vector.broadcast %add3A_275 : i32 to vector<16xi32>
      %add3A_277 = arith.addi %add3A_276, %mul3A_3 : vector<16xi32>
      %add3A_278 = arith.constant 5 : i32
      %add3A_279 = vector.broadcast %add3A_278 : i32 to vector<16xi32>
      %add3A_280 = arith.addi %add3A_277, %add3A_279 : vector<16xi32>
      %gather3A_281 = tpu.vector_load_idx %arg9[%add3A_280] : memref<1664xf32, #tpu.memory_space<vmem>>[vector<16xi32>], vector<16xf32>,
      %add3A_282 = arith.addf %add3A_274, %gather3A_281 : vector<16xf32>
      %add3A_283 = arith.constant 416 : i32
      %add3A_284 = vector.broadcast %add3A_283 : i32 to vector<16xi32>
      %add3A_285 = arith.addi %add3A_284, %mul3A_3 : vector<16xi32>
      %add3A_286 = arith.constant 6 : i32
      %add3A_287 = vector.broadcast %add3A_286 : i32 to vector<16xi32>
      %add3A_288 = arith.addi %add3A_285, %add3A_287 : vector<16xi32>
      %gather3A_289 = tpu.vector_load_idx %arg9[%add3A_288] : memref<1664xf32, #tpu.memory_space<vmem>>[vector<16xi32>], vector<16xf32>,
      %add3A_290 = arith.addf %add3A_282, %gather3A_289 : vector<16xf32>
      %add3A_291 = arith.constant 416 : i32
      %add3A_292 = vector.broadcast %add3A_291 : i32 to vector<16xi32>
      %add3A_293 = arith.addi %add3A_292, %mul3A_3 : vector<16xi32>
      %add3A_294 = arith.constant 7 : i32
      %add3A_295 = vector.broadcast %add3A_294 : i32 to vector<16xi32>
      %add3A_296 = arith.addi %add3A_293, %add3A_295 : vector<16xi32>
      %gather3A_297 = tpu.vector_load_idx %arg9[%add3A_296] : memref<1664xf32, #tpu.memory_space<vmem>>[vector<16xi32>], vector<16xf32>,
      %add3A_298 = arith.addf %add3A_290, %gather3A_297 : vector<16xf32>
      %add3A_299 = arith.constant 416 : i32
      %add3A_300 = vector.broadcast %add3A_299 : i32 to vector<16xi32>
      %add3A_301 = arith.addi %add3A_300, %mul3A_3 : vector<16xi32>
      %add3A_302 = arith.constant 8 : i32
      %add3A_303 = vector.broadcast %add3A_302 : i32 to vector<16xi32>
      %add3A_304 = arith.addi %add3A_301, %add3A_303 : vector<16xi32>
      %gather3A_305 = tpu.vector_load_idx %arg9[%add3A_304] : memref<1664xf32, #tpu.memory_space<vmem>>[vector<16xi32>], vector<16xf32>,
      %add3A_306 = arith.addf %add3A_298, %gather3A_305 : vector<16xf32>
      %add3A_307 = arith.constant 416 : i32
      %add3A_308 = vector.broadcast %add3A_307 : i32 to vector<16xi32>
      %add3A_309 = arith.addi %add3A_308, %mul3A_3 : vector<16xi32>
      %add3A_310 = arith.constant 9 : i32
      %add3A_311 = vector.broadcast %add3A_310 : i32 to vector<16xi32>
      %add3A_312 = arith.addi %add3A_309, %add3A_311 : vector<16xi32>
      %gather3A_313 = tpu.vector_load_idx %arg9[%add3A_312] : memref<1664xf32, #tpu.memory_space<vmem>>[vector<16xi32>], vector<16xf32>,
      %add3A_314 = arith.addf %add3A_306, %gather3A_313 : vector<16xf32>
      %add3A_315 = arith.constant 416 : i32
      %add3A_316 = vector.broadcast %add3A_315 : i32 to vector<16xi32>
      %add3A_317 = arith.addi %add3A_316, %mul3A_3 : vector<16xi32>
      %add3A_318 = arith.constant 10 : i32
      %add3A_319 = vector.broadcast %add3A_318 : i32 to vector<16xi32>
      %add3A_320 = arith.addi %add3A_317, %add3A_319 : vector<16xi32>
      %gather3A_321 = tpu.vector_load_idx %arg9[%add3A_320] : memref<1664xf32, #tpu.memory_space<vmem>>[vector<16xi32>], vector<16xf32>,
      %add3A_322 = arith.addf %add3A_314, %gather3A_321 : vector<16xf32>
      %add3A_323 = arith.constant 416 : i32
      %add3A_324 = vector.broadcast %add3A_323 : i32 to vector<16xi32>
      %add3A_325 = arith.addi %add3A_324, %mul3A_3 : vector<16xi32>
      %add3A_326 = arith.constant 11 : i32
      %add3A_327 = vector.broadcast %add3A_326 : i32 to vector<16xi32>
      %add3A_328 = arith.addi %add3A_325, %add3A_327 : vector<16xi32>
      %gather3A_329 = tpu.vector_load_idx %arg9[%add3A_328] : memref<1664xf32, #tpu.memory_space<vmem>>[vector<16xi32>], vector<16xf32>,
      %add3A_330 = arith.addf %add3A_322, %gather3A_329 : vector<16xf32>
      %add3A_331 = arith.constant 416 : i32
      %add3A_332 = vector.broadcast %add3A_331 : i32 to vector<16xi32>
      %add3A_333 = arith.addi %add3A_332, %mul3A_3 : vector<16xi32>
      %add3A_334 = arith.constant 12 : i32
      %add3A_335 = vector.broadcast %add3A_334 : i32 to vector<16xi32>
      %add3A_336 = arith.addi %add3A_333, %add3A_335 : vector<16xi32>
      %gather3A_337 = tpu.vector_load_idx %arg9[%add3A_336] : memref<1664xf32, #tpu.memory_space<vmem>>[vector<16xi32>], vector<16xf32>,
      %add3A_338 = arith.addf %add3A_330, %gather3A_337 : vector<16xf32>
      %add3A_339 = arith.constant 416 : i32
      %add3A_340 = vector.broadcast %add3A_339 : i32 to vector<16xi32>
      %add3A_341 = arith.addi %add3A_340, %mul3A_3 : vector<16xi32>
      %add3A_342 = arith.constant 13 : i32
      %add3A_343 = vector.broadcast %add3A_342 : i32 to vector<16xi32>
      %add3A_344 = arith.addi %add3A_341, %add3A_343 : vector<16xi32>
      %gather3A_345 = tpu.vector_load_idx %arg9[%add3A_344] : memref<1664xf32, #tpu.memory_space<vmem>>[vector<16xi32>], vector<16xf32>,
      %add3A_346 = arith.addf %add3A_338, %gather3A_345 : vector<16xf32>
      %add3A_347 = arith.constant 416 : i32
      %add3A_348 = vector.broadcast %add3A_347 : i32 to vector<16xi32>
      %add3A_349 = arith.addi %add3A_348, %mul3A_3 : vector<16xi32>
      %add3A_350 = arith.constant 14 : i32
      %add3A_351 = vector.broadcast %add3A_350 : i32 to vector<16xi32>
      %add3A_352 = arith.addi %add3A_349, %add3A_351 : vector<16xi32>
      %gather3A_353 = tpu.vector_load_idx %arg9[%add3A_352] : memref<1664xf32, #tpu.memory_space<vmem>>[vector<16xi32>], vector<16xf32>,
      %add3A_354 = arith.addf %add3A_346, %gather3A_353 : vector<16xf32>
      %add3A_355 = arith.constant 416 : i32
      %add3A_356 = vector.broadcast %add3A_355 : i32 to vector<16xi32>
      %add3A_357 = arith.addi %add3A_356, %mul3A_3 : vector<16xi32>
      %add3A_358 = arith.constant 15 : i32
      %add3A_359 = vector.broadcast %add3A_358 : i32 to vector<16xi32>
      %add3A_360 = arith.addi %add3A_357, %add3A_359 : vector<16xi32>
      %gather3A_361 = tpu.vector_load_idx %arg9[%add3A_360] : memref<1664xf32, #tpu.memory_space<vmem>>[vector<16xi32>], vector<16xf32>,
      %add3A_362 = arith.addf %add3A_354, %gather3A_361 : vector<16xf32>
      %add3A_363 = arith.constant 416 : i32
      %add3A_364 = vector.broadcast %add3A_363 : i32 to vector<16xi32>
      %add3A_365 = arith.addi %add3A_364, %mul3A_3 : vector<16xi32>
      %add3A_366 = arith.constant 16 : i32
      %add3A_367 = vector.broadcast %add3A_366 : i32 to vector<16xi32>
      %add3A_368 = arith.addi %add3A_365, %add3A_367 : vector<16xi32>
      %gather3A_369 = tpu.vector_load_idx %arg9[%add3A_368] : memref<1664xf32, #tpu.memory_space<vmem>>[vector<16xi32>], vector<16xf32>,
      %add3A_370 = arith.addf %add3A_362, %gather3A_369 : vector<16xf32>
      %add3A_371 = arith.constant 416 : i32
      %add3A_372 = vector.broadcast %add3A_371 : i32 to vector<16xi32>
      %add3A_373 = arith.addi %add3A_372, %mul3A_3 : vector<16xi32>
      %add3A_374 = arith.constant 17 : i32
      %add3A_375 = vector.broadcast %add3A_374 : i32 to vector<16xi32>
      %add3A_376 = arith.addi %add3A_373, %add3A_375 : vector<16xi32>
      %gather3A_377 = tpu.vector_load_idx %arg9[%add3A_376] : memref<1664xf32, #tpu.memory_space<vmem>>[vector<16xi32>], vector<16xf32>,
      %add3A_378 = arith.addf %add3A_370, %gather3A_377 : vector<16xf32>
      %add3A_379 = arith.constant 416 : i32
      %add3A_380 = vector.broadcast %add3A_379 : i32 to vector<16xi32>
      %add3A_381 = arith.addi %add3A_380, %mul3A_3 : vector<16xi32>
      %add3A_382 = arith.constant 18 : i32
      %add3A_383 = vector.broadcast %add3A_382 : i32 to vector<16xi32>
      %add3A_384 = arith.addi %add3A_381, %add3A_383 : vector<16xi32>
      %gather3A_385 = tpu.vector_load_idx %arg9[%add3A_384] : memref<1664xf32, #tpu.memory_space<vmem>>[vector<16xi32>], vector<16xf32>,
      %add3A_386 = arith.addf %add3A_378, %gather3A_385 : vector<16xf32>
      %add3A_387 = arith.constant 416 : i32
      %add3A_388 = vector.broadcast %add3A_387 : i32 to vector<16xi32>
      %add3A_389 = arith.addi %add3A_388, %mul3A_3 : vector<16xi32>
      %add3A_390 = arith.constant 19 : i32
      %add3A_391 = vector.broadcast %add3A_390 : i32 to vector<16xi32>
      %add3A_392 = arith.addi %add3A_389, %add3A_391 : vector<16xi32>
      %gather3A_393 = tpu.vector_load_idx %arg9[%add3A_392] : memref<1664xf32, #tpu.memory_space<vmem>>[vector<16xi32>], vector<16xf32>,
      %add3A_394 = arith.addf %add3A_386, %gather3A_393 : vector<16xf32>
      %add3A_395 = arith.constant 416 : i32
      %add3A_396 = vector.broadcast %add3A_395 : i32 to vector<16xi32>
      %add3A_397 = arith.addi %add3A_396, %mul3A_3 : vector<16xi32>
      %add3A_398 = arith.constant 20 : i32
      %add3A_399 = vector.broadcast %add3A_398 : i32 to vector<16xi32>
      %add3A_400 = arith.addi %add3A_397, %add3A_399 : vector<16xi32>
      %gather3A_401 = tpu.vector_load_idx %arg9[%add3A_400] : memref<1664xf32, #tpu.memory_space<vmem>>[vector<16xi32>], vector<16xf32>,
      %add3A_402 = arith.addf %add3A_394, %gather3A_401 : vector<16xf32>
      %add3A_403 = arith.constant 416 : i32
      %add3A_404 = vector.broadcast %add3A_403 : i32 to vector<16xi32>
      %add3A_405 = arith.addi %add3A_404, %mul3A_3 : vector<16xi32>
      %add3A_406 = arith.constant 21 : i32
      %add3A_407 = vector.broadcast %add3A_406 : i32 to vector<16xi32>
      %add3A_408 = arith.addi %add3A_405, %add3A_407 : vector<16xi32>
      %gather3A_409 = tpu.vector_load_idx %arg9[%add3A_408] : memref<1664xf32, #tpu.memory_space<vmem>>[vector<16xi32>], vector<16xf32>,
      %add3A_410 = arith.addf %add3A_402, %gather3A_409 : vector<16xf32>
      %add3A_411 = arith.constant 416 : i32
      %add3A_412 = vector.broadcast %add3A_411 : i32 to vector<16xi32>
      %add3A_413 = arith.addi %add3A_412, %mul3A_3 : vector<16xi32>
      %add3A_414 = arith.constant 22 : i32
      %add3A_415 = vector.broadcast %add3A_414 : i32 to vector<16xi32>
      %add3A_416 = arith.addi %add3A_413, %add3A_415 : vector<16xi32>
      %gather3A_417 = tpu.vector_load_idx %arg9[%add3A_416] : memref<1664xf32, #tpu.memory_space<vmem>>[vector<16xi32>], vector<16xf32>,
      %add3A_418 = arith.addf %add3A_410, %gather3A_417 : vector<16xf32>
      %add3A_419 = arith.constant 416 : i32
      %add3A_420 = vector.broadcast %add3A_419 : i32 to vector<16xi32>
      %add3A_421 = arith.addi %add3A_420, %mul3A_3 : vector<16xi32>
      %add3A_422 = arith.constant 23 : i32
      %add3A_423 = vector.broadcast %add3A_422 : i32 to vector<16xi32>
      %add3A_424 = arith.addi %add3A_421, %add3A_423 : vector<16xi32>
      %gather3A_425 = tpu.vector_load_idx %arg9[%add3A_424] : memref<1664xf32, #tpu.memory_space<vmem>>[vector<16xi32>], vector<16xf32>,
      %add3A_426 = arith.addf %add3A_418, %gather3A_425 : vector<16xf32>
      %add3A_427 = arith.constant 416 : i32
      %add3A_428 = vector.broadcast %add3A_427 : i32 to vector<16xi32>
      %add3A_429 = arith.addi %add3A_428, %mul3A_3 : vector<16xi32>
      %add3A_430 = arith.constant 24 : i32
      %add3A_431 = vector.broadcast %add3A_430 : i32 to vector<16xi32>
      %add3A_432 = arith.addi %add3A_429, %add3A_431 : vector<16xi32>
      %gather3A_433 = tpu.vector_load_idx %arg9[%add3A_432] : memref<1664xf32, #tpu.memory_space<vmem>>[vector<16xi32>], vector<16xf32>,
      %add3A_434 = arith.addf %add3A_426, %gather3A_433 : vector<16xf32>
      %add3A_435 = arith.constant 416 : i32
      %add3A_436 = vector.broadcast %add3A_435 : i32 to vector<16xi32>
      %add3A_437 = arith.addi %add3A_436, %mul3A_3 : vector<16xi32>
      %add3A_438 = arith.constant 25 : i32
      %add3A_439 = vector.broadcast %add3A_438 : i32 to vector<16xi32>
      %add3A_440 = arith.addi %add3A_437, %add3A_439 : vector<16xi32>
      %gather3A_441 = tpu.vector_load_idx %arg9[%add3A_440] : memref<1664xf32, #tpu.memory_space<vmem>>[vector<16xi32>], vector<16xf32>,
      %add3A_442 = arith.addf %add3A_434, %gather3A_441 : vector<16xf32>
      %swap3A_443 = arith.constant 16 : index
      %swap3A_444 = tpu.vector_load %arg10[%swap3A_443] {strides = array<i32>} : memref<64xf32, #tpu.memory_space<vmem>>, vector<16xf32>,
      tpu.vector_store %arg10[%swap3A_443], %add3A_442 {strides = array<i32>} : memref<64xf32, #tpu.memory_space<vmem>>, vector<16xf32>,
      %add3A_445 = arith.constant 832 : i32
      %add3A_446 = vector.broadcast %add3A_445 : i32 to vector<16xi32>
      %add3A_447 = arith.addi %add3A_446, %mul3A_3 : vector<16xi32>
      %gather3A_448 = tpu.vector_load_idx %arg9[%add3A_447] : memref<1664xf32, #tpu.memory_space<vmem>>[vector<16xi32>], vector<16xf32>,
      %add3A_449 = arith.constant 832 : i32
      %add3A_450 = vector.broadcast %add3A_449 : i32 to vector<16xi32>
      %add3A_451 = arith.addi %add3A_450, %mul3A_3 : vector<16xi32>
      %add3A_452 = arith.constant 1 : i32
      %add3A_453 = vector.broadcast %add3A_452 : i32 to vector<16xi32>
      %add3A_454 = arith.addi %add3A_451, %add3A_453 : vector<16xi32>
      %gather3A_455 = tpu.vector_load_idx %arg9[%add3A_454] : memref<1664xf32, #tpu.memory_space<vmem>>[vector<16xi32>], vector<16xf32>,
      %add3A_456 = arith.addf %gather3A_448, %gather3A_455 : vector<16xf32>
      %add3A_457 = arith.constant 832 : i32
      %add3A_458 = vector.broadcast %add3A_457 : i32 to vector<16xi32>
      %add3A_459 = arith.addi %add3A_458, %mul3A_3 : vector<16xi32>
      %add3A_460 = arith.constant 2 : i32
      %add3A_461 = vector.broadcast %add3A_460 : i32 to vector<16xi32>
      %add3A_462 = arith.addi %add3A_459, %add3A_461 : vector<16xi32>
      %gather3A_463 = tpu.vector_load_idx %arg9[%add3A_462] : memref<1664xf32, #tpu.memory_space<vmem>>[vector<16xi32>], vector<16xf32>,
      %add3A_464 = arith.addf %add3A_456, %gather3A_463 : vector<16xf32>
      %add3A_465 = arith.constant 832 : i32
      %add3A_466 = vector.broadcast %add3A_465 : i32 to vector<16xi32>
      %add3A_467 = arith.addi %add3A_466, %mul3A_3 : vector<16xi32>
      %add3A_468 = arith.constant 3 : i32
      %add3A_469 = vector.broadcast %add3A_468 : i32 to vector<16xi32>
      %add3A_470 = arith.addi %add3A_467, %add3A_469 : vector<16xi32>
      %gather3A_471 = tpu.vector_load_idx %arg9[%add3A_470] : memref<1664xf32, #tpu.memory_space<vmem>>[vector<16xi32>], vector<16xf32>,
      %add3A_472 = arith.addf %add3A_464, %gather3A_471 : vector<16xf32>
      %add3A_473 = arith.constant 832 : i32
      %add3A_474 = vector.broadcast %add3A_473 : i32 to vector<16xi32>
      %add3A_475 = arith.addi %add3A_474, %mul3A_3 : vector<16xi32>
      %add3A_476 = arith.constant 4 : i32
      %add3A_477 = vector.broadcast %add3A_476 : i32 to vector<16xi32>
      %add3A_478 = arith.addi %add3A_475, %add3A_477 : vector<16xi32>
      %gather3A_479 = tpu.vector_load_idx %arg9[%add3A_478] : memref<1664xf32, #tpu.memory_space<vmem>>[vector<16xi32>], vector<16xf32>,
      %add3A_480 = arith.addf %add3A_472, %gather3A_479 : vector<16xf32>
      %add3A_481 = arith.constant 832 : i32
      %add3A_482 = vector.broadcast %add3A_481 : i32 to vector<16xi32>
      %add3A_483 = arith.addi %add3A_482, %mul3A_3 : vector<16xi32>
      %add3A_484 = arith.constant 5 : i32
      %add3A_485 = vector.broadcast %add3A_484 : i32 to vector<16xi32>
      %add3A_486 = arith.addi %add3A_483, %add3A_485 : vector<16xi32>
      %gather3A_487 = tpu.vector_load_idx %arg9[%add3A_486] : memref<1664xf32, #tpu.memory_space<vmem>>[vector<16xi32>], vector<16xf32>,
      %add3A_488 = arith.addf %add3A_480, %gather3A_487 : vector<16xf32>
      %add3A_489 = arith.constant 832 : i32
      %add3A_490 = vector.broadcast %add3A_489 : i32 to vector<16xi32>
      %add3A_491 = arith.addi %add3A_490, %mul3A_3 : vector<16xi32>
      %add3A_492 = arith.constant 6 : i32
      %add3A_493 = vector.broadcast %add3A_492 : i32 to vector<16xi32>
      %add3A_494 = arith.addi %add3A_491, %add3A_493 : vector<16xi32>
      %gather3A_495 = tpu.vector_load_idx %arg9[%add3A_494] : memref<1664xf32, #tpu.memory_space<vmem>>[vector<16xi32>], vector<16xf32>,
      %add3A_496 = arith.addf %add3A_488, %gather3A_495 : vector<16xf32>
      %add3A_497 = arith.constant 832 : i32
      %add3A_498 = vector.broadcast %add3A_497 : i32 to vector<16xi32>
      %add3A_499 = arith.addi %add3A_498, %mul3A_3 : vector<16xi32>
      %add3A_500 = arith.constant 7 : i32
      %add3A_501 = vector.broadcast %add3A_500 : i32 to vector<16xi32>
      %add3A_502 = arith.addi %add3A_499, %add3A_501 : vector<16xi32>
      %gather3A_503 = tpu.vector_load_idx %arg9[%add3A_502] : memref<1664xf32, #tpu.memory_space<vmem>>[vector<16xi32>], vector<16xf32>,
      %add3A_504 = arith.addf %add3A_496, %gather3A_503 : vector<16xf32>
      %add3A_505 = arith.constant 832 : i32
      %add3A_506 = vector.broadcast %add3A_505 : i32 to vector<16xi32>
      %add3A_507 = arith.addi %add3A_506, %mul3A_3 : vector<16xi32>
      %add3A_508 = arith.constant 8 : i32
      %add3A_509 = vector.broadcast %add3A_508 : i32 to vector<16xi32>
      %add3A_510 = arith.addi %add3A_507, %add3A_509 : vector<16xi32>
      %gather3A_511 = tpu.vector_load_idx %arg9[%add3A_510] : memref<1664xf32, #tpu.memory_space<vmem>>[vector<16xi32>], vector<16xf32>,
      %add3A_512 = arith.addf %add3A_504, %gather3A_511 : vector<16xf32>
      %add3A_513 = arith.constant 832 : i32
      %add3A_514 = vector.broadcast %add3A_513 : i32 to vector<16xi32>
      %add3A_515 = arith.addi %add3A_514, %mul3A_3 : vector<16xi32>
      %add3A_516 = arith.constant 9 : i32
      %add3A_517 = vector.broadcast %add3A_516 : i32 to vector<16xi32>
      %add3A_518 = arith.addi %add3A_515, %add3A_517 : vector<16xi32>
      %gather3A_519 = tpu.vector_load_idx %arg9[%add3A_518] : memref<1664xf32, #tpu.memory_space<vmem>>[vector<16xi32>], vector<16xf32>,
      %add3A_520 = arith.addf %add3A_512, %gather3A_519 : vector<16xf32>
      %add3A_521 = arith.constant 832 : i32
      %add3A_522 = vector.broadcast %add3A_521 : i32 to vector<16xi32>
      %add3A_523 = arith.addi %add3A_522, %mul3A_3 : vector<16xi32>
      %add3A_524 = arith.constant 10 : i32
      %add3A_525 = vector.broadcast %add3A_524 : i32 to vector<16xi32>
      %add3A_526 = arith.addi %add3A_523, %add3A_525 : vector<16xi32>
      %gather3A_527 = tpu.vector_load_idx %arg9[%add3A_526] : memref<1664xf32, #tpu.memory_space<vmem>>[vector<16xi32>], vector<16xf32>,
      %add3A_528 = arith.addf %add3A_520, %gather3A_527 : vector<16xf32>
      %add3A_529 = arith.constant 832 : i32
      %add3A_530 = vector.broadcast %add3A_529 : i32 to vector<16xi32>
      %add3A_531 = arith.addi %add3A_530, %mul3A_3 : vector<16xi32>
      %add3A_532 = arith.constant 11 : i32
      %add3A_533 = vector.broadcast %add3A_532 : i32 to vector<16xi32>
      %add3A_534 = arith.addi %add3A_531, %add3A_533 : vector<16xi32>
      %gather3A_535 = tpu.vector_load_idx %arg9[%add3A_534] : memref<1664xf32, #tpu.memory_space<vmem>>[vector<16xi32>], vector<16xf32>,
      %add3A_536 = arith.addf %add3A_528, %gather3A_535 : vector<16xf32>
      %add3A_537 = arith.constant 832 : i32
      %add3A_538 = vector.broadcast %add3A_537 : i32 to vector<16xi32>
      %add3A_539 = arith.addi %add3A_538, %mul3A_3 : vector<16xi32>
      %add3A_540 = arith.constant 12 : i32
      %add3A_541 = vector.broadcast %add3A_540 : i32 to vector<16xi32>
      %add3A_542 = arith.addi %add3A_539, %add3A_541 : vector<16xi32>
      %gather3A_543 = tpu.vector_load_idx %arg9[%add3A_542] : memref<1664xf32, #tpu.memory_space<vmem>>[vector<16xi32>], vector<16xf32>,
      %add3A_544 = arith.addf %add3A_536, %gather3A_543 : vector<16xf32>
      %add3A_545 = arith.constant 832 : i32
      %add3A_546 = vector.broadcast %add3A_545 : i32 to vector<16xi32>
      %add3A_547 = arith.addi %add3A_546, %mul3A_3 : vector<16xi32>
      %add3A_548 = arith.constant 13 : i32
      %add3A_549 = vector.broadcast %add3A_548 : i32 to vector<16xi32>
      %add3A_550 = arith.addi %add3A_547, %add3A_549 : vector<16xi32>
      %gather3A_551 = tpu.vector_load_idx %arg9[%add3A_550] : memref<1664xf32, #tpu.memory_space<vmem>>[vector<16xi32>], vector<16xf32>,
      %add3A_552 = arith.addf %add3A_544, %gather3A_551 : vector<16xf32>
      %add3A_553 = arith.constant 832 : i32
      %add3A_554 = vector.broadcast %add3A_553 : i32 to vector<16xi32>
      %add3A_555 = arith.addi %add3A_554, %mul3A_3 : vector<16xi32>
      %add3A_556 = arith.constant 14 : i32
      %add3A_557 = vector.broadcast %add3A_556 : i32 to vector<16xi32>
      %add3A_558 = arith.addi %add3A_555, %add3A_557 : vector<16xi32>
      %gather3A_559 = tpu.vector_load_idx %arg9[%add3A_558] : memref<1664xf32, #tpu.memory_space<vmem>>[vector<16xi32>], vector<16xf32>,
      %add3A_560 = arith.addf %add3A_552, %gather3A_559 : vector<16xf32>
      %add3A_561 = arith.constant 832 : i32
      %add3A_562 = vector.broadcast %add3A_561 : i32 to vector<16xi32>
      %add3A_563 = arith.addi %add3A_562, %mul3A_3 : vector<16xi32>
      %add3A_564 = arith.constant 15 : i32
      %add3A_565 = vector.broadcast %add3A_564 : i32 to vector<16xi32>
      %add3A_566 = arith.addi %add3A_563, %add3A_565 : vector<16xi32>
      %gather3A_567 = tpu.vector_load_idx %arg9[%add3A_566] : memref<1664xf32, #tpu.memory_space<vmem>>[vector<16xi32>], vector<16xf32>,
      %add3A_568 = arith.addf %add3A_560, %gather3A_567 : vector<16xf32>
      %add3A_569 = arith.constant 832 : i32
      %add3A_570 = vector.broadcast %add3A_569 : i32 to vector<16xi32>
      %add3A_571 = arith.addi %add3A_570, %mul3A_3 : vector<16xi32>
      %add3A_572 = arith.constant 16 : i32
      %add3A_573 = vector.broadcast %add3A_572 : i32 to vector<16xi32>
      %add3A_574 = arith.addi %add3A_571, %add3A_573 : vector<16xi32>
      %gather3A_575 = tpu.vector_load_idx %arg9[%add3A_574] : memref<1664xf32, #tpu.memory_space<vmem>>[vector<16xi32>], vector<16xf32>,
      %add3A_576 = arith.addf %add3A_568, %gather3A_575 : vector<16xf32>
      %add3A_577 = arith.constant 832 : i32
      %add3A_578 = vector.broadcast %add3A_577 : i32 to vector<16xi32>
      %add3A_579 = arith.addi %add3A_578, %mul3A_3 : vector<16xi32>
      %add3A_580 = arith.constant 17 : i32
      %add3A_581 = vector.broadcast %add3A_580 : i32 to vector<16xi32>
      %add3A_582 = arith.addi %add3A_579, %add3A_581 : vector<16xi32>
      %gather3A_583 = tpu.vector_load_idx %arg9[%add3A_582] : memref<1664xf32, #tpu.memory_space<vmem>>[vector<16xi32>], vector<16xf32>,
      %add3A_584 = arith.addf %add3A_576, %gather3A_583 : vector<16xf32>
      %add3A_585 = arith.constant 832 : i32
      %add3A_586 = vector.broadcast %add3A_585 : i32 to vector<16xi32>
      %add3A_587 = arith.addi %add3A_586, %mul3A_3 : vector<16xi32>
      %add3A_588 = arith.constant 18 : i32
      %add3A_589 = vector.broadcast %add3A_588 : i32 to vector<16xi32>
      %add3A_590 = arith.addi %add3A_587, %add3A_589 : vector<16xi32>
      %gather3A_591 = tpu.vector_load_idx %arg9[%add3A_590] : memref<1664xf32, #tpu.memory_space<vmem>>[vector<16xi32>], vector<16xf32>,
      %add3A_592 = arith.addf %add3A_584, %gather3A_591 : vector<16xf32>
      %add3A_593 = arith.constant 832 : i32
      %add3A_594 = vector.broadcast %add3A_593 : i32 to vector<16xi32>
      %add3A_595 = arith.addi %add3A_594, %mul3A_3 : vector<16xi32>
      %add3A_596 = arith.constant 19 : i32
      %add3A_597 = vector.broadcast %add3A_596 : i32 to vector<16xi32>
      %add3A_598 = arith.addi %add3A_595, %add3A_597 : vector<16xi32>
      %gather3A_599 = tpu.vector_load_idx %arg9[%add3A_598] : memref<1664xf32, #tpu.memory_space<vmem>>[vector<16xi32>], vector<16xf32>,
      %add3A_600 = arith.addf %add3A_592, %gather3A_599 : vector<16xf32>
      %add3A_601 = arith.constant 832 : i32
      %add3A_602 = vector.broadcast %add3A_601 : i32 to vector<16xi32>
      %add3A_603 = arith.addi %add3A_602, %mul3A_3 : vector<16xi32>
      %add3A_604 = arith.constant 20 : i32
      %add3A_605 = vector.broadcast %add3A_604 : i32 to vector<16xi32>
      %add3A_606 = arith.addi %add3A_603, %add3A_605 : vector<16xi32>
      %gather3A_607 = tpu.vector_load_idx %arg9[%add3A_606] : memref<1664xf32, #tpu.memory_space<vmem>>[vector<16xi32>], vector<16xf32>,
      %add3A_608 = arith.addf %add3A_600, %gather3A_607 : vector<16xf32>
      %add3A_609 = arith.constant 832 : i32
      %add3A_610 = vector.broadcast %add3A_609 : i32 to vector<16xi32>
      %add3A_611 = arith.addi %add3A_610, %mul3A_3 : vector<16xi32>
      %add3A_612 = arith.constant 21 : i32
      %add3A_613 = vector.broadcast %add3A_612 : i32 to vector<16xi32>
      %add3A_614 = arith.addi %add3A_611, %add3A_613 : vector<16xi32>
      %gather3A_615 = tpu.vector_load_idx %arg9[%add3A_614] : memref<1664xf32, #tpu.memory_space<vmem>>[vector<16xi32>], vector<16xf32>,
      %add3A_616 = arith.addf %add3A_608, %gather3A_615 : vector<16xf32>
      %add3A_617 = arith.constant 832 : i32
      %add3A_618 = vector.broadcast %add3A_617 : i32 to vector<16xi32>
      %add3A_619 = arith.addi %add3A_618, %mul3A_3 : vector<16xi32>
      %add3A_620 = arith.constant 22 : i32
      %add3A_621 = vector.broadcast %add3A_620 : i32 to vector<16xi32>
      %add3A_622 = arith.addi %add3A_619, %add3A_621 : vector<16xi32>
      %gather3A_623 = tpu.vector_load_idx %arg9[%add3A_622] : memref<1664xf32, #tpu.memory_space<vmem>>[vector<16xi32>], vector<16xf32>,
      %add3A_624 = arith.addf %add3A_616, %gather3A_623 : vector<16xf32>
      %add3A_625 = arith.constant 832 : i32
      %add3A_626 = vector.broadcast %add3A_625 : i32 to vector<16xi32>
      %add3A_627 = arith.addi %add3A_626, %mul3A_3 : vector<16xi32>
      %add3A_628 = arith.constant 23 : i32
      %add3A_629 = vector.broadcast %add3A_628 : i32 to vector<16xi32>
      %add3A_630 = arith.addi %add3A_627, %add3A_629 : vector<16xi32>
      %gather3A_631 = tpu.vector_load_idx %arg9[%add3A_630] : memref<1664xf32, #tpu.memory_space<vmem>>[vector<16xi32>], vector<16xf32>,
      %add3A_632 = arith.addf %add3A_624, %gather3A_631 : vector<16xf32>
      %add3A_633 = arith.constant 832 : i32
      %add3A_634 = vector.broadcast %add3A_633 : i32 to vector<16xi32>
      %add3A_635 = arith.addi %add3A_634, %mul3A_3 : vector<16xi32>
      %add3A_636 = arith.constant 24 : i32
      %add3A_637 = vector.broadcast %add3A_636 : i32 to vector<16xi32>
      %add3A_638 = arith.addi %add3A_635, %add3A_637 : vector<16xi32>
      %gather3A_639 = tpu.vector_load_idx %arg9[%add3A_638] : memref<1664xf32, #tpu.memory_space<vmem>>[vector<16xi32>], vector<16xf32>,
      %add3A_640 = arith.addf %add3A_632, %gather3A_639 : vector<16xf32>
      %add3A_641 = arith.constant 832 : i32
      %add3A_642 = vector.broadcast %add3A_641 : i32 to vector<16xi32>
      %add3A_643 = arith.addi %add3A_642, %mul3A_3 : vector<16xi32>
      %add3A_644 = arith.constant 25 : i32
      %add3A_645 = vector.broadcast %add3A_644 : i32 to vector<16xi32>
      %add3A_646 = arith.addi %add3A_643, %add3A_645 : vector<16xi32>
      %gather3A_647 = tpu.vector_load_idx %arg9[%add3A_646] : memref<1664xf32, #tpu.memory_space<vmem>>[vector<16xi32>], vector<16xf32>,
      %add3A_648 = arith.addf %add3A_640, %gather3A_647 : vector<16xf32>
      %swap3A_649 = arith.constant 32 : index
      %swap3A_650 = tpu.vector_load %arg10[%swap3A_649] {strides = array<i32>} : memref<64xf32, #tpu.memory_space<vmem>>, vector<16xf32>,
      tpu.vector_store %arg10[%swap3A_649], %add3A_648 {strides = array<i32>} : memref<64xf32, #tpu.memory_space<vmem>>, vector<16xf32>,
      %add3A_651 = arith.constant 1248 : i32
      %add3A_652 = vector.broadcast %add3A_651 : i32 to vector<16xi32>
      %add3A_653 = arith.addi %add3A_652, %mul3A_3 : vector<16xi32>
      %gather3A_654 = tpu.vector_load_idx %arg9[%add3A_653] : memref<1664xf32, #tpu.memory_space<vmem>>[vector<16xi32>], vector<16xf32>,
      %add3A_655 = arith.constant 1248 : i32
      %add3A_656 = vector.broadcast %add3A_655 : i32 to vector<16xi32>
      %add3A_657 = arith.addi %add3A_656, %mul3A_3 : vector<16xi32>
      %add3A_658 = arith.constant 1 : i32
      %add3A_659 = vector.broadcast %add3A_658 : i32 to vector<16xi32>
      %add3A_660 = arith.addi %add3A_657, %add3A_659 : vector<16xi32>
      %gather3A_661 = tpu.vector_load_idx %arg9[%add3A_660] : memref<1664xf32, #tpu.memory_space<vmem>>[vector<16xi32>], vector<16xf32>,
      %add3A_662 = arith.addf %gather3A_654, %gather3A_661 : vector<16xf32>
      %add3A_663 = arith.constant 1248 : i32
      %add3A_664 = vector.broadcast %add3A_663 : i32 to vector<16xi32>
      %add3A_665 = arith.addi %add3A_664, %mul3A_3 : vector<16xi32>
      %add3A_666 = arith.constant 2 : i32
      %add3A_667 = vector.broadcast %add3A_666 : i32 to vector<16xi32>
      %add3A_668 = arith.addi %add3A_665, %add3A_667 : vector<16xi32>
      %gather3A_669 = tpu.vector_load_idx %arg9[%add3A_668] : memref<1664xf32, #tpu.memory_space<vmem>>[vector<16xi32>], vector<16xf32>,
      %add3A_670 = arith.addf %add3A_662, %gather3A_669 : vector<16xf32>
      %add3A_671 = arith.constant 1248 : i32
      %add3A_672 = vector.broadcast %add3A_671 : i32 to vector<16xi32>
      %add3A_673 = arith.addi %add3A_672, %mul3A_3 : vector<16xi32>
      %add3A_674 = arith.constant 3 : i32
      %add3A_675 = vector.broadcast %add3A_674 : i32 to vector<16xi32>
      %add3A_676 = arith.addi %add3A_673, %add3A_675 : vector<16xi32>
      %gather3A_677 = tpu.vector_load_idx %arg9[%add3A_676] : memref<1664xf32, #tpu.memory_space<vmem>>[vector<16xi32>], vector<16xf32>,
      %add3A_678 = arith.addf %add3A_670, %gather3A_677 : vector<16xf32>
      %add3A_679 = arith.constant 1248 : i32
      %add3A_680 = vector.broadcast %add3A_679 : i32 to vector<16xi32>
      %add3A_681 = arith.addi %add3A_680, %mul3A_3 : vector<16xi32>
      %add3A_682 = arith.constant 4 : i32
      %add3A_683 = vector.broadcast %add3A_682 : i32 to vector<16xi32>
      %add3A_684 = arith.addi %add3A_681, %add3A_683 : vector<16xi32>
      %gather3A_685 = tpu.vector_load_idx %arg9[%add3A_684] : memref<1664xf32, #tpu.memory_space<vmem>>[vector<16xi32>], vector<16xf32>,
      %add3A_686 = arith.addf %add3A_678, %gather3A_685 : vector<16xf32>
      %add3A_687 = arith.constant 1248 : i32
      %add3A_688 = vector.broadcast %add3A_687 : i32 to vector<16xi32>
      %add3A_689 = arith.addi %add3A_688, %mul3A_3 : vector<16xi32>
      %add3A_690 = arith.constant 5 : i32
      %add3A_691 = vector.broadcast %add3A_690 : i32 to vector<16xi32>
      %add3A_692 = arith.addi %add3A_689, %add3A_691 : vector<16xi32>
      %gather3A_693 = tpu.vector_load_idx %arg9[%add3A_692] : memref<1664xf32, #tpu.memory_space<vmem>>[vector<16xi32>], vector<16xf32>,
      %add3A_694 = arith.addf %add3A_686, %gather3A_693 : vector<16xf32>
      %add3A_695 = arith.constant 1248 : i32
      %add3A_696 = vector.broadcast %add3A_695 : i32 to vector<16xi32>
      %add3A_697 = arith.addi %add3A_696, %mul3A_3 : vector<16xi32>
      %add3A_698 = arith.constant 6 : i32
      %add3A_699 = vector.broadcast %add3A_698 : i32 to vector<16xi32>
      %add3A_700 = arith.addi %add3A_697, %add3A_699 : vector<16xi32>
      %gather3A_701 = tpu.vector_load_idx %arg9[%add3A_700] : memref<1664xf32, #tpu.memory_space<vmem>>[vector<16xi32>], vector<16xf32>,
      %add3A_702 = arith.addf %add3A_694, %gather3A_701 : vector<16xf32>
      %add3A_703 = arith.constant 1248 : i32
      %add3A_704 = vector.broadcast %add3A_703 : i32 to vector<16xi32>
      %add3A_705 = arith.addi %add3A_704, %mul3A_3 : vector<16xi32>
      %add3A_706 = arith.constant 7 : i32
      %add3A_707 = vector.broadcast %add3A_706 : i32 to vector<16xi32>
      %add3A_708 = arith.addi %add3A_705, %add3A_707 : vector<16xi32>
      %gather3A_709 = tpu.vector_load_idx %arg9[%add3A_708] : memref<1664xf32, #tpu.memory_space<vmem>>[vector<16xi32>], vector<16xf32>,
      %add3A_710 = arith.addf %add3A_702, %gather3A_709 : vector<16xf32>
      %add3A_711 = arith.constant 1248 : i32
      %add3A_712 = vector.broadcast %add3A_711 : i32 to vector<16xi32>
      %add3A_713 = arith.addi %add3A_712, %mul3A_3 : vector<16xi32>
      %add3A_714 = arith.constant 8 : i32
      %add3A_715 = vector.broadcast %add3A_714 : i32 to vector<16xi32>
      %add3A_716 = arith.addi %add3A_713, %add3A_715 : vector<16xi32>
      %gather3A_717 = tpu.vector_load_idx %arg9[%add3A_716] : memref<1664xf32, #tpu.memory_space<vmem>>[vector<16xi32>], vector<16xf32>,
      %add3A_718 = arith.addf %add3A_710, %gather3A_717 : vector<16xf32>
      %add3A_719 = arith.constant 1248 : i32
      %add3A_720 = vector.broadcast %add3A_719 : i32 to vector<16xi32>
      %add3A_721 = arith.addi %add3A_720, %mul3A_3 : vector<16xi32>
      %add3A_722 = arith.constant 9 : i32
      %add3A_723 = vector.broadcast %add3A_722 : i32 to vector<16xi32>
      %add3A_724 = arith.addi %add3A_721, %add3A_723 : vector<16xi32>
      %gather3A_725 = tpu.vector_load_idx %arg9[%add3A_724] : memref<1664xf32, #tpu.memory_space<vmem>>[vector<16xi32>], vector<16xf32>,
      %add3A_726 = arith.addf %add3A_718, %gather3A_725 : vector<16xf32>
      %add3A_727 = arith.constant 1248 : i32
      %add3A_728 = vector.broadcast %add3A_727 : i32 to vector<16xi32>
      %add3A_729 = arith.addi %add3A_728, %mul3A_3 : vector<16xi32>
      %add3A_730 = arith.constant 10 : i32
      %add3A_731 = vector.broadcast %add3A_730 : i32 to vector<16xi32>
      %add3A_732 = arith.addi %add3A_729, %add3A_731 : vector<16xi32>
      %gather3A_733 = tpu.vector_load_idx %arg9[%add3A_732] : memref<1664xf32, #tpu.memory_space<vmem>>[vector<16xi32>], vector<16xf32>,
      %add3A_734 = arith.addf %add3A_726, %gather3A_733 : vector<16xf32>
      %add3A_735 = arith.constant 1248 : i32
      %add3A_736 = vector.broadcast %add3A_735 : i32 to vector<16xi32>
      %add3A_737 = arith.addi %add3A_736, %mul3A_3 : vector<16xi32>
      %add3A_738 = arith.constant 11 : i32
      %add3A_739 = vector.broadcast %add3A_738 : i32 to vector<16xi32>
      %add3A_740 = arith.addi %add3A_737, %add3A_739 : vector<16xi32>
      %gather3A_741 = tpu.vector_load_idx %arg9[%add3A_740] : memref<1664xf32, #tpu.memory_space<vmem>>[vector<16xi32>], vector<16xf32>,
      %add3A_742 = arith.addf %add3A_734, %gather3A_741 : vector<16xf32>
      %add3A_743 = arith.constant 1248 : i32
      %add3A_744 = vector.broadcast %add3A_743 : i32 to vector<16xi32>
      %add3A_745 = arith.addi %add3A_744, %mul3A_3 : vector<16xi32>
      %add3A_746 = arith.constant 12 : i32
      %add3A_747 = vector.broadcast %add3A_746 : i32 to vector<16xi32>
      %add3A_748 = arith.addi %add3A_745, %add3A_747 : vector<16xi32>
      %gather3A_749 = tpu.vector_load_idx %arg9[%add3A_748] : memref<1664xf32, #tpu.memory_space<vmem>>[vector<16xi32>], vector<16xf32>,
      %add3A_750 = arith.addf %add3A_742, %gather3A_749 : vector<16xf32>
      %add3A_751 = arith.constant 1248 : i32
      %add3A_752 = vector.broadcast %add3A_751 : i32 to vector<16xi32>
      %add3A_753 = arith.addi %add3A_752, %mul3A_3 : vector<16xi32>
      %add3A_754 = arith.constant 13 : i32
      %add3A_755 = vector.broadcast %add3A_754 : i32 to vector<16xi32>
      %add3A_756 = arith.addi %add3A_753, %add3A_755 : vector<16xi32>
      %gather3A_757 = tpu.vector_load_idx %arg9[%add3A_756] : memref<1664xf32, #tpu.memory_space<vmem>>[vector<16xi32>], vector<16xf32>,
      %add3A_758 = arith.addf %add3A_750, %gather3A_757 : vector<16xf32>
      %add3A_759 = arith.constant 1248 : i32
      %add3A_760 = vector.broadcast %add3A_759 : i32 to vector<16xi32>
      %add3A_761 = arith.addi %add3A_760, %mul3A_3 : vector<16xi32>
      %add3A_762 = arith.constant 14 : i32
      %add3A_763 = vector.broadcast %add3A_762 : i32 to vector<16xi32>
      %add3A_764 = arith.addi %add3A_761, %add3A_763 : vector<16xi32>
      %gather3A_765 = tpu.vector_load_idx %arg9[%add3A_764] : memref<1664xf32, #tpu.memory_space<vmem>>[vector<16xi32>], vector<16xf32>,
      %add3A_766 = arith.addf %add3A_758, %gather3A_765 : vector<16xf32>
      %add3A_767 = arith.constant 1248 : i32
      %add3A_768 = vector.broadcast %add3A_767 : i32 to vector<16xi32>
      %add3A_769 = arith.addi %add3A_768, %mul3A_3 : vector<16xi32>
      %add3A_770 = arith.constant 15 : i32
      %add3A_771 = vector.broadcast %add3A_770 : i32 to vector<16xi32>
      %add3A_772 = arith.addi %add3A_769, %add3A_771 : vector<16xi32>
      %gather3A_773 = tpu.vector_load_idx %arg9[%add3A_772] : memref<1664xf32, #tpu.memory_space<vmem>>[vector<16xi32>], vector<16xf32>,
      %add3A_774 = arith.addf %add3A_766, %gather3A_773 : vector<16xf32>
      %add3A_775 = arith.constant 1248 : i32
      %add3A_776 = vector.broadcast %add3A_775 : i32 to vector<16xi32>
      %add3A_777 = arith.addi %add3A_776, %mul3A_3 : vector<16xi32>
      %add3A_778 = arith.constant 16 : i32
      %add3A_779 = vector.broadcast %add3A_778 : i32 to vector<16xi32>
      %add3A_780 = arith.addi %add3A_777, %add3A_779 : vector<16xi32>
      %gather3A_781 = tpu.vector_load_idx %arg9[%add3A_780] : memref<1664xf32, #tpu.memory_space<vmem>>[vector<16xi32>], vector<16xf32>,
      %add3A_782 = arith.addf %add3A_774, %gather3A_781 : vector<16xf32>
      %add3A_783 = arith.constant 1248 : i32
      %add3A_784 = vector.broadcast %add3A_783 : i32 to vector<16xi32>
      %add3A_785 = arith.addi %add3A_784, %mul3A_3 : vector<16xi32>
      %add3A_786 = arith.constant 17 : i32
      %add3A_787 = vector.broadcast %add3A_786 : i32 to vector<16xi32>
      %add3A_788 = arith.addi %add3A_785, %add3A_787 : vector<16xi32>
      %gather3A_789 = tpu.vector_load_idx %arg9[%add3A_788] : memref<1664xf32, #tpu.memory_space<vmem>>[vector<16xi32>], vector<16xf32>,
      %add3A_790 = arith.addf %add3A_782, %gather3A_789 : vector<16xf32>
      %add3A_791 = arith.constant 1248 : i32
      %add3A_792 = vector.broadcast %add3A_791 : i32 to vector<16xi32>
      %add3A_793 = arith.addi %add3A_792, %mul3A_3 : vector<16xi32>
      %add3A_794 = arith.constant 18 : i32
      %add3A_795 = vector.broadcast %add3A_794 : i32 to vector<16xi32>
      %add3A_796 = arith.addi %add3A_793, %add3A_795 : vector<16xi32>
      %gather3A_797 = tpu.vector_load_idx %arg9[%add3A_796] : memref<1664xf32, #tpu.memory_space<vmem>>[vector<16xi32>], vector<16xf32>,
      %add3A_798 = arith.addf %add3A_790, %gather3A_797 : vector<16xf32>
      %add3A_799 = arith.constant 1248 : i32
      %add3A_800 = vector.broadcast %add3A_799 : i32 to vector<16xi32>
      %add3A_801 = arith.addi %add3A_800, %mul3A_3 : vector<16xi32>
      %add3A_802 = arith.constant 19 : i32
      %add3A_803 = vector.broadcast %add3A_802 : i32 to vector<16xi32>
      %add3A_804 = arith.addi %add3A_801, %add3A_803 : vector<16xi32>
      %gather3A_805 = tpu.vector_load_idx %arg9[%add3A_804] : memref<1664xf32, #tpu.memory_space<vmem>>[vector<16xi32>], vector<16xf32>,
      %add3A_806 = arith.addf %add3A_798, %gather3A_805 : vector<16xf32>
      %add3A_807 = arith.constant 1248 : i32
      %add3A_808 = vector.broadcast %add3A_807 : i32 to vector<16xi32>
      %add3A_809 = arith.addi %add3A_808, %mul3A_3 : vector<16xi32>
      %add3A_810 = arith.constant 20 : i32
      %add3A_811 = vector.broadcast %add3A_810 : i32 to vector<16xi32>
      %add3A_812 = arith.addi %add3A_809, %add3A_811 : vector<16xi32>
      %gather3A_813 = tpu.vector_load_idx %arg9[%add3A_812] : memref<1664xf32, #tpu.memory_space<vmem>>[vector<16xi32>], vector<16xf32>,
      %add3A_814 = arith.addf %add3A_806, %gather3A_813 : vector<16xf32>
      %add3A_815 = arith.constant 1248 : i32
      %add3A_816 = vector.broadcast %add3A_815 : i32 to vector<16xi32>
      %add3A_817 = arith.addi %add3A_816, %mul3A_3 : vector<16xi32>
      %add3A_818 = arith.constant 21 : i32
      %add3A_819 = vector.broadcast %add3A_818 : i32 to vector<16xi32>
      %add3A_820 = arith.addi %add3A_817, %add3A_819 : vector<16xi32>
      %gather3A_821 = tpu.vector_load_idx %arg9[%add3A_820] : memref<1664xf32, #tpu.memory_space<vmem>>[vector<16xi32>], vector<16xf32>,
      %add3A_822 = arith.addf %add3A_814, %gather3A_821 : vector<16xf32>
      %add3A_823 = arith.constant 1248 : i32
      %add3A_824 = vector.broadcast %add3A_823 : i32 to vector<16xi32>
      %add3A_825 = arith.addi %add3A_824, %mul3A_3 : vector<16xi32>
      %add3A_826 = arith.constant 22 : i32
      %add3A_827 = vector.broadcast %add3A_826 : i32 to vector<16xi32>
      %add3A_828 = arith.addi %add3A_825, %add3A_827 : vector<16xi32>
      %gather3A_829 = tpu.vector_load_idx %arg9[%add3A_828] : memref<1664xf32, #tpu.memory_space<vmem>>[vector<16xi32>], vector<16xf32>,
      %add3A_830 = arith.addf %add3A_822, %gather3A_829 : vector<16xf32>
      %add3A_831 = arith.constant 1248 : i32
      %add3A_832 = vector.broadcast %add3A_831 : i32 to vector<16xi32>
      %add3A_833 = arith.addi %add3A_832, %mul3A_3 : vector<16xi32>
      %add3A_834 = arith.constant 23 : i32
      %add3A_835 = vector.broadcast %add3A_834 : i32 to vector<16xi32>
      %add3A_836 = arith.addi %add3A_833, %add3A_835 : vector<16xi32>
      %gather3A_837 = tpu.vector_load_idx %arg9[%add3A_836] : memref<1664xf32, #tpu.memory_space<vmem>>[vector<16xi32>], vector<16xf32>,
      %add3A_838 = arith.addf %add3A_830, %gather3A_837 : vector<16xf32>
      %add3A_839 = arith.constant 1248 : i32
      %add3A_840 = vector.broadcast %add3A_839 : i32 to vector<16xi32>
      %add3A_841 = arith.addi %add3A_840, %mul3A_3 : vector<16xi32>
      %add3A_842 = arith.constant 24 : i32
      %add3A_843 = vector.broadcast %add3A_842 : i32 to vector<16xi32>
      %add3A_844 = arith.addi %add3A_841, %add3A_843 : vector<16xi32>
      %gather3A_845 = tpu.vector_load_idx %arg9[%add3A_844] : memref<1664xf32, #tpu.memory_space<vmem>>[vector<16xi32>], vector<16xf32>,
      %add3A_846 = arith.addf %add3A_838, %gather3A_845 : vector<16xf32>
      %add3A_847 = arith.constant 1248 : i32
      %add3A_848 = vector.broadcast %add3A_847 : i32 to vector<16xi32>
      %add3A_849 = arith.addi %add3A_848, %mul3A_3 : vector<16xi32>
      %add3A_850 = arith.constant 25 : i32
      %add3A_851 = vector.broadcast %add3A_850 : i32 to vector<16xi32>
      %add3A_852 = arith.addi %add3A_849, %add3A_851 : vector<16xi32>
      %gather3A_853 = tpu.vector_load_idx %arg9[%add3A_852] : memref<1664xf32, #tpu.memory_space<vmem>>[vector<16xi32>], vector<16xf32>,
      %add3A_854 = arith.addf %add3A_846, %gather3A_853 : vector<16xf32>
      %swap3A_855 = arith.constant 48 : index
      %swap3A_856 = tpu.vector_load %arg10[%swap3A_855] {strides = array<i32>} : memref<64xf32, #tpu.memory_space<vmem>>, vector<16xf32>,
      tpu.vector_store %arg10[%swap3A_855], %add3A_854 {strides = array<i32>} : memref<64xf32, #tpu.memory_space<vmem>>, vector<16xf32>,
      %mul3A_857 = arith.constant 512 : i32
      %mul3A_858 = arith.muli %add3A, %mul3A_857 : i32
      %mul3A_859 = arith.constant 64 : i32
      %mul3A_860 = arith.muli %scan3A_11, %mul3A_859 : i32
      %add3A_861 = arith.addi %mul3A_858, %mul3A_860 : i32
      "tpu.region"() ({
        %run_scoped3A = tpu.sem_alloc : memref<!tpu.dma_semaphore, #tpu.memory_space<semaphore_mem>>
        %dma_start3A = tpu.memref_slice %arg6[%add3A_861] : memref<16384xf32, #tpu.memory_space<hbm>> -> memref<64xf32, #tpu.memory_space<hbm>>
        %dma_start3A_862 = tpu.memref_slice %arg6[%add3A_861] : memref<16384xf32, #tpu.memory_space<hbm>> -> memref<64xf32, #tpu.memory_space<hbm>>
        tpu.enqueue_dma source(%arg10 : memref<64xf32, #tpu.memory_space<vmem>>) target(%dma_start3A_862 : memref<64xf32, #tpu.memory_space<hbm>>) target_semaphore(%run_scoped3A : memref<!tpu.dma_semaphore, #tpu.memory_space<semaphore_mem>>)
        %dma_wait3A = tpu.memref_slice %arg6[%add3A_861] : memref<16384xf32, #tpu.memory_space<hbm>> -> memref<64xf32, #tpu.memory_space<hbm>>
        %dma_wait3A_863 = tpu.memref_slice %arg6[%add3A_861] : memref<16384xf32, #tpu.memory_space<hbm>> -> memref<64xf32, #tpu.memory_space<hbm>>
        tpu.wait_dma2 semaphore(%run_scoped3A : memref<!tpu.dma_semaphore, #tpu.memory_space<semaphore_mem>>) src(%arg10 : memref<64xf32, #tpu.memory_space<vmem>>) dst(%dma_wait3A_863 : memref<64xf32, #tpu.memory_space<hbm>>)
        tpu.yield
      }) : () -> ()
    }
    %scan3A_10 = arith.constant 8 : i32
    return
  }
}

module attributes {stable_mosaic.version = 14 : i64} {
  func.func @_mlp_body(%arg0: i32, %arg1: memref<1024x416xf32, #tpu.memory_space<vmem>>, %arg2: memref<1024x1xf32, #tpu.memory_space<vmem>>, %arg3: memref<1x416xf32, #tpu.memory_space<vmem>>, %arg4: memref<1x416xf32, #tpu.memory_space<vmem>>, %arg5: memref<416x1024xf32, #tpu.memory_space<vmem>>, %arg6: memref<1x1024xf32, #tpu.memory_space<vmem>>, %arg7: memref<1024x512xf32, #tpu.memory_space<vmem>>, %arg8: memref<1x512xf32, #tpu.memory_space<vmem>>, %arg9: memref<512x256xf32, #tpu.memory_space<vmem>>, %arg10: memref<1x256xf32, #tpu.memory_space<vmem>>, %arg11: memref<256x128xf32, #tpu.memory_space<vmem>>, %arg12: memref<1x128xf32, #tpu.memory_space<vmem>>, %arg13: memref<128x1xf32, #tpu.memory_space<vmem>>, %arg14: memref<1x1xf32, #tpu.memory_space<vmem>>, %arg15: memref<1024x1xf32, #tpu.memory_space<vmem>>) attributes {dimension_semantics = [#tpu.dimension_semantics<arbitrary>], iteration_bounds = array<i64: 16>, scalar_prefetch = 0 : i64, scratch_operands = 0 : i64, tpu.core_type = #tpu.core_type<tc>, window_params = [{transform_indices = @transform_0, window_bounds = array<i64: 1024, 416>}, {transform_indices = @transform_1, window_bounds = array<i64: 1024, 1>}, {pipeline_mode = #tpu.pipeline_mode<synchronous>, transform_indices = @transform_2, window_bounds = array<i64: 1, 416>}, {pipeline_mode = #tpu.pipeline_mode<synchronous>, transform_indices = @transform_3, window_bounds = array<i64: 1, 416>}, {pipeline_mode = #tpu.pipeline_mode<synchronous>, transform_indices = @transform_4, window_bounds = array<i64: 416, 1024>}, {pipeline_mode = #tpu.pipeline_mode<synchronous>, transform_indices = @transform_5, window_bounds = array<i64: 1, 1024>}, {pipeline_mode = #tpu.pipeline_mode<synchronous>, transform_indices = @transform_6, window_bounds = array<i64: 1024, 512>}, {pipeline_mode = #tpu.pipeline_mode<synchronous>, transform_indices = @transform_7, window_bounds = array<i64: 1, 512>}, {pipeline_mode = #tpu.pipeline_mode<synchronous>, transform_indices = @transform_8, window_bounds = array<i64: 512, 256>}, {pipeline_mode = #tpu.pipeline_mode<synchronous>, transform_indices = @transform_9, window_bounds = array<i64: 1, 256>}, {pipeline_mode = #tpu.pipeline_mode<synchronous>, transform_indices = @transform_10, window_bounds = array<i64: 256, 128>}, {pipeline_mode = #tpu.pipeline_mode<synchronous>, transform_indices = @transform_11, window_bounds = array<i64: 1, 128>}, {pipeline_mode = #tpu.pipeline_mode<synchronous>, transform_indices = @transform_12, window_bounds = array<i64: 128, 1>}, {pipeline_mode = #tpu.pipeline_mode<synchronous>, transform_indices = @transform_13, window_bounds = array<i64: 1, 1>}, {transform_indices = @transform_14, window_bounds = array<i64: 1024, 1>}]} {
    %get3A = arith.constant 0 : index
    %get3A_0 = arith.constant 0 : index
    %get3A_1 = vector.load %arg1[%get3A, %get3A_0] : memref<1024x416xf32, #tpu.memory_space<vmem>>, vector<1024x416xf32>
    %reduce_sum3A = arith.constant dense<0.000000e+00> : vector<1024xf32>
    %reduce_sum3A_2 = vector.multi_reduction <add>, %get3A_1, %reduce_sum3A [1] : vector<1024x416xf32> to vector<1024xf32>
    %broadcast_in_dim3A = vector.shape_cast %reduce_sum3A_2 : vector<1024xf32> to vector<1024x1xf32>
    %div3A = arith.constant 4.160000e+02 : f32
    %div3A_3 = vector.broadcast %div3A : f32 to vector<1024x1xf32>
    %div3A_4 = arith.divf %broadcast_in_dim3A, %div3A_3 : vector<1024x1xf32>
    %sub3A = vector.broadcast %div3A_4 : vector<1024x1xf32> to vector<1024x416xf32>
    %sub3A_5 = arith.subf %get3A_1, %sub3A : vector<1024x416xf32>
    %mul3A = arith.mulf %sub3A_5, %sub3A_5 : vector<1024x416xf32>
    %reduce_sum3A_6 = arith.constant dense<0.000000e+00> : vector<1024xf32>
    %reduce_sum3A_7 = vector.multi_reduction <add>, %mul3A, %reduce_sum3A_6 [1] : vector<1024x416xf32> to vector<1024xf32>
    %broadcast_in_dim3A_8 = vector.shape_cast %reduce_sum3A_7 : vector<1024xf32> to vector<1024x1xf32>
    %div3A_9 = arith.constant 4.160000e+02 : f32
    %div3A_10 = vector.broadcast %div3A_9 : f32 to vector<1024x1xf32>
    %div3A_11 = arith.divf %broadcast_in_dim3A_8, %div3A_10 : vector<1024x1xf32>
    %add3A = arith.constant 9.99999974E-6 : f32
    %add3A_12 = vector.broadcast %add3A : f32 to vector<1024x1xf32>
    %add3A_13 = arith.addf %div3A_11, %add3A_12 : vector<1024x1xf32>
    %rsqrt3A = math.rsqrt %add3A_13 : vector<1024x1xf32>
    %mul3A_14 = vector.broadcast %rsqrt3A : vector<1024x1xf32> to vector<1024x416xf32>
    %mul3A_15 = arith.mulf %sub3A_5, %mul3A_14 : vector<1024x416xf32>
    %get3A_16 = arith.constant 0 : index
    %get3A_17 = arith.constant 0 : index
    %get3A_18 = vector.load %arg3[%get3A_16, %get3A_17] : memref<1x416xf32, #tpu.memory_space<vmem>>, vector<1x416xf32>
    %mul3A_19 = vector.broadcast %get3A_18 : vector<1x416xf32> to vector<1024x416xf32>
    %mul3A_20 = arith.mulf %mul3A_15, %mul3A_19 : vector<1024x416xf32>
    %get3A_21 = arith.constant 0 : index
    %get3A_22 = arith.constant 0 : index
    %get3A_23 = vector.load %arg4[%get3A_21, %get3A_22] : memref<1x416xf32, #tpu.memory_space<vmem>>, vector<1x416xf32>
    %add3A_24 = vector.broadcast %get3A_23 : vector<1x416xf32> to vector<1024x416xf32>
    %add3A_25 = arith.addf %mul3A_20, %add3A_24 : vector<1024x416xf32>
    %get3A_26 = arith.constant 0 : index
    %get3A_27 = arith.constant 0 : index
    %get3A_28 = vector.load %arg5[%get3A_26, %get3A_27] : memref<416x1024xf32, #tpu.memory_space<vmem>>, vector<416x1024xf32>
    %dot_general3A = arith.constant dense<0.000000e+00> : vector<1024x1024xf32>
    %dot_general3A_29 = tpu.matmul %add3A_25, %get3A_28, %dot_general3A {dimension_numbers = #tpu.dot_dimension_numbers<[1], [0], [0], [1], [0, 0, 1, 1], [], []>, transpose_lhs_hint = false} : vector<1024x416xf32>, vector<416x1024xf32>, vector<1024x1024xf32> -> vector<1024x1024xf32>
    %get3A_30 = arith.constant 0 : index
    %get3A_31 = arith.constant 0 : index
    %get3A_32 = vector.load %arg6[%get3A_30, %get3A_31] : memref<1x1024xf32, #tpu.memory_space<vmem>>, vector<1x1024xf32>
    %add3A_33 = vector.broadcast %get3A_32 : vector<1x1024xf32> to vector<1024x1024xf32>
    %add3A_34 = arith.addf %dot_general3A_29, %add3A_33 : vector<1024x1024xf32>
    %max3A = arith.constant 0.000000e+00 : f32
    %max3A_35 = vector.broadcast %max3A : f32 to vector<1024x1024xf32>
    %max3A_36 = arith.maximumf %add3A_34, %max3A_35 : vector<1024x1024xf32>
    %get3A_37 = arith.constant 0 : index
    %get3A_38 = arith.constant 0 : index
    %get3A_39 = vector.load %arg7[%get3A_37, %get3A_38] : memref<1024x512xf32, #tpu.memory_space<vmem>>, vector<1024x512xf32>
    %dot_general3A_40 = arith.constant dense<0.000000e+00> : vector<1024x512xf32>
    %dot_general3A_41 = tpu.matmul %max3A_36, %get3A_39, %dot_general3A_40 {dimension_numbers = #tpu.dot_dimension_numbers<[1], [0], [0], [1], [0, 0, 1, 1], [], []>, transpose_lhs_hint = false} : vector<1024x1024xf32>, vector<1024x512xf32>, vector<1024x512xf32> -> vector<1024x512xf32>
    %get3A_42 = arith.constant 0 : index
    %get3A_43 = arith.constant 0 : index
    %get3A_44 = vector.load %arg8[%get3A_42, %get3A_43] : memref<1x512xf32, #tpu.memory_space<vmem>>, vector<1x512xf32>
    %add3A_45 = vector.broadcast %get3A_44 : vector<1x512xf32> to vector<1024x512xf32>
    %add3A_46 = arith.addf %dot_general3A_41, %add3A_45 : vector<1024x512xf32>
    %max3A_47 = arith.constant 0.000000e+00 : f32
    %max3A_48 = vector.broadcast %max3A_47 : f32 to vector<1024x512xf32>
    %max3A_49 = arith.maximumf %add3A_46, %max3A_48 : vector<1024x512xf32>
    %get3A_50 = arith.constant 0 : index
    %get3A_51 = arith.constant 0 : index
    %get3A_52 = vector.load %arg9[%get3A_50, %get3A_51] : memref<512x256xf32, #tpu.memory_space<vmem>>, vector<512x256xf32>
    %dot_general3A_53 = arith.constant dense<0.000000e+00> : vector<1024x256xf32>
    %dot_general3A_54 = tpu.matmul %max3A_49, %get3A_52, %dot_general3A_53 {dimension_numbers = #tpu.dot_dimension_numbers<[1], [0], [0], [1], [0, 0, 1, 1], [], []>, transpose_lhs_hint = false} : vector<1024x512xf32>, vector<512x256xf32>, vector<1024x256xf32> -> vector<1024x256xf32>
    %get3A_55 = arith.constant 0 : index
    %get3A_56 = arith.constant 0 : index
    %get3A_57 = vector.load %arg10[%get3A_55, %get3A_56] : memref<1x256xf32, #tpu.memory_space<vmem>>, vector<1x256xf32>
    %add3A_58 = vector.broadcast %get3A_57 : vector<1x256xf32> to vector<1024x256xf32>
    %add3A_59 = arith.addf %dot_general3A_54, %add3A_58 : vector<1024x256xf32>
    %max3A_60 = arith.constant 0.000000e+00 : f32
    %max3A_61 = vector.broadcast %max3A_60 : f32 to vector<1024x256xf32>
    %max3A_62 = arith.maximumf %add3A_59, %max3A_61 : vector<1024x256xf32>
    %get3A_63 = arith.constant 0 : index
    %get3A_64 = arith.constant 0 : index
    %get3A_65 = vector.load %arg11[%get3A_63, %get3A_64] : memref<256x128xf32, #tpu.memory_space<vmem>>, vector<256x128xf32>
    %dot_general3A_66 = arith.constant dense<0.000000e+00> : vector<1024x128xf32>
    %dot_general3A_67 = tpu.matmul %max3A_62, %get3A_65, %dot_general3A_66 {dimension_numbers = #tpu.dot_dimension_numbers<[1], [0], [0], [1], [0, 0, 1, 1], [], []>, transpose_lhs_hint = false} : vector<1024x256xf32>, vector<256x128xf32>, vector<1024x128xf32> -> vector<1024x128xf32>
    %get3A_68 = arith.constant 0 : index
    %get3A_69 = arith.constant 0 : index
    %get3A_70 = vector.load %arg12[%get3A_68, %get3A_69] : memref<1x128xf32, #tpu.memory_space<vmem>>, vector<1x128xf32>
    %add3A_71 = vector.broadcast %get3A_70 : vector<1x128xf32> to vector<1024x128xf32>
    %add3A_72 = arith.addf %dot_general3A_67, %add3A_71 : vector<1024x128xf32>
    %max3A_73 = arith.constant 0.000000e+00 : f32
    %max3A_74 = vector.broadcast %max3A_73 : f32 to vector<1024x128xf32>
    %max3A_75 = arith.maximumf %add3A_72, %max3A_74 : vector<1024x128xf32>
    %get3A_76 = arith.constant 0 : index
    %get3A_77 = arith.constant 0 : index
    %get3A_78 = vector.load %arg13[%get3A_76, %get3A_77] : memref<128x1xf32, #tpu.memory_space<vmem>>, vector<128x1xf32>
    %dot_general3A_79 = arith.constant dense<0.000000e+00> : vector<1024x1xf32>
    %dot_general3A_80 = tpu.matmul %max3A_75, %get3A_78, %dot_general3A_79 {dimension_numbers = #tpu.dot_dimension_numbers<[1], [0], [0], [1], [0, 0, 1, 1], [], []>, transpose_lhs_hint = false} : vector<1024x128xf32>, vector<128x1xf32>, vector<1024x1xf32> -> vector<1024x1xf32>
    %get3A_81 = arith.constant 0 : index
    %get3A_82 = arith.constant 0 : index
    %get3A_83 = vector.load %arg14[%get3A_81, %get3A_82] : memref<1x1xf32, #tpu.memory_space<vmem>>, vector<1x1xf32>
    %add3A_84 = vector.broadcast %get3A_83 : vector<1x1xf32> to vector<1024x1xf32>
    %add3A_85 = arith.addf %dot_general3A_80, %add3A_84 : vector<1024x1xf32>
    %get3A_86 = arith.constant 0 : index
    %get3A_87 = arith.constant 0 : index
    %get3A_88 = vector.load %arg2[%get3A_86, %get3A_87] : memref<1024x1xf32, #tpu.memory_space<vmem>>, vector<1024x1xf32>
    %add3A_89 = arith.addf %add3A_85, %get3A_88 : vector<1024x1xf32>
    %logistic3A = arith.negf %add3A_89 : vector<1024x1xf32>
    %logistic3A_90 = math.exp %logistic3A : vector<1024x1xf32>
    %logistic3A_91 = arith.constant 1.000000e+00 : f32
    %logistic3A_92 = vector.broadcast %logistic3A_91 : f32 to vector<1024x1xf32>
    %logistic3A_93 = arith.addf %logistic3A_92, %logistic3A_90 : vector<1024x1xf32>
    %logistic3A_94 = arith.divf %logistic3A_92, %logistic3A_93 : vector<1024x1xf32>
    %swap3A = arith.constant 0 : index
    %swap3A_95 = arith.constant 0 : index
    %swap3A_96 = vector.load %arg15[%swap3A, %swap3A_95] : memref<1024x1xf32, #tpu.memory_space<vmem>>, vector<1024x1xf32>
    tpu.vector_store %arg15[%swap3A, %swap3A_95], %logistic3A_94 {strides = array<i32>} : memref<1024x1xf32, #tpu.memory_space<vmem>>, vector<1024x1xf32>,
    return
  }
  func.func @transform_0(%arg0: i32) -> (i32, i32) {
    %c0_i32 = arith.constant 0 : i32
    %c0_i32_0 = arith.constant 0 : i32
    return %arg0, %c0_i32 : i32, i32
  }
  func.func @transform_1(%arg0: i32) -> (i32, i32) {
    %c0_i32 = arith.constant 0 : i32
    %c0_i32_0 = arith.constant 0 : i32
    return %arg0, %c0_i32 : i32, i32
  }
  func.func @transform_2(%arg0: i32) -> (i32, i32) {
    %c0_i32 = arith.constant 0 : i32
    %c0_i32_0 = arith.constant 0 : i32
    %c0_i32_1 = arith.constant 0 : i32
    return %c0_i32, %c0_i32_0 : i32, i32
  }
  func.func @transform_3(%arg0: i32) -> (i32, i32) {
    %c0_i32 = arith.constant 0 : i32
    %c0_i32_0 = arith.constant 0 : i32
    %c0_i32_1 = arith.constant 0 : i32
    return %c0_i32, %c0_i32_0 : i32, i32
  }
  func.func @transform_4(%arg0: i32) -> (i32, i32) {
    %c0_i32 = arith.constant 0 : i32
    %c0_i32_0 = arith.constant 0 : i32
    %c0_i32_1 = arith.constant 0 : i32
    return %c0_i32, %c0_i32_0 : i32, i32
  }
  func.func @transform_5(%arg0: i32) -> (i32, i32) {
    %c0_i32 = arith.constant 0 : i32
    %c0_i32_0 = arith.constant 0 : i32
    %c0_i32_1 = arith.constant 0 : i32
    return %c0_i32, %c0_i32_0 : i32, i32
  }
  func.func @transform_6(%arg0: i32) -> (i32, i32) {
    %c0_i32 = arith.constant 0 : i32
    %c0_i32_0 = arith.constant 0 : i32
    %c0_i32_1 = arith.constant 0 : i32
    return %c0_i32, %c0_i32_0 : i32, i32
  }
  func.func @transform_7(%arg0: i32) -> (i32, i32) {
    %c0_i32 = arith.constant 0 : i32
    %c0_i32_0 = arith.constant 0 : i32
    %c0_i32_1 = arith.constant 0 : i32
    return %c0_i32, %c0_i32_0 : i32, i32
  }
  func.func @transform_8(%arg0: i32) -> (i32, i32) {
    %c0_i32 = arith.constant 0 : i32
    %c0_i32_0 = arith.constant 0 : i32
    %c0_i32_1 = arith.constant 0 : i32
    return %c0_i32, %c0_i32_0 : i32, i32
  }
  func.func @transform_9(%arg0: i32) -> (i32, i32) {
    %c0_i32 = arith.constant 0 : i32
    %c0_i32_0 = arith.constant 0 : i32
    %c0_i32_1 = arith.constant 0 : i32
    return %c0_i32, %c0_i32_0 : i32, i32
  }
  func.func @transform_10(%arg0: i32) -> (i32, i32) {
    %c0_i32 = arith.constant 0 : i32
    %c0_i32_0 = arith.constant 0 : i32
    %c0_i32_1 = arith.constant 0 : i32
    return %c0_i32, %c0_i32_0 : i32, i32
  }
  func.func @transform_11(%arg0: i32) -> (i32, i32) {
    %c0_i32 = arith.constant 0 : i32
    %c0_i32_0 = arith.constant 0 : i32
    %c0_i32_1 = arith.constant 0 : i32
    return %c0_i32, %c0_i32_0 : i32, i32
  }
  func.func @transform_12(%arg0: i32) -> (i32, i32) {
    %c0_i32 = arith.constant 0 : i32
    %c0_i32_0 = arith.constant 0 : i32
    %c0_i32_1 = arith.constant 0 : i32
    return %c0_i32, %c0_i32_0 : i32, i32
  }
  func.func @transform_13(%arg0: i32) -> (i32, i32) {
    %c0_i32 = arith.constant 0 : i32
    %c0_i32_0 = arith.constant 0 : i32
    %c0_i32_1 = arith.constant 0 : i32
    return %c0_i32, %c0_i32_0 : i32, i32
  }
  func.func @transform_14(%arg0: i32) -> (i32, i32) {
    %c0_i32 = arith.constant 0 : i32
    %c0_i32_0 = arith.constant 0 : i32
    return %arg0, %c0_i32 : i32, i32
  }
}

</mosaic_0001>

<sc_bundles>
// kernel: kernel.5.cloned.1.call-start
scs
__scs_entry_jumppad:
0x0: {  	(pc) =	sbr.rel $0x88, $3  }
0x1: {  	(tag) =	ssettag $0x0;
	lr =	simm.s32 $0x1  }
0x2: {  	[smem:$0x3F92] =	sst lr;
	_ =	strace $0xD0000000  }
0x3: {  	_ = 	snop  }
0x4: {  	_ = 	snop  }
0x5: {  	_ = 	snop  }
0x6: {  	_ = 	snop  }
0x7: {  	_ = 	snop  }
__scs_overlays_trampoline_lowered:
0x8: {  	[smem:$0x3FA1] =	sst s0  }
0x9: {  	[smem:$0x3FA2] =	sst s1  }
0xa: {  	[smem:$0x3FA3] =	sst s2  }
0xb: {  	[smem:$0x3FA4] =	sst s3  }
0xc: {  	[smem:$0x3FA5] =	sst s4  }
0xd: {  	[smem:$0x3FA6] =	sst s5  }
0xe: {  	[smem:$0x3FA7] =	sst s6  }
0xf: {  	[smem:$0x3FA8] =	sst s7  }
0x10: {  	[smem:$0x3FA9] =	sst s8  }
0x11: {  	[smem:$0x3FAA] =	sst s9;
	s0 =	simm.s32 @!p0 $0x0  }
0x12: {  	s1 =	sld [smem:$0x3F90];
	s0 =	simm.s32 @p0 $0x1  }
0x13: {  	[smem:$0x3FAB] =	sst s0;
	s0 =	simm.s32 @!p1 $0x0  }
0x14: {  	s2 =	sld [smem:$0x3F8F];
	s0 =	simm.s32 @p1 $0x1  }
0x15: {  	[smem:$0x3FAC] =	sst s0;
	s0 =	simm.s32 @!p2 $0x0  }
0x16: {  	s3 =	sld [smem:$0x3FDB];
	s0 =	simm.s32 @p2 $0x1  }
0x17: {  	s4 =	simm.s32 $0x1BF5;
	[smem:$0x3FAE] =	sst s0  }
0x18: {  	s0 =	sld [smem:$0x3F91];
	_ =	swait.ge [sflag:s4], $0x0  }
0x19: {  	s7 =	sld [smem:$0x3F92]  }
0x1a: {  	s8 =	sadd.s32 $0xFFFFE003, lr  }
0x1b: {  	s9 =	sadd.s32 $0xFFFFFEF7, lr;
	s5 =	simm.s32 $0xFFFFFFFF;
	p2 =	slt.u32 s8, $0xFFFFF086  }
0x1c: {  	p1 =	slt.u32 s9, $0xF7A;
	s5 =	simm.s32 @!p2 $0x0  }
0x1d: {  	s5 =	simm.s32 @p1 $0x1;
	p0 =	seq.s32 s7, s2  }
0x1e: {  	s7 =	smul.u32 @!p0 $0xF7A, s2;
	p2 =	seq.s32 @!p0 s5, $0x0  }
0x1f: {  	s9 =	smul.u32 $0xF7A, s1;
	s8 =	simm.s32 @!p0 $0x1BF5;
	p2 =	por !p2, p0  }
0x20: {  	[sflag:s8] =	ssyncset.s32 @!p0 $0xFFFFF086;
	s6 =	sadd.s32 @!p0 s3, s7;
	s7 =	simm.s32 @!p0 $0x108  }
0x21: {  	s3 =	sadd.s32 s3, s9;
	s6 =	sadd.s32 @!p0 $0x88, s6;
	s7 =	simm.s32 @p2 $0x1082  }
0x22: {  	[simem:s7], [sflag:s8] =	dma.local @!p0 [hbm:s6], $0xF7A  }
0x23: {  	s9 =	sor.u32 $0xD0000000, s2;
	s6 =	simm.s32 $0x108;
	_ =	swait.ge @!p0 [sflag:s8], $0x0  }
0x24: {  	s3 =	sadd.s32 $0x88, s3;
	s6 =	simm.s32 @!p1 $0x1082;
	[sflag:s4] =	ssyncset.s32 $0xFFFFF086  }
0x25: {  	[simem:s6], [sflag:s4] =	dma.local [hbm:s3], $0xF7A  }
0x26: {  	[smem:$0x3F92] =	sst s1;
	(tag) =	ssettag s2;
	_ =	strace s9  }
0x27: {  	s1 =	sld [smem:$0x3FA2]  }
0x28: {  	s2 =	sld [smem:$0x3FA3]  }
0x29: {  	s4 =	sld [smem:$0x3FA5]  }
0x2a: {  	p0 =	seq.s32 s5, $0x0;
	s5 =	sld [smem:$0x3FA6]  }
0x2b: {  	s6 =	sld [smem:$0x3FA7]  }
0x2c: {  	s7 =	sld [smem:$0x3FA8]  }
0x2d: {  	s3 =	simm.s32 $0x108;
	s8 =	sld [smem:$0x3FA9]  }
0x2e: {  	s3 =	simm.s32 @!p0 $0x1082;
	s9 =	sld [smem:$0x3FAA]  }
0x2f: {  	lr =	sadd.s32 s0, s3;
	s0 =	sld [smem:$0x3FA1]  }
0x30: {  	s3 =	sld [smem:$0x3FA4]  }
0x31: {  	[smem:$0x3FAD] =	sst s10  }
0x32: {  	s10 =	sld [smem:$0x3FAB];
	_ =	sdelay $0x3  }
0x33: {  	p0 =	seq.s32 s10, $0x1;
	s10 =	sld [smem:$0x3FAD];
	_ =	sdelay $0x3  }
0x34: {  	[smem:$0x3FAD] =	sst s10  }
0x35: {  	s10 =	sld [smem:$0x3FAC];
	_ =	sdelay $0x3  }
0x36: {  	p1 =	seq.s32 s10, $0x1;
	s10 =	sld [smem:$0x3FAD];
	_ =	sdelay $0x3  }
0x37: {  	[smem:$0x3FAD] =	sst s10  }
0x38: {  	s10 =	sld [smem:$0x3FAE]  }
0x39: {  	_ = 	snop;
	(pc) =	sbr.ind lr, $3  }
0x3a: {  	_ = 	snop  }
0x3b: {  	_ = 	snop  }
0x3c: {  	p2 =	seq.s32 s10, $0x1;
	s10 =	sld [smem:$0x3FAD]  }
0x3d: {  	_ =	shalt  }
0x3e: {  	_ =	shalt  }
0x3f: {  	_ =	shalt  }
0x40: {  	_ =	shalt  }
0x41: {  	_ =	shalt  }
0x42: {  	_ =	shalt  }
0x43: {  	_ =	shalt  }
0x44: {  	_ =	shalt  }
0x45: {  	_ =	shalt  }
0x46: {  	_ =	shalt  }
0x47: {  	_ =	shalt  }
0x48: {  	_ =	shalt  }
0x49: {  	_ =	shalt  }
0x4a: {  	_ =	shalt  }
0x4b: {  	_ =	shalt  }
0x4c: {  	_ =	shalt  }
0x4d: {  	_ =	shalt  }
0x4e: {  	_ =	shalt  }
0x4f: {  	_ =	shalt  }
0x50: {  	_ =	shalt  }
0x51: {  	_ =	shalt  }
0x52: {  	_ =	shalt  }
0x53: {  	_ =	shalt  }
0x54: {  	_ =	shalt  }
0x55: {  	_ =	shalt  }
0x56: {  	_ =	shalt  }
0x57: {  	_ =	shalt  }
0x58: {  	_ =	shalt  }
0x59: {  	_ =	shalt  }
0x5a: {  	_ =	shalt  }
0x5b: {  	_ =	shalt  }
0x5c: {  	_ =	shalt  }
0x5d: {  	_ =	shalt  }
0x5e: {  	_ =	shalt  }
0x5f: {  	_ =	shalt  }
0x60: {  	_ =	shalt  }
0x61: {  	_ =	shalt  }
0x62: {  	_ =	shalt  }
0x63: {  	_ =	shalt  }
0x64: {  	_ =	shalt  }
0x65: {  	_ =	shalt  }
0x66: {  	_ =	shalt  }
0x67: {  	_ =	shalt  }
0x68: {  	_ =	shalt  }
0x69: {  	_ =	shalt  }
0x6a: {  	_ =	shalt  }
0x6b: {  	_ =	shalt  }
0x6c: {  	_ =	shalt  }
0x6d: {  	_ =	shalt  }
0x6e: {  	_ =	shalt  }
0x6f: {  	_ =	shalt  }
0x70: {  	_ =	shalt  }
0x71: {  	_ =	shalt  }
0x72: {  	_ =	shalt  }
0x73: {  	_ =	shalt  }
0x74: {  	_ =	shalt  }
0x75: {  	_ =	shalt  }
0x76: {  	_ =	shalt  }
0x77: {  	_ =	shalt  }
0x78: {  	_ =	shalt  }
0x79: {  	_ =	shalt  }
0x7a: {  	_ =	shalt  }
0x7b: {  	_ =	shalt  }
0x7c: {  	_ =	shalt  }
0x7d: {  	_ =	shalt  }
0x7e: {  	_ =	shalt  }
0x7f: {  	_ =	shalt  }
0x80: {  	_ =	shalt  }
0x81: {  	_ =	shalt  }
0x82: {  	_ =	shalt  }
0x83: {  	_ =	shalt  }
0x84: {  	_ =	shalt  }
0x85: {  	_ =	shalt  }
0x86: {  	_ =	shalt  }
0x87: {  	_ =	shalt  }
.Lfunc_end0:
.L_simem_size_0:
called_computation_lowered:
.L_overlay_start_0:
0x88: {  	s2 =	sld [smem:$0x3FD9]  }
0x89: {  	s3 =	sld [smem:$0x3FFE];
	_ =	sdelay $0x1  }
0x8a: {  	s1 =	srdreg.scid  }
0x8b: {  	s0 =	sand.u32 $0x1, s1  }
0x8c: {  	s17 =	sshll.u32 s0, $0xA;
	s2 =	sadd.s32 s3, s2  }
0x8d: {  	s2 =	sadd.s32 s2, s17  }
0x8e: {  	[smem:$0x3FB9] =	sst s2  }
0x8f: {  	_ = 	snop  }
0x90: {  	s2 =	sld [smem:$0x3FC8]  }
0x91: {  	s18 =	sld [smem:$0x3FC7]  }
0x92: {  	s4 =	sld [smem:$0x3FD0];
	(tm) =	ssettm $0x1  }
0x93: {  	s5 =	sld [smem:$0x3FFB];
	_ =	sdelay $0x3  }
0x94: {  	_ =	strace s5  }
0x95: {  	s5 =	sld [smem:$0x3FFC];
	_ =	sdelay $0x3  }
0x96: {  	_ =	strace s5  }
0x97: {  	s5 =	sld [smem:$0x3FFD];
	_ =	sdelay $0x3  }
0x98: {  	_ =	strace s5  }
0x99: {  	_ =	strace $0x8FFFFFFF  }
0x9a: {  	s19 =	sld [smem:$0x3FDB];
	_ =	sdelay $0x1  }
0x9b: {  	s6 =	simm.s32 $_scs_section_size  }
0x9c: {  	s7 =	simm.s32 $_size__tile_overlayer_lowered;
	s8 =	simm.s32 $_tile_overlayer_lowered  }
0x9d: {  	s22 =	simm.s32 $0x1BFF;
	s21 =	sshll.u32 s8, $0x1;
	s5 =	sadd.s32 s6, s19  }
0x9e: {  	s9 =	simm.s32 $0x0;
	s20 =	sshll.u32 s7, $0x1;
	s7 =	sadd.s32 s21, s5  }
0x9f: {  	[timem:s9], [sflag:s22] =	dma.local [hbm:s7], s20  }
0xa0: {  	_ =	swait.ge [sflag:s22], s20  }
0xa1: {  	s6 =	ssub.s32 $0x0, s20;
	[sflag:s22] =	ssyncset.done $0x0  }
0xa2: {  	[sflag:s22] =	ssyncadd.s32 s6;
	_ =	sdelay $0x1  }
0xa3: {  	s23 =	simm.s32 $0x1B8B  }
0xa4: {  	_ =	swait.ge [sflag:s23], $0x1  }
0xa5: {  	[sflag:s23] =	ssyncset.done $0x0  }
0xa6: {  	s25 =	simm.s32 $0x1B8E;
	s24 =	sld [smem:$0x3FFE];
	[sflag:s23] =	ssyncadd.s32 $0xFFFFFFFF  }
0xa7: {  	s26 =	simm.s32 $execute0_lowered;
	[smem:$0x3FD2] =	sst s25  }
0xa8: {  	s7 =	sshll.u32 s26, $0x1;
	_ =	strace $0x80000046;
	[dreg:$0x1] =	wrdreg $0xFFFFFFFF  }
0xa9: {  	s28 =	simm.s32 $_size_execute0_lowered;
	s5 =	sadd.s32 s5, s7;
	[dreg:$0x0] =	wrdreg $0x0  }
0xaa: {  	s7 =	sshll.u32 s28, $0x1;
	[dreg:$0x2] =	wrdreg s5  }
0xab: {  	[dreg:$0x3] =	wrdreg s7  }
0xac: {  	[dreg:$0x4] =	wrdreg $0xC0  }
0xad: {  	_ =	task [dreg:s9], $0x5FFFF  }
0xae: {  	[dreg:$0x1] =	wrdreg $0xFFFFFFFF  }
0xaf: {  	[dreg:$0x0] =	wrdreg $0x60  }
0xb0: {  	[dreg:$0x2] =	wrdreg s2  }
0xb1: {  	[dreg:$0x3] =	wrdreg s18  }
0xb2: {  	[dreg:$0x4] =	wrdreg s4  }
0xb3: {  	[dreg:$0x5] =	wrdreg s24  }
0xb4: {  	[dreg:$0x6] =	wrdreg $0x9  }
0xb5: {  	_ =	task.clear_ibuf [dreg:s9], $0x7FFFF;
	_ =	strace $0x90000046  }
0xb6: {  	s29 =	simm.s32 $0x9;
	_ =	strace $0x80000048  }
0xb7: {  	_ =	swait.ge [sflag:s29], $0x1  }
0xb8: {  	[sflag:s29] =	ssyncadd.s32 $0xFFFFFFFF  }
0xb9: {  	_ =	strace $0x90000048  }
0xba: {  	_ =	sfence  }
0xbb: {  	s30 =	sld [smem:$0x0];
	_ =	sdelay $0x2  }
0xbc: {  	s31 =	sshll.u32 s1, $0xD;
	s1 =	sshrl.u32 s1, $0x2  }
0xbd: {  	s3 =	sand.u32 $0x4000, s31;
	s1 =	sadd.s32 s1, s30  }
0xbe: {  	s0 =	sor.u32 s3, s0;
	s1 =	sshll.u32 s1, $0x11  }
0xbf: {  	s0 =	sor.u32 s1, s0  }
0xc0: {  	s0 =	sadd.s32 $0x8F2B, s0  }
0xc1: {  	[sflag:s0] =	ssyncadd.remote.s32 $0x1  }
0xc2: {  	_ =	sfence.sel $0xFFFF  }
0xc3: {  	[dreg:$0x0] =	wrdreg $0xFFFFFFFF;
	(pc) =	sbr.abs _section_cstart, $3  }
0xc4: {  	[dreg:$0x1] =	wrdreg $0xFFFFFFFF  }
0xc5: {  	_ =	task.clear_ibuf [dreg:s9], $0x2FFFF;
	_ =	strace $0x9FFFFFFF  }
0xc6: {  	(tm) =	ssettm $0x7FFFFFFF  }
0xc7: {  	_ =	shalt  }
tec
execute0_lowered:
.L_overlay_start_1:
0x0: {  	(tag) =	ssettag $0x1  }
0x1: {  	v0 =	vlaneseq.u32  }
0x2: {  	v0 =	vmul.u32 $0x10, v0;
	_ =	sdelay $0x1  }
0x3: {  	v1 =	vor.u32 $0x1, v0;
	v2 =	vor.u32 $0x2, v0;
	v3 =	vor.u32 $0x3, v0  }
0x4: {  	v4 =	vor.u32 $0x4, v0;
	v5 =	vor.u32 $0x5, v0;
	v6 =	vor.u32 $0x6, v0  }
0x5: {  	v7 =	vor.u32 $0x7, v0;
	v8 =	vor.u32 $0x8, v0;
	v9 =	vor.u32 $0x9, v0  }
0x6: {  	v10 =	vor.u32 $0xA, v0;
	v11 =	vor.u32 $0xB, v0;
	v12 =	vor.u32 $0xC, v0  }
0x7: {  	v13 =	vor.u32 $0xD, v0;
	v14 =	vor.u32 $0xE, v0;
	v15 =	vor.u32 $0xF, v0  }
0x8: {  	v16 =	vor.u32 $0x100, v0;
	v20 =	vor.u32 $0x104, v0;
	v21 =	vor.u32 $0x105, v0  }
0x9: {  	v22 =	vor.u32 $0x106, v0;
	v23 =	vor.u32 $0x107, v0;
	v24 =	vor.u32 $0x108, v0  }
0xa: {  	v25 =	vor.u32 $0x109, v0;
	v26 =	vor.u32 $0x10A, v0;
	v27 =	vor.u32 $0x10B, v0  }
0xb: {  	s0 =	rddreg [dreg:$0x0];
	v28 =	vor.u32 $0x10C, v0;
	v29 =	vor.u32 $0x10D, v0;
	v30 =	vor.u32 $0x10E, v0  }
0xc: {  	s1 =	rddreg [dreg:$0x1];
	v31 =	vor.u32 $0x10F, v0;
	v32 =	vor.u32 $0x200, v0;
	v33 =	vor.u32 $0x201, v0  }
0xd: {  	s2 =	rddreg [dreg:$0x3];
	s4 =	simm.s32 $0x0;
	s3 =	srdreg.scid;
	v34 =	vor.u32 $0x202, v0;
	v35 =	vor.u32 $0x203, v0;
	v36 =	vor.u32 $0x204, v0  }
0xe: {  	s6 =	stileid.u32;
	s13 =	simm.s32 $0x3000;
	s14 =	simm.s32 $0x7A1400;
	v37 =	vor.u32 $0x205, v0;
	v38 =	vor.u32 $0x206, v0;
	v39 =	vor.u32 $0x207, v0  }
0xf: {  	s15 =	simm.s32 $0x6000;
	s16 =	simm.s32 $0x1;
	s17 =	simm.s32 $0xC600;
	v40 =	vor.u32 $0x208, v0;
	v41 =	vor.u32 $0x209, v0;
	v42 =	vor.u32 $0x20A, v0  }
0x10: {  	s18 =	simm.s32 $0x2;
	s19 =	simm.s32 $0xCC00;
	s20 =	simm.s32 $0x3;
	v43 =	vor.u32 $0x20B, v0;
	v44 =	vor.u32 $0x20C, v0;
	v45 =	vor.u32 $0x20D, v0  }
0x11: {  	s21 =	simm.s32 $0x4;
	s22 =	simm.s32 $0x5;
	s23 =	simm.s32 $0xC000;
	v46 =	vor.u32 $0x20E, v0;
	v47 =	vor.u32 $0x20F, v0;
	v48 =	vor.u32 $0x300, v0  }
0x12: {  	s24 =	simm.s32 $0x0;
	[smem:$0x7FF] =	sst s4;
	s3 =	sand.u32 $0x1, s3;
	v49 =	vor.u32 $0x301, v0;
	v50 =	vor.u32 $0x302, v0;
	v51 =	vor.u32 $0x303, v0  }
.Ltmp0:
0x13: {  	s5 =	sadd.s32 $0x2A00, s2;
	s9 =	ssub.s32 $0x2, s3;
	v52 =	vor.u32 $0x304, v0;
	v53 =	vor.u32 $0x305, v0;
	[tilespmem:$0x1FFC0] =	vst v16;
	v16 =	vor.u32 $0x101, v0;
	(pc) =	sbr.rel .LBB2_1-.Ltmp0, $4  }
0x14: {  	s7 =	sadd.s32 $0x2C00, s2;
	s8 =	sadd.s32 $0x21600, s2;
	s10 =	sshrl.u32 s9, $0x1;
	v54 =	vor.u32 $0x306, v0;
	v55 =	vor.u32 $0x307, v0;
	[tilespmem:$0x1FFD0] =	vst v16;
	v16 =	vor.u32 $0x102, v0  }
0x15: {  	s31 =	sshll.u32 s6, $0x1;
	s11 =	sadd.s32 $0x21440, s2;
	v56 =	vor.u32 $0x308, v0;
	v57 =	vor.u32 $0x309, v0;
	s12 =	ssub.s32 s9, s10;
	[tilespmem:$0x1FFE0] =	vst v16;
	v16 =	vor.u32 $0x103, v0  }
0x16: {  	v58 =	vor.u32 $0x30A, v0;
	v59 =	vor.u32 $0x30B, v0;
	v60 =	vor.u32 $0x30C, v0;
	s9 =	sor.u32 s3, s31;
	s10 =	sadd.s32 $0x209A00, s2;
	s12 =	smax.u32 s12, $0x1;
	[tilespmem:$0x1FFF0] =	vst v16  }
0x17: {  	v61 =	vor.u32 $0x30D, v0;
	v62 =	vor.u32 $0x30E, v0;
	v63 =	vor.u32 $0x30F, v0;
	p0 =	seq.s32 s9, $0x3;
	p1 =	sne.s32 s9, $0x2;
	_ =	strace $0x80000047  }
.LBB2_12:
0x18: {  	s2 =	sshll.u32 s6, $0x6  }
0x19: {  	s2 =	sor.u32 $0x1C05, s2  }
0x1a: {  	[hbm:s10], [sflag:s2] =	dma.local [hbm:s5], $0x80  }
0x1b: {  	_ =	swait.ge [sflag:s22], $0x80  }
0x1c: {  	[sflag:s22] =	ssyncset.done $0x0  }
0x1d: {  	[sflag:s22] =	ssyncadd.s32 $0xFFFFFF80  }
.LBB2_13:
0x1e: {  	s24 =	sadd.s32 $0x1, s24  }
0x1f: {  	p2 =	sne.s32 s24, s12  }
.Ltmp1:
0x20: {  	_ = 	snop;
	(pc) =	sbr.rel @!p2 .LBB2_14-.Ltmp1, $1  }
0x21: {  	_ =	sdelay $0x3  }
.LBB2_1:
.Ltmp2:
0x22: {  	(pc) =	sbr.rel .LBB2_2-.Ltmp2, $2  }
0x23: {  	_ =	sdelay $0x2  }
0x24: {  	s25 =	simm.s32 $0x0  }
.LBB2_8:
0x25: {  	s25 =	sadd.s32 $0x1, s25  }
0x26: {  	p2 =	sne.s32 s25, $0x15  }
.Ltmp3:
0x27: {  	_ = 	snop;
	(pc) =	sbr.rel @!p2 .LBB2_9-.Ltmp3, $1  }
0x28: {  	_ =	sdelay $0x3  }
.LBB2_2:
0x29: {  	s2 =	sshll.u32 s25, $0x5  }
0x2a: {  	s26 =	sor.u32 s9, s2  }
0x2b: {  	p2 =	sgt.u32 s26, $0x28A  }
.Ltmp4:
0x2c: {  	_ = 	snop;
	(pc) =	sbr.rel @p2 .LBB2_8-.Ltmp4, $1  }
0x2d: {  	_ =	sdelay $0x3  }
0x2e: {  	s2 =	smul.u32 $0x600, s26;
	_ =	sdelay $0x1  }
0x2f: {  	s3 =	sadd.s32 s0, s2  }
0x30: {  	[tilespmem:s4], [sflag:$0x1] =	stream.strided.gather [hbm4b:s3+s13], $0x6000, s14, s13, $0x38;
	[tilespmem:$0x12C00] =	vst v63  }
0x31: {  	p2 =	seq.s32 s25, $0x0;
	s2 =	sadd.s32 s1, s2  }
0x32: {  	[tilespmem:s15], [sflag:$0x2] =	stream.strided.gather [hbm4b:s2+s13], $0x6000, s14, s13, $0x38;
	[tilespmem:$0x12C00] =	vst v63  }
0x33: {  	s2 =	simm.s32 @!p2 $0x3  }
0x34: {  	_ =	swait.ge @!p2 [sflag:s2], $0x600  }
0x35: {  	[sflag:s2] =	ssyncset.done @!p2 $0x0  }
0x36: {  	[sflag:s2] =	ssyncadd.s32 @!p2 $0xFFFFFA00;
	s2 =	simm.s32 @!p2 $0x4  }
0x37: {  	_ =	swait.ge @!p2 [sflag:s2], $0x6000  }
0x38: {  	[sflag:s2] =	ssyncset.done @!p2 $0x0  }
0x39: {  	[sflag:s2] =	ssyncadd.s32 @!p2 $0xFFFFA000  }
0x3a: {  	s3 =	simm.s32 $0x0;
	_ =	swait.ge [sflag:s16], $0x6000  }
0x3b: {  	s31 =	sand.u32 $0x70, s3;
	s2 =	sand.u32 $0x3C00, s3;
	[sflag:s16] =	ssyncset.done $0x0  }
0x3c: {  	s2 =	sor.u32 s31, s2;
	[sflag:s16] =	ssyncadd.s32 $0xFFFFA000  }
0x3d: {  	v16 =	vld [tilespmem:s2+$0x80]  }
0x3e: {  	v17 =	vld [tilespmem:s2+$0x0];
	_ =	sdelay $0x1  }
0x3f: {  	v18 =	vld [tilespmem:s2+$0x100];
	_ =	sdelay $0x1  }
0x40: {  	v19 =	vld [tilespmem:s2+$0x180]  }
0x41: {  	v16 =	vadd.f32 v16, v17  }
0x42: {  	v17 =	vld [tilespmem:s2+$0x200]  }
0x43: {  	v16 =	vadd.f32 v18, v16  }
0x44: {  	v18 =	vld [tilespmem:s2+$0x280]  }
0x45: {  	v16 =	vadd.f32 v19, v16  }
0x46: {  	v19 =	vld [tilespmem:s2+$0x300]  }
0x47: {  	v16 =	vadd.f32 v17, v16  }
0x48: {  	v17 =	vld [tilespmem:s2+$0x380]  }
0x49: {  	v16 =	vadd.f32 v18, v16  }
0x4a: {  	v18 =	vld [tilespmem:s2+$0x3000]  }
0x4b: {  	v16 =	vadd.f32 v19, v16  }
0x4c: {  	v19 =	vld [tilespmem:s2+$0x3080]  }
0x4d: {  	v16 =	vadd.f32 v17, v16  }
0x4e: {  	v17 =	vld [tilespmem:s2+$0x3100]  }
0x4f: {  	v16 =	vadd.f32 v18, v16  }
0x50: {  	v18 =	vld [tilespmem:s2+$0x3180]  }
0x51: {  	v16 =	vadd.f32 v19, v16  }
0x52: {  	v19 =	vld [tilespmem:s2+$0x3200]  }
0x53: {  	v16 =	vadd.f32 v17, v16  }
0x54: {  	v17 =	vld [tilespmem:s2+$0x3280]  }
0x55: {  	v16 =	vadd.f32 v18, v16  }
0x56: {  	v18 =	vld [tilespmem:s2+$0x3300]  }
0x57: {  	v16 =	vadd.f32 v19, v16  }
0x58: {  	v19 =	vld [tilespmem:s2+$0x3380]  }
0x59: {  	v16 =	vadd.f32 v17, v16;
	_ =	sdelay $0x1  }
0x5a: {  	v16 =	vadd.f32 v18, v16;
	_ =	sdelay $0x1  }
0x5b: {  	s29 =	simm.s32 $0x80;
	s31 =	simm.s32 $0x10;
	v16 =	vadd.f32 v19, v16  }
0x5c: {  	s28 =	sand.u32 $0x3C00, s29;
	s3 =	simm.s32 $0xC600;
	s2 =	sand.u32 $0x70, s31  }
0x5d: {  	s30 =	simm.s32 $0x20;
	s28 =	sor.u32 s2, s28;
	[tilespmem:s3+$0x0] =	vst v16  }
.LBB2_4:
0x5e: {  	p2 =	sne.s32 s30, $0x5F0;
	v16 =	vld [tilespmem:s28+$0x80]  }
0x5f: {  	v17 =	vld [tilespmem:s28+$0x0];
	_ =	sdelay $0x1  }
0x60: {  	v18 =	vld [tilespmem:s28+$0x100];
	_ =	sdelay $0x1  }
0x61: {  	v19 =	vld [tilespmem:s28+$0x180]  }
0x62: {  	v16 =	vadd.f32 v16, v17  }
0x63: {  	v17 =	vld [tilespmem:s28+$0x200]  }
0x64: {  	v16 =	vadd.f32 v18, v16  }
0x65: {  	v18 =	vld [tilespmem:s28+$0x280]  }
0x66: {  	v16 =	vadd.f32 v19, v16  }
0x67: {  	v19 =	vld [tilespmem:s28+$0x300]  }
0x68: {  	v16 =	vadd.f32 v17, v16  }
0x69: {  	v17 =	vld [tilespmem:s28+$0x380]  }
0x6a: {  	v16 =	vadd.f32 v18, v16  }
0x6b: {  	v18 =	vld [tilespmem:s28+$0x3000]  }
0x6c: {  	v16 =	vadd.f32 v19, v16  }
0x6d: {  	v19 =	vld [tilespmem:s28+$0x3080]  }
0x6e: {  	v16 =	vadd.f32 v17, v16  }
0x6f: {  	v17 =	vld [tilespmem:s28+$0x3100]  }
0x70: {  	v16 =	vadd.f32 v18, v16  }
0x71: {  	v18 =	vld [tilespmem:s28+$0x3180]  }
0x72: {  	v16 =	vadd.f32 v19, v16  }
0x73: {  	v19 =	vld [tilespmem:s28+$0x3200]  }
0x74: {  	v16 =	vadd.f32 v17, v16  }
0x75: {  	v17 =	vld [tilespmem:s28+$0x3280]  }
0x76: {  	v16 =	vadd.f32 v18, v16  }
0x77: {  	v18 =	vld [tilespmem:s28+$0x3300]  }
0x78: {  	v16 =	vadd.f32 v19, v16  }
0x79: {  	v19 =	vld [tilespmem:s28+$0x3380]  }
0x7a: {  	v16 =	vadd.f32 v17, v16;
	_ =	sdelay $0x1  }
.Ltmp5:
0x7b: {  	v16 =	vadd.f32 v18, v16;
	(pc) =	sbr.rel @p2 .LBB2_4-.Ltmp5, $4  }
0x7c: {  	_ = 	snop  }
0x7d: {  	s29 =	sadd.s32 $0x80, s29;
	v16 =	vadd.f32 v19, v16  }
0x7e: {  	s2 =	sand.u32 $0x70, s30;
	s3 =	sadd.s32 $0x10, s3;
	s28 =	sand.u32 $0x3C00, s29  }
0x7f: {  	s30 =	sadd.s32 $0x10, s30;
	s28 =	sor.u32 s2, s28;
	[tilespmem:s3+$0x0] =	vst v16  }
0x80: {  	v16 =	vld [tilespmem:s28+$0x80]  }
0x81: {  	v17 =	vld [tilespmem:s28+$0x0];
	_ =	sdelay $0x1  }
0x82: {  	v18 =	vld [tilespmem:s28+$0x100];
	_ =	sdelay $0x1  }
0x83: {  	v19 =	vld [tilespmem:s28+$0x180]  }
0x84: {  	v16 =	vadd.f32 v16, v17  }
0x85: {  	v17 =	vld [tilespmem:s28+$0x200]  }
0x86: {  	v16 =	vadd.f32 v18, v16  }
0x87: {  	v18 =	vld [tilespmem:s28+$0x280]  }
0x88: {  	v16 =	vadd.f32 v19, v16  }
0x89: {  	v19 =	vld [tilespmem:s28+$0x300]  }
0x8a: {  	v16 =	vadd.f32 v17, v16  }
0x8b: {  	v17 =	vld [tilespmem:s28+$0x380]  }
0x8c: {  	v16 =	vadd.f32 v18, v16  }
0x8d: {  	v18 =	vld [tilespmem:s28+$0x3000]  }
0x8e: {  	v16 =	vadd.f32 v19, v16  }
0x8f: {  	v19 =	vld [tilespmem:s28+$0x3080]  }
0x90: {  	v16 =	vadd.f32 v17, v16  }
0x91: {  	v17 =	vld [tilespmem:s28+$0x3100]  }
0x92: {  	v16 =	vadd.f32 v18, v16  }
0x93: {  	v18 =	vld [tilespmem:s28+$0x3180]  }
0x94: {  	v16 =	vadd.f32 v19, v16  }
0x95: {  	v19 =	vld [tilespmem:s28+$0x3200]  }
0x96: {  	v16 =	vadd.f32 v17, v16  }
0x97: {  	v17 =	vld [tilespmem:s28+$0x3280]  }
0x98: {  	v16 =	vadd.f32 v18, v16  }
0x99: {  	v18 =	vld [tilespmem:s28+$0x3300]  }
0x9a: {  	v16 =	vadd.f32 v19, v16  }
0x9b: {  	v19 =	vld [tilespmem:s28+$0x3380]  }
0x9c: {  	v16 =	vadd.f32 v17, v16;
	_ =	sdelay $0x1  }
0x9d: {  	v16 =	vadd.f32 v18, v16;
	_ =	sdelay $0x1  }
0x9e: {  	s2 =	smul.u32 $0xC0, s26;
	v16 =	vadd.f32 v19, v16  }
0x9f: {  	s3 =	sadd.s32 $0x10, s3  }
0xa0: {  	s2 =	sadd.s32 s7, s2;
	s28 =	simm.s32 $0x0;
	[tilespmem:s3+$0x0] =	vst v16  }
0xa1: {  	[hbm4b:s2+s28] =	stream.linear.scatter [tilespmem:s17], [sflag:$0x3], $0x600, $0x38;
	[tilespmem:$0x12C00] =	vst v63  }
0xa2: {  	_ =	swait.ge [sflag:s18], $0x6000  }
0xa3: {  	s3 =	sand.u32 $0x3C00, s28;
	s2 =	sand.u32 $0x70, s28;
	[sflag:s18] =	ssyncset.done $0x0  }
0xa4: {  	s2 =	sor.u32 s2, s3;
	[sflag:s18] =	ssyncadd.s32 $0xFFFFA000  }
0xa5: {  	v16 =	vld [tilespmem:s2+$0x6000];
	_ =	sdelay $0x3  }
0xa6: {  	s29 =	simm.s32 $0xCC00  }
0xa7: {  	[tilespmem:v0+s29+$0x0] =	vst.idx.msk $0xffff, v16  }
0xa8: {  	v16 =	vld [tilespmem:s2+$0x6080];
	_ =	sdelay $0x4  }
0xa9: {  	[tilespmem:v1+s29+$0x0] =	vst.idx.msk $0xffff, v16  }
0xaa: {  	v16 =	vld [tilespmem:s2+$0x6100];
	_ =	sdelay $0x4  }
0xab: {  	[tilespmem:v2+s29+$0x0] =	vst.idx.msk $0xffff, v16  }
0xac: {  	v16 =	vld [tilespmem:s2+$0x6180];
	_ =	sdelay $0x4  }
0xad: {  	[tilespmem:v3+s29+$0x0] =	vst.idx.msk $0xffff, v16  }
0xae: {  	v16 =	vld [tilespmem:s2+$0x6200];
	_ =	sdelay $0x4  }
0xaf: {  	[tilespmem:v4+s29+$0x0] =	vst.idx.msk $0xffff, v16  }
0xb0: {  	v16 =	vld [tilespmem:s2+$0x6280];
	_ =	sdelay $0x4  }
0xb1: {  	[tilespmem:v5+s29+$0x0] =	vst.idx.msk $0xffff, v16  }
0xb2: {  	v16 =	vld [tilespmem:s2+$0x6300];
	_ =	sdelay $0x1  }
0xb3: {  	s3 =	sand.u32 $0x7, s28  }
0xb4: {  	s3 =	sshll.u32 s3, $0x4  }
0xb5: {  	s3 =	sadd.s32 $0x0, s3  }
0xb6: {  	s3 =	sor.u32 $0x380, s3;
	[tilespmem:v6+s29+$0x0] =	vst.idx.msk $0xffff, v16  }
0xb7: {  	v16 =	vld [tilespmem:s3+$0x6000];
	_ =	sdelay $0x4  }
0xb8: {  	[tilespmem:v7+s29+$0x0] =	vst.idx.msk $0xffff, v16  }
0xb9: {  	v16 =	vld [tilespmem:s2+$0x9000];
	_ =	sdelay $0x4  }
0xba: {  	[tilespmem:v8+s29+$0x0] =	vst.idx.msk $0xffff, v16  }
0xbb: {  	v16 =	vld [tilespmem:s2+$0x9080];
	_ =	sdelay $0x4  }
0xbc: {  	[tilespmem:v9+s29+$0x0] =	vst.idx.msk $0xffff, v16  }
0xbd: {  	v16 =	vld [tilespmem:s2+$0x9100];
	_ =	sdelay $0x4  }
0xbe: {  	[tilespmem:v10+s29+$0x0] =	vst.idx.msk $0xffff, v16  }
0xbf: {  	v16 =	vld [tilespmem:s2+$0x9180];
	_ =	sdelay $0x4  }
0xc0: {  	[tilespmem:v11+s29+$0x0] =	vst.idx.msk $0xffff, v16  }
0xc1: {  	v16 =	vld [tilespmem:s2+$0x9200];
	_ =	sdelay $0x4  }
0xc2: {  	[tilespmem:v12+s29+$0x0] =	vst.idx.msk $0xffff, v16  }
0xc3: {  	v16 =	vld [tilespmem:s2+$0x9280];
	_ =	sdelay $0x4  }
0xc4: {  	[tilespmem:v13+s29+$0x0] =	vst.idx.msk $0xffff, v16  }
0xc5: {  	v16 =	vld [tilespmem:s2+$0x9300];
	_ =	sdelay $0x4  }
0xc6: {  	[tilespmem:v14+s29+$0x0] =	vst.idx.msk $0xffff, v16  }
0xc7: {  	v16 =	vld [tilespmem:s2+$0x9380];
	_ =	sdelay $0x2  }
0xc8: {  	s30 =	simm.s32 $0x80;
	s3 =	simm.s32 $0x10  }
0xc9: {  	s31 =	simm.s32 $0x20;
	s3 =	sand.u32 $0x70, s3;
	s2 =	sand.u32 $0x3C00, s30  }
.LBB2_6:
0xca: {  	p2 =	sne.s32 s31, $0x5F0;
	s3 =	sor.u32 s3, s2;
	[tilespmem:v15+s29+$0x0] =	vst.idx.msk $0xffff, v16  }
0xcb: {  	v16 =	vld [tilespmem:s3+$0x6000];
	_ =	sdelay $0x3  }
0xcc: {  	s29 =	sadd.s32 $0x100, s29  }
0xcd: {  	[tilespmem:v0+s29+$0x0] =	vst.idx.msk $0xffff, v16  }
0xce: {  	v16 =	vld [tilespmem:s3+$0x6080];
	_ =	sdelay $0x4  }
0xcf: {  	[tilespmem:v1+s29+$0x0] =	vst.idx.msk $0xffff, v16  }
0xd0: {  	v16 =	vld [tilespmem:s3+$0x6100];
	_ =	sdelay $0x4  }
0xd1: {  	[tilespmem:v2+s29+$0x0] =	vst.idx.msk $0xffff, v16  }
0xd2: {  	v16 =	vld [tilespmem:s3+$0x6180];
	_ =	sdelay $0x4  }
0xd3: {  	[tilespmem:v3+s29+$0x0] =	vst.idx.msk $0xffff, v16  }
0xd4: {  	v16 =	vld [tilespmem:s3+$0x6200];
	_ =	sdelay $0x4  }
0xd5: {  	[tilespmem:v4+s29+$0x0] =	vst.idx.msk $0xffff, v16  }
0xd6: {  	v16 =	vld [tilespmem:s3+$0x6280];
	_ =	sdelay $0x4  }
0xd7: {  	[tilespmem:v5+s29+$0x0] =	vst.idx.msk $0xffff, v16  }
0xd8: {  	v16 =	vld [tilespmem:s3+$0x6300]  }
0xd9: {  	s28 =	sadd.s32 $0x1, s28  }
0xda: {  	s2 =	sand.u32 $0x7, s28  }
0xdb: {  	s2 =	sshll.u32 s2, $0x4  }
0xdc: {  	s2 =	sadd.s32 s2, s30  }
0xdd: {  	s2 =	sor.u32 $0x380, s2;
	[tilespmem:v6+s29+$0x0] =	vst.idx.msk $0xffff, v16  }
0xde: {  	v16 =	vld [tilespmem:s2+$0x6000];
	_ =	sdelay $0x4  }
0xdf: {  	[tilespmem:v7+s29+$0x0] =	vst.idx.msk $0xffff, v16  }
0xe0: {  	v16 =	vld [tilespmem:s3+$0x9000];
	_ =	sdelay $0x4  }
0xe1: {  	[tilespmem:v8+s29+$0x0] =	vst.idx.msk $0xffff, v16  }
0xe2: {  	v16 =	vld [tilespmem:s3+$0x9080];
	_ =	sdelay $0x4  }
0xe3: {  	[tilespmem:v9+s29+$0x0] =	vst.idx.msk $0xffff, v16  }
0xe4: {  	v16 =	vld [tilespmem:s3+$0x9100];
	_ =	sdelay $0x4  }
0xe5: {  	[tilespmem:v10+s29+$0x0] =	vst.idx.msk $0xffff, v16  }
0xe6: {  	v16 =	vld [tilespmem:s3+$0x9180];
	_ =	sdelay $0x4  }
0xe7: {  	[tilespmem:v11+s29+$0x0] =	vst.idx.msk $0xffff, v16  }
0xe8: {  	v16 =	vld [tilespmem:s3+$0x9200];
	_ =	sdelay $0x4  }
0xe9: {  	[tilespmem:v12+s29+$0x0] =	vst.idx.msk $0xffff, v16  }
0xea: {  	v16 =	vld [tilespmem:s3+$0x9280];
	_ =	sdelay $0x4  }
0xeb: {  	[tilespmem:v13+s29+$0x0] =	vst.idx.msk $0xffff, v16  }
0xec: {  	v16 =	vld [tilespmem:s3+$0x9300];
	_ =	sdelay $0x4  }
0xed: {  	[tilespmem:v14+s29+$0x0] =	vst.idx.msk $0xffff, v16  }
.Ltmp6:
0xee: {  	v16 =	vld [tilespmem:s3+$0x9380];
	(pc) =	sbr.rel @p2 .LBB2_6-.Ltmp6, $3  }
0xef: {  	_ =	sdelay $0x1  }
0xf0: {  	s30 =	sadd.s32 $0x80, s30  }
0xf1: {  	s2 =	sand.u32 $0x3C00, s30;
	s3 =	sand.u32 $0x70, s31;
	s31 =	sadd.s32 $0x10, s31  }
0xf2: {  	_ =	sdelay $0x3  }
0xf3: {  	s2 =	sor.u32 s3, s2;
	[tilespmem:v15+s29+$0x0] =	vst.idx.msk $0xffff, v16  }
0xf4: {  	v16 =	vld [tilespmem:s2+$0x6000];
	_ =	sdelay $0x3  }
0xf5: {  	s29 =	sadd.s32 $0x100, s29  }
0xf6: {  	[tilespmem:v0+s29+$0x0] =	vst.idx.msk $0xffff, v16  }
0xf7: {  	v16 =	vld [tilespmem:s2+$0x6080];
	_ =	sdelay $0x4  }
0xf8: {  	[tilespmem:v1+s29+$0x0] =	vst.idx.msk $0xffff, v16  }
0xf9: {  	v16 =	vld [tilespmem:s2+$0x6100];
	_ =	sdelay $0x4  }
0xfa: {  	[tilespmem:v2+s29+$0x0] =	vst.idx.msk $0xffff, v16  }
0xfb: {  	v16 =	vld [tilespmem:s2+$0x6180];
	_ =	sdelay $0x4  }
0xfc: {  	[tilespmem:v3+s29+$0x0] =	vst.idx.msk $0xffff, v16  }
0xfd: {  	v16 =	vld [tilespmem:s2+$0x6200];
	_ =	sdelay $0x4  }
0xfe: {  	[tilespmem:v4+s29+$0x0] =	vst.idx.msk $0xffff, v16  }
0xff: {  	v16 =	vld [tilespmem:s2+$0x6280];
	_ =	sdelay $0x4  }
0x100: {  	[tilespmem:v5+s29+$0x0] =	vst.idx.msk $0xffff, v16  }
0x101: {  	v16 =	vld [tilespmem:s2+$0x6300]  }
0x102: {  	s28 =	sadd.s32 $0x1, s28  }
0x103: {  	s28 =	sand.u32 $0x7, s28  }
0x104: {  	s28 =	sshll.u32 s28, $0x4  }
0x105: {  	s28 =	sadd.s32 s28, s30  }
0x106: {  	s28 =	sor.u32 $0x380, s28;
	[tilespmem:v6+s29+$0x0] =	vst.idx.msk $0xffff, v16  }
0x107: {  	v16 =	vld [tilespmem:s28+$0x6000];
	_ =	sdelay $0x4  }
0x108: {  	[tilespmem:v7+s29+$0x0] =	vst.idx.msk $0xffff, v16  }
0x109: {  	v16 =	vld [tilespmem:s2+$0x9000];
	_ =	sdelay $0x4  }
0x10a: {  	[tilespmem:v8+s29+$0x0] =	vst.idx.msk $0xffff, v16  }
0x10b: {  	v16 =	vld [tilespmem:s2+$0x9080];
	_ =	sdelay $0x4  }
0x10c: {  	[tilespmem:v9+s29+$0x0] =	vst.idx.msk $0xffff, v16  }
0x10d: {  	v16 =	vld [tilespmem:s2+$0x9100];
	_ =	sdelay $0x4  }
0x10e: {  	[tilespmem:v10+s29+$0x0] =	vst.idx.msk $0xffff, v16  }
0x10f: {  	v16 =	vld [tilespmem:s2+$0x9180];
	_ =	sdelay $0x4  }
0x110: {  	[tilespmem:v11+s29+$0x0] =	vst.idx.msk $0xffff, v16  }
0x111: {  	v16 =	vld [tilespmem:s2+$0x9200];
	_ =	sdelay $0x4  }
0x112: {  	[tilespmem:v12+s29+$0x0] =	vst.idx.msk $0xffff, v16  }
0x113: {  	v16 =	vld [tilespmem:s2+$0x9280];
	_ =	sdelay $0x4  }
0x114: {  	[tilespmem:v13+s29+$0x0] =	vst.idx.msk $0xffff, v16  }
0x115: {  	v16 =	vld [tilespmem:s2+$0x9300];
	_ =	sdelay $0x4  }
0x116: {  	[tilespmem:v14+s29+$0x0] =	vst.idx.msk $0xffff, v16  }
0x117: {  	v16 =	vld [tilespmem:s2+$0x9380];
	_ =	sdelay $0x1  }
.Ltmp7:
0x118: {  	_ = 	snop;
	(pc) =	sbr.rel .LBB2_8-.Ltmp7, $3  }
0x119: {  	s31 =	smul.u32 $0xC00, s26;
	_ =	sdelay $0x1  }
0x11a: {  	s2 =	sadd.s32 s8, s31;
	[tilespmem:v15+s29+$0x0] =	vst.idx.msk $0xffff, v16  }
0x11b: {  	[hbm4b:s2+s4] =	stream.linear.scatter [tilespmem:s19], [sflag:$0x4], $0x6000, $0x38;
	[tilespmem:$0x12C00] =	vst v63  }
.LBB2_9:
0x11c: {  	_ =	swait.ge [sflag:s20], $0x600  }
.Ltmp8:
0x11d: {  	[sflag:s20] =	ssyncset.done $0x0;
	(pc) =	sbr.rel @p0 .LBB2_12-.Ltmp8, $4  }
0x11e: {  	[sflag:s20] =	ssyncadd.s32 $0xFFFFFA00  }
0x11f: {  	_ =	swait.ge [sflag:s21], $0x6000  }
0x120: {  	[sflag:s21] =	ssyncset.done $0x0  }
0x121: {  	[sflag:s21] =	ssyncadd.s32 $0xFFFFA000  }
.Ltmp9:
0x122: {  	(pc) =	sbr.rel @p1 .LBB2_13-.Ltmp9, $1  }
0x123: {  	_ =	sdelay $0x3  }
0x124: {  	s2 =	rddreg [dreg:$0x2]  }
0x125: {  	[tilespmem:s23], [sflag:$0x5] =	stream.linear.gather [hbm4b:s2+s4], $0x400, $0x38;
	[tilespmem:$0x12C00] =	vst v63  }
0x126: {  	_ =	swait.ge [sflag:s22], $0x400  }
0x127: {  	[sflag:s22] =	ssyncset.done $0x0  }
0x128: {  	[sflag:s22] =	ssyncadd.s32 $0xFFFFFC00  }
0x129: {  	v16 =	vld.idx.msk [tilespmem:v0+s23+$0x0], $0xffff  }
0x12a: {  	v17 =	vld.idx.msk [tilespmem:v1+s23+$0x0], $0xffff;
	_ =	sdelay $0x1  }
0x12b: {  	v18 =	vld.idx.msk [tilespmem:v2+s23+$0x0], $0xffff;
	_ =	sdelay $0x1  }
0x12c: {  	v19 =	vld.idx.msk [tilespmem:v3+s23+$0x0], $0xffff  }
0x12d: {  	v16 =	vadd.f32 v17, v16  }
0x12e: {  	v17 =	vld.idx.msk [tilespmem:v4+s23+$0x0], $0xffff  }
0x12f: {  	v16 =	vadd.f32 v18, v16  }
0x130: {  	v18 =	vld.idx.msk [tilespmem:v5+s23+$0x0], $0xffff  }
0x131: {  	v16 =	vadd.f32 v19, v16  }
0x132: {  	v19 =	vld.idx.msk [tilespmem:v6+s23+$0x0], $0xffff  }
0x133: {  	v16 =	vadd.f32 v17, v16  }
0x134: {  	v17 =	vld.idx.msk [tilespmem:v7+s23+$0x0], $0xffff  }
0x135: {  	v16 =	vadd.f32 v18, v16  }
0x136: {  	v18 =	vld.idx.msk [tilespmem:v8+s23+$0x0], $0xffff  }
0x137: {  	v16 =	vadd.f32 v19, v16  }
0x138: {  	v19 =	vld.idx.msk [tilespmem:v9+s23+$0x0], $0xffff  }
0x139: {  	v16 =	vadd.f32 v17, v16  }
0x13a: {  	v17 =	vld.idx.msk [tilespmem:v10+s23+$0x0], $0xffff  }
0x13b: {  	v16 =	vadd.f32 v18, v16  }
0x13c: {  	v18 =	vld.idx.msk [tilespmem:v11+s23+$0x0], $0xffff  }
0x13d: {  	v16 =	vadd.f32 v19, v16  }
0x13e: {  	v19 =	vld.idx.msk [tilespmem:v12+s23+$0x0], $0xffff  }
0x13f: {  	v16 =	vadd.f32 v17, v16  }
0x140: {  	v17 =	vld.idx.msk [tilespmem:v13+s23+$0x0], $0xffff  }
0x141: {  	v16 =	vadd.f32 v18, v16  }
0x142: {  	v18 =	vld.idx.msk [tilespmem:v14+s23+$0x0], $0xffff  }
0x143: {  	v16 =	vadd.f32 v19, v16  }
0x144: {  	v19 =	vld.idx.msk [tilespmem:v15+s23+$0x0], $0xffff  }
0x145: {  	v16 =	vadd.f32 v17, v16;
	_ =	sdelay $0x1  }
0x146: {  	v16 =	vadd.f32 v18, v16;
	_ =	sdelay $0x1  }
0x147: {  	v16 =	vadd.f32 v19, v16  }
0x148: {  	v17 =	vld [tilespmem:$0x1FFD0]  }
0x149: {  	[tilespmem:$0xC600] =	vst v16;
	v16 =	vld [tilespmem:$0x1FFC0];
	_ =	sdelay $0x1  }
0x14a: {  	v18 =	vld [tilespmem:$0x1FFE0];
	_ =	sdelay $0x1  }
0x14b: {  	v19 =	vld [tilespmem:$0x1FFF0];
	_ =	sdelay $0x2  }
0x14c: {  	v17 =	vld.idx.msk [tilespmem:v17+s23+$0x0], $0xffff  }
0x14d: {  	v16 =	vld.idx.msk [tilespmem:v16+s23+$0x0], $0xffff;
	_ =	sdelay $0x1  }
0x14e: {  	v18 =	vld.idx.msk [tilespmem:v18+s23+$0x0], $0xffff;
	_ =	sdelay $0x1  }
0x14f: {  	v19 =	vld.idx.msk [tilespmem:v19+s23+$0x0], $0xffff  }
0x150: {  	v16 =	vadd.f32 v17, v16  }
0x151: {  	v17 =	vld.idx.msk [tilespmem:v20+s23+$0x0], $0xffff  }
0x152: {  	v16 =	vadd.f32 v18, v16  }
0x153: {  	v18 =	vld.idx.msk [tilespmem:v21+s23+$0x0], $0xffff  }
0x154: {  	v16 =	vadd.f32 v19, v16  }
0x155: {  	v19 =	vld.idx.msk [tilespmem:v22+s23+$0x0], $0xffff  }
0x156: {  	v16 =	vadd.f32 v17, v16  }
0x157: {  	v17 =	vld.idx.msk [tilespmem:v23+s23+$0x0], $0xffff  }
0x158: {  	v16 =	vadd.f32 v18, v16  }
0x159: {  	v18 =	vld.idx.msk [tilespmem:v24+s23+$0x0], $0xffff  }
0x15a: {  	v16 =	vadd.f32 v19, v16  }
0x15b: {  	v19 =	vld.idx.msk [tilespmem:v25+s23+$0x0], $0xffff  }
0x15c: {  	v16 =	vadd.f32 v17, v16  }
0x15d: {  	v17 =	vld.idx.msk [tilespmem:v26+s23+$0x0], $0xffff  }
0x15e: {  	v16 =	vadd.f32 v18, v16  }
0x15f: {  	v18 =	vld.idx.msk [tilespmem:v27+s23+$0x0], $0xffff  }
0x160: {  	v16 =	vadd.f32 v19, v16  }
0x161: {  	v19 =	vld.idx.msk [tilespmem:v28+s23+$0x0], $0xffff  }
0x162: {  	v16 =	vadd.f32 v17, v16  }
0x163: {  	v17 =	vld.idx.msk [tilespmem:v29+s23+$0x0], $0xffff  }
0x164: {  	v16 =	vadd.f32 v18, v16  }
0x165: {  	v18 =	vld.idx.msk [tilespmem:v30+s23+$0x0], $0xffff  }
0x166: {  	v16 =	vadd.f32 v19, v16  }
0x167: {  	v19 =	vld.idx.msk [tilespmem:v31+s23+$0x0], $0xffff  }
0x168: {  	v16 =	vadd.f32 v17, v16;
	_ =	sdelay $0x1  }
0x169: {  	v16 =	vadd.f32 v18, v16;
	_ =	sdelay $0x1  }
0x16a: {  	v16 =	vadd.f32 v19, v16;
	_ =	sdelay $0x1  }
0x16b: {  	[tilespmem:$0xC610] =	vst v16  }
0x16c: {  	v16 =	vld.idx.msk [tilespmem:v32+s23+$0x0], $0xffff  }
0x16d: {  	v17 =	vld.idx.msk [tilespmem:v33+s23+$0x0], $0xffff;
	_ =	sdelay $0x1  }
0x16e: {  	v18 =	vld.idx.msk [tilespmem:v34+s23+$0x0], $0xffff;
	_ =	sdelay $0x1  }
0x16f: {  	v19 =	vld.idx.msk [tilespmem:v35+s23+$0x0], $0xffff  }
0x170: {  	v16 =	vadd.f32 v17, v16  }
0x171: {  	v17 =	vld.idx.msk [tilespmem:v36+s23+$0x0], $0xffff  }
0x172: {  	v16 =	vadd.f32 v18, v16  }
0x173: {  	v18 =	vld.idx.msk [tilespmem:v37+s23+$0x0], $0xffff  }
0x174: {  	v16 =	vadd.f32 v19, v16  }
0x175: {  	v19 =	vld.idx.msk [tilespmem:v38+s23+$0x0], $0xffff  }
0x176: {  	v16 =	vadd.f32 v17, v16  }
0x177: {  	v17 =	vld.idx.msk [tilespmem:v39+s23+$0x0], $0xffff  }
0x178: {  	v16 =	vadd.f32 v18, v16  }
0x179: {  	v18 =	vld.idx.msk [tilespmem:v40+s23+$0x0], $0xffff  }
0x17a: {  	v16 =	vadd.f32 v19, v16  }
0x17b: {  	v19 =	vld.idx.msk [tilespmem:v41+s23+$0x0], $0xffff  }
0x17c: {  	v16 =	vadd.f32 v17, v16  }
0x17d: {  	v17 =	vld.idx.msk [tilespmem:v42+s23+$0x0], $0xffff  }
0x17e: {  	v16 =	vadd.f32 v18, v16  }
0x17f: {  	v18 =	vld.idx.msk [tilespmem:v43+s23+$0x0], $0xffff  }
0x180: {  	v16 =	vadd.f32 v19, v16  }
0x181: {  	v19 =	vld.idx.msk [tilespmem:v44+s23+$0x0], $0xffff  }
0x182: {  	v16 =	vadd.f32 v17, v16  }
0x183: {  	v17 =	vld.idx.msk [tilespmem:v45+s23+$0x0], $0xffff  }
0x184: {  	v16 =	vadd.f32 v18, v16  }
0x185: {  	v18 =	vld.idx.msk [tilespmem:v46+s23+$0x0], $0xffff  }
0x186: {  	v16 =	vadd.f32 v19, v16  }
0x187: {  	v19 =	vld.idx.msk [tilespmem:v47+s23+$0x0], $0xffff  }
0x188: {  	v16 =	vadd.f32 v17, v16;
	_ =	sdelay $0x1  }
0x189: {  	v16 =	vadd.f32 v18, v16;
	_ =	sdelay $0x1  }
0x18a: {  	v16 =	vadd.f32 v19, v16;
	_ =	sdelay $0x1  }
0x18b: {  	[tilespmem:$0xC620] =	vst v16  }
0x18c: {  	v16 =	vld.idx.msk [tilespmem:v48+s23+$0x0], $0xffff  }
0x18d: {  	v17 =	vld.idx.msk [tilespmem:v49+s23+$0x0], $0xffff;
	_ =	sdelay $0x1  }
0x18e: {  	v18 =	vld.idx.msk [tilespmem:v50+s23+$0x0], $0xffff;
	_ =	sdelay $0x1  }
0x18f: {  	v19 =	vld.idx.msk [tilespmem:v51+s23+$0x0], $0xffff  }
0x190: {  	v16 =	vadd.f32 v17, v16  }
0x191: {  	v17 =	vld.idx.msk [tilespmem:v52+s23+$0x0], $0xffff  }
0x192: {  	v16 =	vadd.f32 v18, v16  }
0x193: {  	v18 =	vld.idx.msk [tilespmem:v53+s23+$0x0], $0xffff  }
0x194: {  	v16 =	vadd.f32 v19, v16  }
0x195: {  	v19 =	vld.idx.msk [tilespmem:v54+s23+$0x0], $0xffff  }
0x196: {  	v16 =	vadd.f32 v17, v16  }
0x197: {  	v17 =	vld.idx.msk [tilespmem:v55+s23+$0x0], $0xffff  }
0x198: {  	v16 =	vadd.f32 v18, v16  }
0x199: {  	v18 =	vld.idx.msk [tilespmem:v56+s23+$0x0], $0xffff  }
0x19a: {  	v16 =	vadd.f32 v19, v16  }
0x19b: {  	v19 =	vld.idx.msk [tilespmem:v57+s23+$0x0], $0xffff  }
0x19c: {  	v16 =	vadd.f32 v17, v16  }
0x19d: {  	v17 =	vld.idx.msk [tilespmem:v58+s23+$0x0], $0xffff  }
0x19e: {  	v16 =	vadd.f32 v18, v16  }
0x19f: {  	v18 =	vld.idx.msk [tilespmem:v59+s23+$0x0], $0xffff  }
0x1a0: {  	v16 =	vadd.f32 v19, v16  }
0x1a1: {  	v19 =	vld.idx.msk [tilespmem:v60+s23+$0x0], $0xffff  }
0x1a2: {  	v16 =	vadd.f32 v17, v16  }
0x1a3: {  	v17 =	vld.idx.msk [tilespmem:v61+s23+$0x0], $0xffff  }
0x1a4: {  	v16 =	vadd.f32 v18, v16  }
0x1a5: {  	v18 =	vld.idx.msk [tilespmem:v62+s23+$0x0], $0xffff  }
0x1a6: {  	v16 =	vadd.f32 v19, v16  }
0x1a7: {  	v19 =	vld.idx.msk [tilespmem:v63+s23+$0x0], $0xffff  }
0x1a8: {  	v16 =	vadd.f32 v17, v16;
	_ =	sdelay $0x1  }
0x1a9: {  	v16 =	vadd.f32 v18, v16;
	_ =	sdelay $0x1  }
0x1aa: {  	v16 =	vadd.f32 v19, v16;
	_ =	sdelay $0x1  }
.Ltmp10:
0x1ab: {  	[tilespmem:$0xC630] =	vst v16;
	(pc) =	sbr.rel .LBB2_13-.Ltmp10, $4  }
0x1ac: {  	[hbm4b:s11+s4] =	stream.linear.scatter [tilespmem:s17], [sflag:$0x5], $0x40, $0x38;
	[tilespmem:$0x12C00] =	vst v63  }
0x1ad: {  	_ =	swait.ge [sflag:s22], $0x40  }
0x1ae: {  	[sflag:s22] =	ssyncset.done $0x0  }
0x1af: {  	[sflag:s22] =	ssyncadd.s32 $0xFFFFFFC0  }
.LBB2_14:
0x1b0: {  	_ =	sfence.sel $0x180000  }
0x1b1: {  	[bflag:$0x0] =	sbarrier.arrive $0xFFFF  }
0x1b2: {  	_ =	strace $0x90000047  }
0x1b3: {  	[bflag:$0x2] =	sbarrier.arrive $0xFFFF  }
0x1b4: {  	p0 =	sne.s32 s6, $0x0;
	s0 =	rddreg [dreg:$0x4]  }
0x1b5: {  	s0 =	sadd.s32 @!p0 $0x100000, s0  }
0x1b6: {  	[sflag:s0] =	ssyncadd.tile.s32 @!p0 $0x1;
	_ =	shalt  }
.Lfunc_end2:
_tile_overlayer_lowered:
.L_overlay_start_2:
0x1b7: {  	(tag) =	ssettag $0x2  }
0x1b8: {  	s0 =	rddreg [dreg:$0x0];
	s2 =	stileid.u32  }
0x1b9: {  	s1 =	rddreg [dreg:$0x1];
	p0 =	sne.s32 s2, $0x0  }
0x1ba: {  	s3 =	rddreg [dreg:$0x2];
	[bflag:$0x3] =	sbarrier.arrive $0xFFFF;
	s2 =	simm.s32 @!p0 $0x1C05  }
0x1bb: {  	[timem:s3], [sflag:s2] =	dma.local @!p0 [hbm:s0], s1  }
0x1bc: {  	s0 =	simm.s32 @!p0 $0x5  }
0x1bd: {  	_ =	swait.ge @!p0 [sflag:s0], s1  }
0x1be: {  	s1 =	ssub.s32 @!p0 $0x0, s1;
	[sflag:s0] =	ssyncset.done @!p0 $0x0  }
0x1bf: {  	[sflag:s0] =	ssyncadd.s32 @!p0 s1  }
0x1c0: {  	[bflag:$0x3] =	sbarrier.arrive $0xFFFF  }
0x1c1: {  	_ =	shalt  }

// kernel: kernel.8.cloned.1.call-start
scs
__scs_entry_jumppad:
0x0: {  	(pc) =	sbr.rel $0x88, $3  }
0x1: {  	(tag) =	ssettag $0x0;
	lr =	simm.s32 $0x1  }
0x2: {  	[smem:$0x3F92] =	sst lr;
	_ =	strace $0xD0000000  }
0x3: {  	_ = 	snop  }
0x4: {  	_ = 	snop  }
0x5: {  	_ = 	snop  }
0x6: {  	_ = 	snop  }
0x7: {  	_ = 	snop  }
__scs_overlays_trampoline_lowered:
0x8: {  	[smem:$0x3FA1] =	sst s0  }
0x9: {  	[smem:$0x3FA2] =	sst s1  }
0xa: {  	[smem:$0x3FA3] =	sst s2  }
0xb: {  	[smem:$0x3FA4] =	sst s3  }
0xc: {  	[smem:$0x3FA5] =	sst s4  }
0xd: {  	[smem:$0x3FA6] =	sst s5  }
0xe: {  	[smem:$0x3FA7] =	sst s6  }
0xf: {  	[smem:$0x3FA8] =	sst s7  }
0x10: {  	[smem:$0x3FA9] =	sst s8  }
0x11: {  	[smem:$0x3FAA] =	sst s9;
	s0 =	simm.s32 @!p0 $0x0  }
0x12: {  	s1 =	sld [smem:$0x3F90];
	s0 =	simm.s32 @p0 $0x1  }
0x13: {  	[smem:$0x3FAB] =	sst s0;
	s0 =	simm.s32 @!p1 $0x0  }
0x14: {  	s2 =	sld [smem:$0x3F8F];
	s0 =	simm.s32 @p1 $0x1  }
0x15: {  	[smem:$0x3FAC] =	sst s0;
	s0 =	simm.s32 @!p2 $0x0  }
0x16: {  	s3 =	sld [smem:$0x3FDB];
	s0 =	simm.s32 @p2 $0x1  }
0x17: {  	s4 =	simm.s32 $0x1BF5;
	[smem:$0x3FAE] =	sst s0  }
0x18: {  	s0 =	sld [smem:$0x3F91];
	_ =	swait.ge [sflag:s4], $0x0  }
0x19: {  	s7 =	sld [smem:$0x3F92]  }
0x1a: {  	s8 =	sadd.s32 $0xFFFFE003, lr  }
0x1b: {  	s9 =	sadd.s32 $0xFFFFFEF7, lr;
	s5 =	simm.s32 $0xFFFFFFFF;
	p2 =	slt.u32 s8, $0xFFFFF086  }
0x1c: {  	p1 =	slt.u32 s9, $0xF7A;
	s5 =	simm.s32 @!p2 $0x0  }
0x1d: {  	s5 =	simm.s32 @p1 $0x1;
	p0 =	seq.s32 s7, s2  }
0x1e: {  	s7 =	smul.u32 @!p0 $0xF7A, s2;
	p2 =	seq.s32 @!p0 s5, $0x0  }
0x1f: {  	s9 =	smul.u32 $0xF7A, s1;
	s8 =	simm.s32 @!p0 $0x1BF5;
	p2 =	por !p2, p0  }
0x20: {  	[sflag:s8] =	ssyncset.s32 @!p0 $0xFFFFF086;
	s6 =	sadd.s32 @!p0 s3, s7;
	s7 =	simm.s32 @!p0 $0x108  }
0x21: {  	s3 =	sadd.s32 s3, s9;
	s6 =	sadd.s32 @!p0 $0x88, s6;
	s7 =	simm.s32 @p2 $0x1082  }
0x22: {  	[simem:s7], [sflag:s8] =	dma.local @!p0 [hbm:s6], $0xF7A  }
0x23: {  	s9 =	sor.u32 $0xD0000000, s2;
	s6 =	simm.s32 $0x108;
	_ =	swait.ge @!p0 [sflag:s8], $0x0  }
0x24: {  	s3 =	sadd.s32 $0x88, s3;
	s6 =	simm.s32 @!p1 $0x1082;
	[sflag:s4] =	ssyncset.s32 $0xFFFFF086  }
0x25: {  	[simem:s6], [sflag:s4] =	dma.local [hbm:s3], $0xF7A  }
0x26: {  	[smem:$0x3F92] =	sst s1;
	(tag) =	ssettag s2;
	_ =	strace s9  }
0x27: {  	s1 =	sld [smem:$0x3FA2]  }
0x28: {  	s2 =	sld [smem:$0x3FA3]  }
0x29: {  	s4 =	sld [smem:$0x3FA5]  }
0x2a: {  	p0 =	seq.s32 s5, $0x0;
	s5 =	sld [smem:$0x3FA6]  }
0x2b: {  	s6 =	sld [smem:$0x3FA7]  }
0x2c: {  	s7 =	sld [smem:$0x3FA8]  }
0x2d: {  	s3 =	simm.s32 $0x108;
	s8 =	sld [smem:$0x3FA9]  }
0x2e: {  	s3 =	simm.s32 @!p0 $0x1082;
	s9 =	sld [smem:$0x3FAA]  }
0x2f: {  	lr =	sadd.s32 s0, s3;
	s0 =	sld [smem:$0x3FA1]  }
0x30: {  	s3 =	sld [smem:$0x3FA4]  }
0x31: {  	[smem:$0x3FAD] =	sst s10  }
0x32: {  	s10 =	sld [smem:$0x3FAB];
	_ =	sdelay $0x3  }
0x33: {  	p0 =	seq.s32 s10, $0x1;
	s10 =	sld [smem:$0x3FAD];
	_ =	sdelay $0x3  }
0x34: {  	[smem:$0x3FAD] =	sst s10  }
0x35: {  	s10 =	sld [smem:$0x3FAC];
	_ =	sdelay $0x3  }
0x36: {  	p1 =	seq.s32 s10, $0x1;
	s10 =	sld [smem:$0x3FAD];
	_ =	sdelay $0x3  }
0x37: {  	[smem:$0x3FAD] =	sst s10  }
0x38: {  	s10 =	sld [smem:$0x3FAE]  }
0x39: {  	_ = 	snop;
	(pc) =	sbr.ind lr, $3  }
0x3a: {  	_ = 	snop  }
0x3b: {  	_ = 	snop  }
0x3c: {  	p2 =	seq.s32 s10, $0x1;
	s10 =	sld [smem:$0x3FAD]  }
0x3d: {  	_ =	shalt  }
0x3e: {  	_ =	shalt  }
0x3f: {  	_ =	shalt  }
0x40: {  	_ =	shalt  }
0x41: {  	_ =	shalt  }
0x42: {  	_ =	shalt  }
0x43: {  	_ =	shalt  }
0x44: {  	_ =	shalt  }
0x45: {  	_ =	shalt  }
0x46: {  	_ =	shalt  }
0x47: {  	_ =	shalt  }
0x48: {  	_ =	shalt  }
0x49: {  	_ =	shalt  }
0x4a: {  	_ =	shalt  }
0x4b: {  	_ =	shalt  }
0x4c: {  	_ =	shalt  }
0x4d: {  	_ =	shalt  }
0x4e: {  	_ =	shalt  }
0x4f: {  	_ =	shalt  }
0x50: {  	_ =	shalt  }
0x51: {  	_ =	shalt  }
0x52: {  	_ =	shalt  }
0x53: {  	_ =	shalt  }
0x54: {  	_ =	shalt  }
0x55: {  	_ =	shalt  }
0x56: {  	_ =	shalt  }
0x57: {  	_ =	shalt  }
0x58: {  	_ =	shalt  }
0x59: {  	_ =	shalt  }
0x5a: {  	_ =	shalt  }
0x5b: {  	_ =	shalt  }
0x5c: {  	_ =	shalt  }
0x5d: {  	_ =	shalt  }
0x5e: {  	_ =	shalt  }
0x5f: {  	_ =	shalt  }
0x60: {  	_ =	shalt  }
0x61: {  	_ =	shalt  }
0x62: {  	_ =	shalt  }
0x63: {  	_ =	shalt  }
0x64: {  	_ =	shalt  }
0x65: {  	_ =	shalt  }
0x66: {  	_ =	shalt  }
0x67: {  	_ =	shalt  }
0x68: {  	_ =	shalt  }
0x69: {  	_ =	shalt  }
0x6a: {  	_ =	shalt  }
0x6b: {  	_ =	shalt  }
0x6c: {  	_ =	shalt  }
0x6d: {  	_ =	shalt  }
0x6e: {  	_ =	shalt  }
0x6f: {  	_ =	shalt  }
0x70: {  	_ =	shalt  }
0x71: {  	_ =	shalt  }
0x72: {  	_ =	shalt  }
0x73: {  	_ =	shalt  }
0x74: {  	_ =	shalt  }
0x75: {  	_ =	shalt  }
0x76: {  	_ =	shalt  }
0x77: {  	_ =	shalt  }
0x78: {  	_ =	shalt  }
0x79: {  	_ =	shalt  }
0x7a: {  	_ =	shalt  }
0x7b: {  	_ =	shalt  }
0x7c: {  	_ =	shalt  }
0x7d: {  	_ =	shalt  }
0x7e: {  	_ =	shalt  }
0x7f: {  	_ =	shalt  }
0x80: {  	_ =	shalt  }
0x81: {  	_ =	shalt  }
0x82: {  	_ =	shalt  }
0x83: {  	_ =	shalt  }
0x84: {  	_ =	shalt  }
0x85: {  	_ =	shalt  }
0x86: {  	_ =	shalt  }
0x87: {  	_ =	shalt  }
.Lfunc_end0:
.L_simem_size_0:
called_computation.1_lowered:
.L_overlay_start_0:
0x88: {  	s2 =	sld [smem:$0x3FD9]  }
0x89: {  	s3 =	sld [smem:$0x3FFE];
	_ =	sdelay $0x1  }
0x8a: {  	s1 =	srdreg.scid  }
0x8b: {  	s0 =	sand.u32 $0x1, s1  }
0x8c: {  	s17 =	sshll.u32 s0, $0xA;
	s2 =	sadd.s32 s3, s2  }
0x8d: {  	s2 =	sadd.s32 s2, s17  }
0x8e: {  	[smem:$0x3FB9] =	sst s2  }
0x8f: {  	_ = 	snop  }
0x90: {  	s2 =	sld [smem:$0x3FD0];
	(tm) =	ssettm $0x1  }
0x91: {  	s18 =	sld [smem:$0x3FFB];
	_ =	sdelay $0x3  }
0x92: {  	_ =	strace s18  }
0x93: {  	s3 =	sld [smem:$0x3FFC];
	_ =	sdelay $0x3  }
0x94: {  	_ =	strace s3  }
0x95: {  	s3 =	sld [smem:$0x3FFD];
	_ =	sdelay $0x3  }
0x96: {  	_ =	strace s3  }
0x97: {  	_ =	strace $0x8FFFFFFF  }
0x98: {  	s19 =	sld [smem:$0x3FDB];
	_ =	sdelay $0x1  }
0x99: {  	s4 =	simm.s32 $_scs_section_size  }
0x9a: {  	s5 =	simm.s32 $_size__tile_overlayer_lowered;
	s6 =	simm.s32 $_tile_overlayer_lowered  }
0x9b: {  	s22 =	simm.s32 $0x1BFF;
	s21 =	sshll.u32 s6, $0x1;
	s3 =	sadd.s32 s4, s19  }
0x9c: {  	s7 =	simm.s32 $0x0;
	s20 =	sshll.u32 s5, $0x1;
	s5 =	sadd.s32 s21, s3  }
0x9d: {  	[timem:s7], [sflag:s22] =	dma.local [hbm:s5], s20  }
0x9e: {  	_ =	swait.ge [sflag:s22], s20  }
0x9f: {  	s4 =	ssub.s32 $0x0, s20;
	[sflag:s22] =	ssyncset.done $0x0  }
0xa0: {  	[sflag:s22] =	ssyncadd.s32 s4;
	_ =	sdelay $0x1  }
0xa1: {  	s23 =	simm.s32 $0x1B8B  }
0xa2: {  	_ =	swait.ge [sflag:s23], $0x1  }
0xa3: {  	[sflag:s23] =	ssyncset.done $0x0  }
0xa4: {  	s25 =	simm.s32 $0x1B8E;
	s24 =	sld [smem:$0x3FFE];
	[sflag:s23] =	ssyncadd.s32 $0xFFFFFFFF  }
0xa5: {  	s26 =	simm.s32 $execute0_lowered;
	[smem:$0x3FD2] =	sst s25  }
0xa6: {  	s5 =	sshll.u32 s26, $0x1;
	_ =	strace $0x80000049;
	[dreg:$0x1] =	wrdreg $0xFFFFFFFF  }
0xa7: {  	s28 =	simm.s32 $_size_execute0_lowered;
	s3 =	sadd.s32 s3, s5;
	[dreg:$0x0] =	wrdreg $0x0  }
0xa8: {  	s5 =	sshll.u32 s28, $0x1;
	[dreg:$0x2] =	wrdreg s3  }
0xa9: {  	[dreg:$0x3] =	wrdreg s5  }
0xaa: {  	[dreg:$0x4] =	wrdreg $0xC0  }
0xab: {  	_ =	task [dreg:s7], $0x5FFFF  }
0xac: {  	[dreg:$0x1] =	wrdreg $0xFFFFFFFF  }
0xad: {  	[dreg:$0x0] =	wrdreg $0x60  }
0xae: {  	[dreg:$0x2] =	wrdreg s24  }
0xaf: {  	[dreg:$0x3] =	wrdreg s2  }
0xb0: {  	[dreg:$0x4] =	wrdreg $0x9  }
0xb1: {  	_ =	task.clear_ibuf [dreg:s7], $0x5FFFF;
	_ =	strace $0x90000049  }
0xb2: {  	s29 =	simm.s32 $0x9;
	_ =	strace $0x8000004B  }
0xb3: {  	_ =	swait.ge [sflag:s29], $0x1  }
0xb4: {  	[sflag:s29] =	ssyncadd.s32 $0xFFFFFFFF  }
0xb5: {  	_ =	strace $0x9000004B  }
0xb6: {  	_ =	sfence  }
0xb7: {  	s30 =	sld [smem:$0x0];
	_ =	sdelay $0x2  }
0xb8: {  	s31 =	sshll.u32 s1, $0xD;
	s1 =	sshrl.u32 s1, $0x2  }
0xb9: {  	s3 =	sand.u32 $0x4000, s31;
	s1 =	sadd.s32 s1, s30  }
0xba: {  	s0 =	sor.u32 s3, s0;
	s1 =	sshll.u32 s1, $0x11  }
0xbb: {  	s0 =	sor.u32 s1, s0  }
0xbc: {  	s0 =	sadd.s32 $0x8F2B, s0  }
0xbd: {  	[sflag:s0] =	ssyncadd.remote.s32 $0x1  }
0xbe: {  	_ =	sfence.sel $0xFFFF  }
0xbf: {  	[dreg:$0x0] =	wrdreg $0xFFFFFFFF;
	(pc) =	sbr.abs _section_cstart, $3  }
0xc0: {  	[dreg:$0x1] =	wrdreg $0xFFFFFFFF  }
0xc1: {  	_ =	task.clear_ibuf [dreg:s7], $0x2FFFF;
	_ =	strace $0x9FFFFFFF  }
0xc2: {  	(tm) =	ssettm $0x7FFFFFFF  }
0xc3: {  	_ =	shalt  }
tec
execute0_lowered:
.L_overlay_start_1:
0x0: {  	(tag) =	ssettag $0x1  }
0x1: {  	s5 =	rddreg [dreg:$0x0]  }
0x2: {  	s1 =	srdreg.scid;
	s8 =	rddreg [dreg:$0x1]  }
0x3: {  	s2 =	simm.s32 $0x0;
	s7 =	sand.u32 $0x1, s1;
	s1 =	rddreg [dreg:$0x2]  }
0x4: {  	s4 =	simm.s32 $0x3C00;
	[smem:$0x7FF] =	sst s2  }
0x5: {  	s10 =	simm.s32 $0x9C80;
	_ =	strace $0x8000004A;
	[dreg:$0x3] =	wrdreg s4  }
0x6: {  	v0 =	vlaneseq.u32;
	s13 =	simm.s32 $0x4400;
	[dreg:$0x4] =	wrdreg s10  }
0x7: {  	s14 =	simm.s32 $0x9D00;
	v0 =	vmul.u32 $0x1A, v0;
	[dreg:$0x5] =	wrdreg s13  }
0x8: {  	s16 =	simm.s32 $0x4C00;
	[dreg:$0x6] =	wrdreg s14  }
0x9: {  	s17 =	simm.s32 $0x9D80;
	[dreg:$0x7] =	wrdreg s16;
	v2 =	vor.u32 $0x1, v0;
	v3 =	vadd.s32 $0x2, v0;
	v4 =	vadd.s32 $0x3, v0  }
0xa: {  	s18 =	simm.s32 $0x5400;
	[dreg:$0x8] =	wrdreg s17;
	v5 =	vadd.s32 $0x4, v0;
	v6 =	vadd.s32 $0x5, v0;
	v10 =	vadd.s32 $0x6, v0  }
0xb: {  	s0 =	stileid.u32;
	s19 =	simm.s32 $0x9E00;
	[dreg:$0x9] =	wrdreg s18;
	v11 =	vadd.s32 $0x7, v0;
	v13 =	vadd.s32 $0x9, v0;
	v14 =	vadd.s32 $0xA, v0  }
0xc: {  	s20 =	simm.s32 $0x5C00;
	s22 =	simm.s32 $0x9E80;
	[dreg:$0xa] =	wrdreg s19;
	v15 =	vadd.s32 $0xB, v0;
	v16 =	vadd.s32 $0xC, v0;
	v17 =	vadd.s32 $0xD, v0  }
0xd: {  	s23 =	simm.s32 $0x6400;
	s25 =	simm.s32 $0x9F00;
	[dreg:$0xb] =	wrdreg s20;
	v18 =	vadd.s32 $0xE, v0;
	v19 =	vadd.s32 $0xF, v0;
	v20 =	vadd.s32 $0x10, v0  }
0xe: {  	s26 =	simm.s32 $0x6C00;
	s28 =	simm.s32 $0x9F80;
	[dreg:$0xc] =	wrdreg s22;
	v21 =	vadd.s32 $0x11, v0;
	v22 =	vadd.s32 $0x12, v0;
	v23 =	vadd.s32 $0x13, v0  }
0xf: {  	s29 =	simm.s32 $0x7400;
	s30 =	simm.s32 $0xA000;
	[dreg:$0xd] =	wrdreg s23;
	v24 =	vadd.s32 $0x14, v0;
	v25 =	vadd.s32 $0x15, v0;
	v26 =	vadd.s32 $0x16, v0  }
0x10: {  	s31 =	simm.s32 $0x7C00;
	s3 =	sshll.u32 s0, $0x1;
	[dreg:$0xe] =	wrdreg s25;
	v27 =	vadd.s32 $0x17, v0;
	v28 =	vadd.s32 $0x18, v0;
	v29 =	vadd.s32 $0x19, v0  }
0x11: {  	s9 =	smul.u32 $0xD000, s0;
	s21 =	sshll.u32 s0, $0x7;
	[dreg:$0xf] =	wrdreg s26;
	v30 =	vadd.s32 $0x1A0, v0;
	v31 =	vadd.s32 $0x1A1, v0;
	v32 =	vadd.s32 $0x1A2, v0  }
0x12: {  	s3 =	sor.u32 s7, s3;
	s4 =	sadd.s32 $0x21600, s5;
	[dreg:$0x10] =	wrdreg s28;
	v33 =	vadd.s32 $0x1A3, v0;
	v34 =	vadd.s32 $0x1A4, v0;
	v35 =	vadd.s32 $0x1A5, v0  }
0x13: {  	s15 =	ssub.s32 $0x2, s7;
	s8 =	sadd.s32 s21, s8;
	[dreg:$0x11] =	wrdreg s29;
	v36 =	vadd.s32 $0x1A6, v0;
	v37 =	vadd.s32 $0x1A7, v0;
	v38 =	vadd.s32 $0x1A8, v0  }
0x14: {  	s24 =	sshll.u32 s7, $0x6;
	s12 =	smul.u32 $0x6800, s7;
	[dreg:$0x12] =	wrdreg s30;
	v39 =	vadd.s32 $0x1A9, v0;
	v40 =	vadd.s32 $0x1AA, v0;
	v41 =	vadd.s32 $0x1AB, v0  }
0x15: {  	[dreg:$0x13] =	wrdreg s31;
	s13 =	simm.s32 $0xA080;
	s14 =	simm.s32 $0xA100;
	v42 =	vadd.s32 $0x1AC, v0;
	v43 =	vadd.s32 $0x1AD, v0;
	v44 =	vadd.s32 $0x1AE, v0  }
0x16: {  	s16 =	simm.s32 $0xA180;
	s17 =	simm.s32 $0x9400;
	s18 =	simm.s32 $0xA200;
	v45 =	vadd.s32 $0x1AF, v0;
	v46 =	vadd.s32 $0x1B0, v0;
	v47 =	vadd.s32 $0x1B1, v0  }
0x17: {  	s19 =	simm.s32 $0x1;
	s20 =	simm.s32 $0xA280;
	s21 =	simm.s32 $0x0;
	v48 =	vadd.s32 $0x1B2, v0;
	v49 =	vadd.s32 $0x1B3, v0;
	v1 =	vadd.s32 $0x34B, v0  }
0x18: {  	s3 =	smul.u32 $0x680, s3;
	s9 =	sadd.s32 s9, s5;
	s11 =	sshrl.u32 s15, $0x1;
	v50 =	vadd.s32 $0x1B4, v0;
	v51 =	vadd.s32 $0x1B5, v0;
	v52 =	vadd.s32 $0x1B6, v0;
	[tilespmem:$0x1FFA0] =	vst v1  }
0x19: {  	s7 =	sadd.s32 s24, s8;
	v53 =	vadd.s32 $0x1B7, v0;
	v54 =	vadd.s32 $0x1B8, v0;
	v55 =	vadd.s32 $0x1B9, v0;
	[dreg:$0x14] =	wrdreg s13;
	s13 =	simm.s32 $0x8400;
	[tilespmem:$0x1FFB0] =	vst v2  }
0x1a: {  	v56 =	vadd.s32 $0x340, v0;
	v57 =	vadd.s32 $0x341, v0;
	v58 =	vadd.s32 $0x342, v0;
	s10 =	ssub.s32 s15, s11;
	s9 =	sadd.s32 s12, s9;
	s11 =	simm.s32 $0x3400;
	[tilespmem:$0x1FFC0] =	vst v3  }
0x1b: {  	v59 =	vadd.s32 $0x343, v0;
	v60 =	vadd.s32 $0x344, v0;
	v9 =	vadd.s32 $0x349, v0;
	s12 =	simm.s32 $0x9C00;
	s15 =	simm.s32 $0x8C00;
	[tilespmem:$0x1FFD0] =	vst v4;
	s6 =	sadd.s32 s3, s5  }
0x1c: {  	v12 =	vadd.s32 $0x8, v0;
	v61 =	vadd.s32 $0x345, v0;
	v63 =	vadd.s32 $0x34A, v0;
	[tilespmem:$0x1FFE0] =	vst v9;
	s3 =	sadd.s32 $0x2C00, s5;
	s8 =	sadd.s32 $0x216C00, s9;
	s9 =	simm.s32 $0x2  }
0x1d: {  	v62 =	vadd.s32 $0x346, v0;
	v7 =	vadd.s32 $0x347, v0;
	v8 =	vadd.s32 $0x348, v0;
	[tilespmem:$0x1FFF0] =	vst v63;
	s5 =	sadd.s32 $0x209C00, s6;
	s6 =	smax.u32 s10, $0x1;
	s10 =	simm.s32 $0x80  }
.LBB2_1:
0x1e: {  	[tilespmem:s2], [sflag:$0x2] =	stream.linear.gather [hbm4b:s5+s2], $0x3400, $0x38;
	[tilespmem:$0xA2C0] =	vst v63  }
0x1f: {  	_ =	swait.ge [sflag:s9], $0x3400  }
0x20: {  	s22 =	smov.u32 s8;
	[sflag:s9] =	ssyncset.done $0x0  }
0x21: {  	s23 =	smov.u32 s7;
	s24 =	simm.s32 $0x0;
	[sflag:s9] =	ssyncadd.s32 $0xFFFFCC00  }
.LBB2_2:
0x22: {  	s25 =	sshra.s32 s24, $0x2  }
0x23: {  	[tilespmem:s11], [sflag:$0x1] =	stream.indirect.gather [hbm4b:s4+s10], $0x10, s25, s10, $0xb8;
	[tilespmem:$0xA2C0] =	vst v63  }
0x24: {  	_ = 	snop  }
0x25: {  	[tilespmem:s12], [sflag:$0x1] =	stream.indirect.gather [hbm4b:s3+s10], $0x1, s25, s10, $0xb8;
	[tilespmem:$0xA2C0] =	vst v63  }
0x26: {  	s26 =	rddreg [dreg:$0x3];
	s28 =	sadd.s32 $0x80, s25  }
0x27: {  	[tilespmem:s26], [sflag:$0x1] =	stream.indirect.gather [hbm4b:s4+s10], $0x10, s28, s10, $0xb8;
	[tilespmem:$0xA2C0] =	vst v63  }
0x28: {  	s29 =	rddreg [dreg:$0x4]  }
0x29: {  	[tilespmem:s29], [sflag:$0x1] =	stream.indirect.gather [hbm4b:s3+s10], $0x1, s28, s10, $0xb8;
	[tilespmem:$0xA2C0] =	vst v63  }
0x2a: {  	s30 =	sadd.s32 $0x100, s25;
	s26 =	rddreg [dreg:$0x5]  }
0x2b: {  	[tilespmem:s26], [sflag:$0x1] =	stream.indirect.gather [hbm4b:s4+s10], $0x10, s30, s10, $0xb8;
	[tilespmem:$0xA2C0] =	vst v63  }
0x2c: {  	s31 =	rddreg [dreg:$0x6]  }
0x2d: {  	[tilespmem:s31], [sflag:$0x1] =	stream.indirect.gather [hbm4b:s3+s10], $0x1, s30, s10, $0xb8;
	[tilespmem:$0xA2C0] =	vst v63  }
0x2e: {  	s26 =	rddreg [dreg:$0x7];
	s30 =	sadd.s32 $0x180, s25  }
0x2f: {  	[tilespmem:s26], [sflag:$0x1] =	stream.indirect.gather [hbm4b:s4+s10], $0x10, s30, s10, $0xb8;
	[tilespmem:$0xA2C0] =	vst v63  }
0x30: {  	s31 =	rddreg [dreg:$0x8]  }
0x31: {  	[tilespmem:s31], [sflag:$0x1] =	stream.indirect.gather [hbm4b:s3+s10], $0x1, s30, s10, $0xb8;
	[tilespmem:$0xA2C0] =	vst v63  }
0x32: {  	s26 =	rddreg [dreg:$0x9];
	s30 =	sadd.s32 $0x200, s25  }
0x33: {  	[tilespmem:s26], [sflag:$0x1] =	stream.indirect.gather [hbm4b:s4+s10], $0x10, s30, s10, $0xb8;
	[tilespmem:$0xA2C0] =	vst v63  }
0x34: {  	s31 =	rddreg [dreg:$0xa]  }
0x35: {  	[tilespmem:s31], [sflag:$0x1] =	stream.indirect.gather [hbm4b:s3+s10], $0x1, s30, s10, $0xb8;
	[tilespmem:$0xA2C0] =	vst v63  }
0x36: {  	s26 =	rddreg [dreg:$0xb];
	s30 =	sadd.s32 $0x280, s25  }
0x37: {  	[tilespmem:s26], [sflag:$0x1] =	stream.indirect.gather [hbm4b:s4+s10], $0x10, s30, s10, $0xb8;
	[tilespmem:$0xA2C0] =	vst v63  }
0x38: {  	s31 =	rddreg [dreg:$0xc]  }
0x39: {  	[tilespmem:s31], [sflag:$0x1] =	stream.indirect.gather [hbm4b:s3+s10], $0x1, s30, s10, $0xb8;
	[tilespmem:$0xA2C0] =	vst v63  }
0x3a: {  	s26 =	rddreg [dreg:$0xd];
	s30 =	sadd.s32 $0x300, s25  }
0x3b: {  	[tilespmem:s26], [sflag:$0x1] =	stream.indirect.gather [hbm4b:s4+s10], $0x10, s30, s10, $0xb8;
	[tilespmem:$0xA2C0] =	vst v63  }
0x3c: {  	s31 =	rddreg [dreg:$0xe]  }
0x3d: {  	[tilespmem:s31], [sflag:$0x1] =	stream.indirect.gather [hbm4b:s3+s10], $0x1, s30, s10, $0xb8;
	[tilespmem:$0xA2C0] =	vst v63  }
0x3e: {  	s26 =	rddreg [dreg:$0xf];
	s30 =	sadd.s32 $0x380, s25  }
0x3f: {  	[tilespmem:s26], [sflag:$0x1] =	stream.indirect.gather [hbm4b:s4+s10], $0x10, s30, s10, $0xb8;
	[tilespmem:$0xA2C0] =	vst v63  }
0x40: {  	s31 =	rddreg [dreg:$0x10]  }
0x41: {  	[tilespmem:s31], [sflag:$0x1] =	stream.indirect.gather [hbm4b:s3+s10], $0x1, s30, s10, $0xb8;
	[tilespmem:$0xA2C0] =	vst v63  }
0x42: {  	s26 =	rddreg [dreg:$0x11];
	s30 =	sadd.s32 $0x400, s25  }
0x43: {  	[tilespmem:s26], [sflag:$0x1] =	stream.indirect.gather [hbm4b:s4+s10], $0x10, s30, s10, $0xb8;
	[tilespmem:$0xA2C0] =	vst v63  }
0x44: {  	s31 =	rddreg [dreg:$0x12]  }
0x45: {  	[tilespmem:s31], [sflag:$0x1] =	stream.indirect.gather [hbm4b:s3+s10], $0x1, s30, s10, $0xb8;
	[tilespmem:$0xA2C0] =	vst v63  }
0x46: {  	s26 =	rddreg [dreg:$0x13];
	s30 =	sadd.s32 $0x480, s25  }
0x47: {  	[tilespmem:s26], [sflag:$0x1] =	stream.indirect.gather [hbm4b:s4+s10], $0x10, s30, s10, $0xb8;
	[tilespmem:$0xA2C0] =	vst v63  }
0x48: {  	s31 =	rddreg [dreg:$0x14]  }
0x49: {  	[tilespmem:s31], [sflag:$0x1] =	stream.indirect.gather [hbm4b:s3+s10], $0x1, s30, s10, $0xb8;
	[tilespmem:$0xA2C0] =	vst v63  }
0x4a: {  	s30 =	sadd.s32 $0x500, s25  }
0x4b: {  	[tilespmem:s13], [sflag:$0x1] =	stream.indirect.gather [hbm4b:s4+s10], $0x10, s30, s10, $0xb8;
	[tilespmem:$0xA2C0] =	vst v63  }
0x4c: {  	_ = 	snop  }
0x4d: {  	[tilespmem:s14], [sflag:$0x1] =	stream.indirect.gather [hbm4b:s3+s10], $0x1, s30, s10, $0xb8;
	[tilespmem:$0xA2C0] =	vst v63  }
0x4e: {  	s31 =	sadd.s32 $0x580, s25  }
0x4f: {  	[tilespmem:s15], [sflag:$0x1] =	stream.indirect.gather [hbm4b:s4+s10], $0x10, s31, s10, $0xb8;
	[tilespmem:$0xA2C0] =	vst v63  }
0x50: {  	_ = 	snop  }
0x51: {  	[tilespmem:s16], [sflag:$0x1] =	stream.indirect.gather [hbm4b:s3+s10], $0x1, s31, s10, $0xb8;
	[tilespmem:$0xA2C0] =	vst v63  }
0x52: {  	s25 =	sadd.s32 $0x600, s25  }
0x53: {  	[tilespmem:s17], [sflag:$0x1] =	stream.indirect.gather [hbm4b:s4+s10], $0x10, s25, s10, $0xb8;
	[tilespmem:$0xA2C0] =	vst v63  }
0x54: {  	_ = 	snop  }
0x55: {  	[tilespmem:s18], [sflag:$0x1] =	stream.indirect.gather [hbm4b:s3+s10], $0x1, s25, s10, $0xb8;
	[tilespmem:$0xA2C0] =	vst v63  }
0x56: {  	_ =	swait.ge [sflag:s19], $0x800  }
0x57: {  	[sflag:s19] =	ssyncset.done $0x0  }
0x58: {  	[sflag:s19] =	ssyncadd.s32 $0xFFFFF800  }
0x59: {  	_ =	swait.ge [sflag:s19], $0x800  }
0x5a: {  	[sflag:s19] =	ssyncset.done $0x0  }
0x5b: {  	[sflag:s19] =	ssyncadd.s32 $0xFFFFF800  }
0x5c: {  	_ =	swait.ge [sflag:s19], $0x800  }
0x5d: {  	[sflag:s19] =	ssyncset.done $0x0  }
0x5e: {  	[sflag:s19] =	ssyncadd.s32 $0xFFFFF800  }
0x5f: {  	_ =	swait.ge [sflag:s19], $0x800  }
0x60: {  	[sflag:s19] =	ssyncset.done $0x0  }
0x61: {  	[sflag:s19] =	ssyncadd.s32 $0xFFFFF800  }
0x62: {  	_ =	swait.ge [sflag:s19], $0x800  }
0x63: {  	[sflag:s19] =	ssyncset.done $0x0  }
0x64: {  	[sflag:s19] =	ssyncadd.s32 $0xFFFFF800  }
0x65: {  	_ =	swait.ge [sflag:s19], $0x800  }
0x66: {  	[sflag:s19] =	ssyncset.done $0x0  }
0x67: {  	[sflag:s19] =	ssyncadd.s32 $0xFFFFF800  }
0x68: {  	_ =	swait.ge [sflag:s19], $0x800  }
0x69: {  	[sflag:s19] =	ssyncset.done $0x0  }
0x6a: {  	[sflag:s19] =	ssyncadd.s32 $0xFFFFF800  }
0x6b: {  	_ =	swait.ge [sflag:s19], $0x800  }
0x6c: {  	[sflag:s19] =	ssyncset.done $0x0  }
0x6d: {  	[sflag:s19] =	ssyncadd.s32 $0xFFFFF800  }
0x6e: {  	_ =	swait.ge [sflag:s19], $0x800  }
0x6f: {  	[sflag:s19] =	ssyncset.done $0x0  }
0x70: {  	[sflag:s19] =	ssyncadd.s32 $0xFFFFF800  }
0x71: {  	_ =	swait.ge [sflag:s19], $0x800  }
0x72: {  	[sflag:s19] =	ssyncset.done $0x0  }
0x73: {  	[sflag:s19] =	ssyncadd.s32 $0xFFFFF800  }
0x74: {  	_ =	swait.ge [sflag:s19], $0x800  }
0x75: {  	[sflag:s19] =	ssyncset.done $0x0  }
0x76: {  	[sflag:s19] =	ssyncadd.s32 $0xFFFFF800  }
0x77: {  	_ =	swait.ge [sflag:s19], $0x800  }
0x78: {  	[sflag:s19] =	ssyncset.done $0x0  }
0x79: {  	[sflag:s19] =	ssyncadd.s32 $0xFFFFF800  }
0x7a: {  	_ =	swait.ge [sflag:s19], $0x800  }
0x7b: {  	[sflag:s19] =	ssyncset.done $0x0  }
0x7c: {  	[sflag:s19] =	ssyncadd.s32 $0xFFFFF800  }
0x7d: {  	_ =	swait.ge [sflag:s19], $0x80  }
0x7e: {  	[sflag:s19] =	ssyncset.done $0x0  }
0x7f: {  	[sflag:s19] =	ssyncadd.s32 $0xFFFFFF80  }
0x80: {  	_ =	swait.ge [sflag:s19], $0x80  }
0x81: {  	[sflag:s19] =	ssyncset.done $0x0  }
0x82: {  	[sflag:s19] =	ssyncadd.s32 $0xFFFFFF80  }
0x83: {  	_ =	swait.ge [sflag:s19], $0x80  }
0x84: {  	[sflag:s19] =	ssyncset.done $0x0  }
0x85: {  	[sflag:s19] =	ssyncadd.s32 $0xFFFFFF80  }
0x86: {  	_ =	swait.ge [sflag:s19], $0x80  }
0x87: {  	[sflag:s19] =	ssyncset.done $0x0  }
0x88: {  	[sflag:s19] =	ssyncadd.s32 $0xFFFFFF80  }
0x89: {  	_ =	swait.ge [sflag:s19], $0x80  }
0x8a: {  	[sflag:s19] =	ssyncset.done $0x0  }
0x8b: {  	[sflag:s19] =	ssyncadd.s32 $0xFFFFFF80  }
0x8c: {  	_ =	swait.ge [sflag:s19], $0x80  }
0x8d: {  	[sflag:s19] =	ssyncset.done $0x0  }
0x8e: {  	[sflag:s19] =	ssyncadd.s32 $0xFFFFFF80  }
0x8f: {  	_ =	swait.ge [sflag:s19], $0x80  }
0x90: {  	[sflag:s19] =	ssyncset.done $0x0  }
0x91: {  	[sflag:s19] =	ssyncadd.s32 $0xFFFFFF80  }
0x92: {  	_ =	swait.ge [sflag:s19], $0x80  }
0x93: {  	[sflag:s19] =	ssyncset.done $0x0  }
0x94: {  	[sflag:s19] =	ssyncadd.s32 $0xFFFFFF80  }
0x95: {  	_ =	swait.ge [sflag:s19], $0x80  }
0x96: {  	[sflag:s19] =	ssyncset.done $0x0  }
0x97: {  	[sflag:s19] =	ssyncadd.s32 $0xFFFFFF80  }
0x98: {  	_ =	swait.ge [sflag:s19], $0x80  }
0x99: {  	[sflag:s19] =	ssyncset.done $0x0  }
0x9a: {  	[sflag:s19] =	ssyncadd.s32 $0xFFFFFF80  }
0x9b: {  	_ =	swait.ge [sflag:s19], $0x80  }
0x9c: {  	[sflag:s19] =	ssyncset.done $0x0  }
0x9d: {  	[sflag:s19] =	ssyncadd.s32 $0xFFFFFF80  }
0x9e: {  	_ =	swait.ge [sflag:s19], $0x80  }
0x9f: {  	[sflag:s19] =	ssyncset.done $0x0  }
0xa0: {  	[sflag:s19] =	ssyncadd.s32 $0xFFFFFF80  }
0xa1: {  	_ =	swait.ge [sflag:s19], $0x80  }
0xa2: {  	[sflag:s19] =	ssyncset.done $0x0  }
0xa3: {  	[sflag:s19] =	ssyncadd.s32 $0xFFFFFF80  }
0xa4: {  	[hbm4b:s22+s2] =	stream.linear.scatter [tilespmem:s11], [sflag:$0x2], $0x6800, $0x38;
	[tilespmem:$0xA2C0] =	vst v63  }
0xa5: {  	_ =	swait.ge [sflag:s9], $0x6800  }
0xa6: {  	v2 =	vld [tilespmem:$0x1FFB0];
	_ =	sdelay $0x1  }
0xa7: {  	v3 =	vld [tilespmem:$0x1FFC0];
	_ =	sdelay $0x1  }
0xa8: {  	v4 =	vld [tilespmem:$0x1FFD0]  }
0xa9: {  	[sflag:s9] =	ssyncset.done $0x0  }
0xaa: {  	[sflag:s9] =	ssyncadd.s32 $0xFFFF9800  }
0xab: {  	v1 =	vld.idx.msk [tilespmem:v0+s12+$0x0], $0xffff  }
0xac: {  	v2 =	vld.idx.msk [tilespmem:v2+s12+$0x0], $0xffff;
	_ =	sdelay $0x1  }
0xad: {  	v3 =	vld.idx.msk [tilespmem:v3+s12+$0x0], $0xffff;
	_ =	sdelay $0x1  }
0xae: {  	v4 =	vld.idx.msk [tilespmem:v4+s12+$0x0], $0xffff  }
0xaf: {  	v1 =	vadd.f32 v2, v1  }
0xb0: {  	v2 =	vld.idx.msk [tilespmem:v5+s12+$0x0], $0xffff  }
0xb1: {  	v1 =	vadd.f32 v3, v1  }
0xb2: {  	v3 =	vld.idx.msk [tilespmem:v6+s12+$0x0], $0xffff  }
0xb3: {  	v1 =	vadd.f32 v4, v1  }
0xb4: {  	v4 =	vld.idx.msk [tilespmem:v10+s12+$0x0], $0xffff  }
0xb5: {  	v1 =	vadd.f32 v2, v1  }
0xb6: {  	v2 =	vld.idx.msk [tilespmem:v11+s12+$0x0], $0xffff  }
0xb7: {  	v1 =	vadd.f32 v3, v1  }
0xb8: {  	v3 =	vld.idx.msk [tilespmem:v12+s12+$0x0], $0xffff  }
0xb9: {  	v1 =	vadd.f32 v4, v1  }
0xba: {  	v4 =	vld.idx.msk [tilespmem:v13+s12+$0x0], $0xffff  }
0xbb: {  	v1 =	vadd.f32 v2, v1  }
0xbc: {  	v2 =	vld.idx.msk [tilespmem:v14+s12+$0x0], $0xffff  }
0xbd: {  	v1 =	vadd.f32 v3, v1  }
0xbe: {  	v3 =	vld.idx.msk [tilespmem:v15+s12+$0x0], $0xffff  }
0xbf: {  	v1 =	vadd.f32 v4, v1  }
0xc0: {  	v4 =	vld.idx.msk [tilespmem:v16+s12+$0x0], $0xffff  }
0xc1: {  	v1 =	vadd.f32 v2, v1  }
0xc2: {  	v2 =	vld.idx.msk [tilespmem:v17+s12+$0x0], $0xffff  }
0xc3: {  	v1 =	vadd.f32 v3, v1  }
0xc4: {  	v3 =	vld.idx.msk [tilespmem:v18+s12+$0x0], $0xffff  }
0xc5: {  	v1 =	vadd.f32 v4, v1  }
0xc6: {  	v4 =	vld.idx.msk [tilespmem:v19+s12+$0x0], $0xffff  }
0xc7: {  	v1 =	vadd.f32 v2, v1  }
0xc8: {  	v2 =	vld.idx.msk [tilespmem:v20+s12+$0x0], $0xffff  }
0xc9: {  	v1 =	vadd.f32 v3, v1  }
0xca: {  	v3 =	vld.idx.msk [tilespmem:v21+s12+$0x0], $0xffff  }
0xcb: {  	v1 =	vadd.f32 v4, v1  }
0xcc: {  	v4 =	vld.idx.msk [tilespmem:v22+s12+$0x0], $0xffff  }
0xcd: {  	v1 =	vadd.f32 v2, v1  }
0xce: {  	v2 =	vld.idx.msk [tilespmem:v23+s12+$0x0], $0xffff  }
0xcf: {  	v1 =	vadd.f32 v3, v1  }
0xd0: {  	v3 =	vld.idx.msk [tilespmem:v24+s12+$0x0], $0xffff  }
0xd1: {  	v1 =	vadd.f32 v4, v1  }
0xd2: {  	v4 =	vld.idx.msk [tilespmem:v25+s12+$0x0], $0xffff  }
0xd3: {  	v1 =	vadd.f32 v2, v1  }
0xd4: {  	v2 =	vld.idx.msk [tilespmem:v26+s12+$0x0], $0xffff  }
0xd5: {  	v1 =	vadd.f32 v3, v1  }
0xd6: {  	v3 =	vld.idx.msk [tilespmem:v27+s12+$0x0], $0xffff  }
0xd7: {  	v1 =	vadd.f32 v4, v1  }
0xd8: {  	v4 =	vld.idx.msk [tilespmem:v28+s12+$0x0], $0xffff  }
0xd9: {  	v1 =	vadd.f32 v2, v1  }
0xda: {  	v2 =	vld.idx.msk [tilespmem:v29+s12+$0x0], $0xffff  }
0xdb: {  	v1 =	vadd.f32 v3, v1;
	_ =	sdelay $0x1  }
0xdc: {  	v1 =	vadd.f32 v4, v1;
	_ =	sdelay $0x1  }
0xdd: {  	v1 =	vadd.f32 v2, v1;
	_ =	sdelay $0x1  }
0xde: {  	[tilespmem:$0xA280] =	vst v1  }
0xdf: {  	v1 =	vld.idx.msk [tilespmem:v30+s12+$0x0], $0xffff  }
0xe0: {  	v2 =	vld.idx.msk [tilespmem:v31+s12+$0x0], $0xffff;
	_ =	sdelay $0x1  }
0xe1: {  	v3 =	vld.idx.msk [tilespmem:v32+s12+$0x0], $0xffff;
	_ =	sdelay $0x1  }
0xe2: {  	v4 =	vld.idx.msk [tilespmem:v33+s12+$0x0], $0xffff  }
0xe3: {  	v1 =	vadd.f32 v2, v1  }
0xe4: {  	v2 =	vld.idx.msk [tilespmem:v34+s12+$0x0], $0xffff  }
0xe5: {  	v1 =	vadd.f32 v3, v1  }
0xe6: {  	v3 =	vld.idx.msk [tilespmem:v35+s12+$0x0], $0xffff  }
0xe7: {  	v1 =	vadd.f32 v4, v1  }
0xe8: {  	v4 =	vld.idx.msk [tilespmem:v36+s12+$0x0], $0xffff  }
0xe9: {  	v1 =	vadd.f32 v2, v1  }
0xea: {  	v2 =	vld.idx.msk [tilespmem:v37+s12+$0x0], $0xffff  }
0xeb: {  	v1 =	vadd.f32 v3, v1  }
0xec: {  	v3 =	vld.idx.msk [tilespmem:v38+s12+$0x0], $0xffff  }
0xed: {  	v1 =	vadd.f32 v4, v1  }
0xee: {  	v4 =	vld.idx.msk [tilespmem:v39+s12+$0x0], $0xffff  }
0xef: {  	v1 =	vadd.f32 v2, v1  }
0xf0: {  	v2 =	vld.idx.msk [tilespmem:v40+s12+$0x0], $0xffff  }
0xf1: {  	v1 =	vadd.f32 v3, v1  }
0xf2: {  	v3 =	vld.idx.msk [tilespmem:v41+s12+$0x0], $0xffff  }
0xf3: {  	v1 =	vadd.f32 v4, v1  }
0xf4: {  	v4 =	vld.idx.msk [tilespmem:v42+s12+$0x0], $0xffff  }
0xf5: {  	v1 =	vadd.f32 v2, v1  }
0xf6: {  	v2 =	vld.idx.msk [tilespmem:v43+s12+$0x0], $0xffff  }
0xf7: {  	v1 =	vadd.f32 v3, v1  }
0xf8: {  	v3 =	vld.idx.msk [tilespmem:v44+s12+$0x0], $0xffff  }
0xf9: {  	v1 =	vadd.f32 v4, v1  }
0xfa: {  	v4 =	vld.idx.msk [tilespmem:v45+s12+$0x0], $0xffff  }
0xfb: {  	v1 =	vadd.f32 v2, v1  }
0xfc: {  	v2 =	vld.idx.msk [tilespmem:v46+s12+$0x0], $0xffff  }
0xfd: {  	v1 =	vadd.f32 v3, v1  }
0xfe: {  	v3 =	vld.idx.msk [tilespmem:v47+s12+$0x0], $0xffff  }
0xff: {  	v1 =	vadd.f32 v4, v1  }
0x100: {  	v4 =	vld.idx.msk [tilespmem:v48+s12+$0x0], $0xffff  }
0x101: {  	v1 =	vadd.f32 v2, v1  }
0x102: {  	v2 =	vld.idx.msk [tilespmem:v49+s12+$0x0], $0xffff  }
0x103: {  	v1 =	vadd.f32 v3, v1  }
0x104: {  	v3 =	vld.idx.msk [tilespmem:v50+s12+$0x0], $0xffff  }
0x105: {  	v1 =	vadd.f32 v4, v1  }
0x106: {  	v4 =	vld.idx.msk [tilespmem:v51+s12+$0x0], $0xffff  }
0x107: {  	v1 =	vadd.f32 v2, v1  }
0x108: {  	v2 =	vld.idx.msk [tilespmem:v52+s12+$0x0], $0xffff  }
0x109: {  	v1 =	vadd.f32 v3, v1  }
0x10a: {  	v3 =	vld.idx.msk [tilespmem:v53+s12+$0x0], $0xffff  }
0x10b: {  	v1 =	vadd.f32 v4, v1  }
0x10c: {  	v4 =	vld.idx.msk [tilespmem:v54+s12+$0x0], $0xffff  }
0x10d: {  	v1 =	vadd.f32 v2, v1  }
0x10e: {  	v2 =	vld.idx.msk [tilespmem:v55+s12+$0x0], $0xffff  }
0x10f: {  	v1 =	vadd.f32 v3, v1;
	_ =	sdelay $0x1  }
0x110: {  	v1 =	vadd.f32 v4, v1;
	_ =	sdelay $0x1  }
0x111: {  	v1 =	vadd.f32 v2, v1;
	_ =	sdelay $0x1  }
0x112: {  	[tilespmem:$0xA290] =	vst v1  }
0x113: {  	v1 =	vld.idx.msk [tilespmem:v56+s12+$0x0], $0xffff  }
0x114: {  	v2 =	vld.idx.msk [tilespmem:v57+s12+$0x0], $0xffff;
	_ =	sdelay $0x1  }
0x115: {  	v3 =	vld.idx.msk [tilespmem:v58+s12+$0x0], $0xffff;
	_ =	sdelay $0x1  }
0x116: {  	v4 =	vld.idx.msk [tilespmem:v59+s12+$0x0], $0xffff  }
0x117: {  	v1 =	vadd.f32 v2, v1  }
0x118: {  	v2 =	vld.idx.msk [tilespmem:v60+s12+$0x0], $0xffff  }
0x119: {  	v1 =	vadd.f32 v3, v1  }
0x11a: {  	v3 =	vld.idx.msk [tilespmem:v61+s12+$0x0], $0xffff  }
0x11b: {  	v1 =	vadd.f32 v4, v1  }
0x11c: {  	v4 =	vld.idx.msk [tilespmem:v62+s12+$0x0], $0xffff  }
0x11d: {  	v1 =	vadd.f32 v2, v1;
	_ =	sdelay $0x1  }
0x11e: {  	v1 =	vadd.f32 v3, v1  }
0x11f: {  	v3 =	vld.idx.msk [tilespmem:v8+s12+$0x0], $0xffff  }
0x120: {  	v1 =	vadd.f32 v4, v1;
	v4 =	vld.idx.msk [tilespmem:v9+s12+$0x0], $0xffff;
	v9 =	vmov v8;
	v8 =	vmov v7  }
0x121: {  	v2 =	vld.idx.msk [tilespmem:v7+s12+$0x0], $0xffff;
	v7 =	vmovc v62;
	v62 =	vmovc v60;
	v60 =	vmov v58;
	v58 =	vmov v56;
	v56 =	vmov v54  }
0x122: {  	v54 =	vmovc v52;
	v52 =	vmovc v50;
	v50 =	vmov v48;
	v48 =	vmov v46;
	v46 =	vmov v44  }
0x123: {  	v44 =	vmovc v42;
	v42 =	vmovc v40;
	v40 =	vmov v38;
	v38 =	vmov v36;
	v36 =	vmov v34  }
0x124: {  	v34 =	vmovc v32;
	v32 =	vmovc v30;
	v30 =	vmov v28;
	v28 =	vmov v26;
	v26 =	vmov v24  }
0x125: {  	v24 =	vmovc v22;
	v22 =	vmovc v20;
	v20 =	vmov v18;
	v18 =	vmov v16;
	v16 =	vmov v14  }
0x126: {  	v14 =	vmovc v12;
	v12 =	vmovc v10;
	v10 =	vmov v5;
	v5 =	vld.idx.msk [tilespmem:v63+s12+$0x0], $0xffff;
	v63 =	vmov v61;
	v61 =	vmov v59  }
0x127: {  	v59 =	vmovc v57;
	v57 =	vmovc v55;
	v55 =	vmov v53;
	v53 =	vmov v51;
	v51 =	vmov v49  }
0x128: {  	v49 =	vmovc v47;
	v47 =	vmovc v45;
	v45 =	vmov v43;
	v43 =	vmov v41;
	v41 =	vmov v39  }
0x129: {  	v39 =	vmovc v37;
	v37 =	vmovc v35;
	v35 =	vmov v33;
	v33 =	vmov v31;
	v31 =	vmov v29  }
0x12a: {  	v29 =	vmovc v27;
	v27 =	vmovc v25;
	v25 =	vmov v23;
	v23 =	vmov v21;
	v21 =	vmov v19  }
0x12b: {  	v19 =	vmovc v17;
	v17 =	vmovc v15;
	v15 =	vmov v13;
	v13 =	vmov v11;
	v11 =	vmov v6;
	v6 =	vld [tilespmem:$0x1FFA0];
	_ =	sdelay $0x4  }
0x12c: {  	v1 =	vadd.f32 v2, v1;
	v2 =	vadd.s32 $0x34C, v0;
	_ =	sdelay $0x1  }
0x12d: {  	v1 =	vadd.f32 v3, v1;
	v3 =	vadd.s32 $0x34D, v0  }
0x12e: {  	v6 =	vld.idx.msk [tilespmem:v6+s12+$0x0], $0xffff  }
0x12f: {  	v1 =	vadd.f32 v4, v1;
	v4 =	vadd.s32 $0x34E, v0  }
0x130: {  	v2 =	vld.idx.msk [tilespmem:v2+s12+$0x0], $0xffff  }
0x131: {  	v1 =	vadd.f32 v5, v1;
	v5 =	vadd.s32 $0x34F, v0  }
0x132: {  	v3 =	vld.idx.msk [tilespmem:v3+s12+$0x0], $0xffff  }
0x133: {  	v1 =	vadd.f32 v6, v1;
	v6 =	vadd.s32 $0x350, v0  }
0x134: {  	v4 =	vld.idx.msk [tilespmem:v4+s12+$0x0], $0xffff  }
0x135: {  	v1 =	vadd.f32 v2, v1;
	v2 =	vadd.s32 $0x351, v0  }
0x136: {  	v5 =	vld.idx.msk [tilespmem:v5+s12+$0x0], $0xffff  }
0x137: {  	v1 =	vadd.f32 v3, v1;
	v3 =	vadd.s32 $0x352, v0  }
0x138: {  	v6 =	vld.idx.msk [tilespmem:v6+s12+$0x0], $0xffff  }
0x139: {  	v1 =	vadd.f32 v4, v1;
	v4 =	vadd.s32 $0x353, v0  }
0x13a: {  	v2 =	vld.idx.msk [tilespmem:v2+s12+$0x0], $0xffff  }
0x13b: {  	v1 =	vadd.f32 v5, v1;
	v5 =	vadd.s32 $0x354, v0  }
0x13c: {  	v3 =	vld.idx.msk [tilespmem:v3+s12+$0x0], $0xffff  }
0x13d: {  	v1 =	vadd.f32 v6, v1;
	v6 =	vadd.s32 $0x355, v0  }
0x13e: {  	v4 =	vld.idx.msk [tilespmem:v4+s12+$0x0], $0xffff  }
0x13f: {  	v1 =	vadd.f32 v2, v1;
	v2 =	vadd.s32 $0x356, v0  }
0x140: {  	v5 =	vld.idx.msk [tilespmem:v5+s12+$0x0], $0xffff  }
0x141: {  	v1 =	vadd.f32 v3, v1;
	v3 =	vadd.s32 $0x357, v0  }
0x142: {  	v6 =	vld.idx.msk [tilespmem:v6+s12+$0x0], $0xffff  }
0x143: {  	v1 =	vadd.f32 v4, v1;
	v4 =	vadd.s32 $0x358, v0  }
0x144: {  	v2 =	vld.idx.msk [tilespmem:v2+s12+$0x0], $0xffff  }
0x145: {  	v1 =	vadd.f32 v5, v1;
	v5 =	vadd.s32 $0x359, v0  }
0x146: {  	v3 =	vld.idx.msk [tilespmem:v3+s12+$0x0], $0xffff  }
0x147: {  	v1 =	vadd.f32 v6, v1  }
0x148: {  	v4 =	vld.idx.msk [tilespmem:v4+s12+$0x0], $0xffff  }
0x149: {  	v1 =	vadd.f32 v2, v1  }
0x14a: {  	v2 =	vld.idx.msk [tilespmem:v5+s12+$0x0], $0xffff  }
0x14b: {  	v1 =	vadd.f32 v3, v1;
	_ =	sdelay $0x1  }
0x14c: {  	v3 =	vadd.s32 $0x4E0, v0;
	v1 =	vadd.f32 v4, v1  }
0x14d: {  	v4 =	vadd.s32 $0x4E1, v0  }
0x14e: {  	v1 =	vadd.f32 v2, v1  }
0x14f: {  	v2 =	vadd.s32 $0x4E2, v0  }
0x150: {  	[tilespmem:$0xA2A0] =	vst v1  }
0x151: {  	v1 =	vld.idx.msk [tilespmem:v3+s12+$0x0], $0xffff;
	v3 =	vadd.s32 $0x4E3, v0  }
0x152: {  	v4 =	vld.idx.msk [tilespmem:v4+s12+$0x0], $0xffff  }
0x153: {  	v5 =	vadd.s32 $0x4E4, v0  }
0x154: {  	v2 =	vld.idx.msk [tilespmem:v2+s12+$0x0], $0xffff  }
0x155: {  	v6 =	vadd.s32 $0x4E5, v0  }
0x156: {  	v3 =	vld.idx.msk [tilespmem:v3+s12+$0x0], $0xffff  }
0x157: {  	v1 =	vadd.f32 v4, v1;
	v4 =	vadd.s32 $0x4E6, v0  }
0x158: {  	v5 =	vld.idx.msk [tilespmem:v5+s12+$0x0], $0xffff  }
0x159: {  	v1 =	vadd.f32 v2, v1;
	v2 =	vadd.s32 $0x4E7, v0  }
0x15a: {  	v6 =	vld.idx.msk [tilespmem:v6+s12+$0x0], $0xffff  }
0x15b: {  	v1 =	vadd.f32 v3, v1;
	v3 =	vadd.s32 $0x4E8, v0  }
0x15c: {  	v4 =	vld.idx.msk [tilespmem:v4+s12+$0x0], $0xffff  }
0x15d: {  	v1 =	vadd.f32 v5, v1;
	v5 =	vadd.s32 $0x4E9, v0  }
0x15e: {  	v2 =	vld.idx.msk [tilespmem:v2+s12+$0x0], $0xffff  }
0x15f: {  	v1 =	vadd.f32 v6, v1;
	v6 =	vadd.s32 $0x4EA, v0  }
0x160: {  	v3 =	vld.idx.msk [tilespmem:v3+s12+$0x0], $0xffff  }
0x161: {  	v1 =	vadd.f32 v4, v1;
	v4 =	vadd.s32 $0x4EB, v0  }
0x162: {  	v5 =	vld.idx.msk [tilespmem:v5+s12+$0x0], $0xffff  }
0x163: {  	v1 =	vadd.f32 v2, v1;
	v2 =	vadd.s32 $0x4EC, v0  }
0x164: {  	v6 =	vld.idx.msk [tilespmem:v6+s12+$0x0], $0xffff  }
0x165: {  	v1 =	vadd.f32 v3, v1;
	v3 =	vadd.s32 $0x4ED, v0  }
0x166: {  	v4 =	vld.idx.msk [tilespmem:v4+s12+$0x0], $0xffff  }
0x167: {  	v1 =	vadd.f32 v5, v1;
	v5 =	vadd.s32 $0x4EE, v0  }
0x168: {  	v2 =	vld.idx.msk [tilespmem:v2+s12+$0x0], $0xffff  }
0x169: {  	v1 =	vadd.f32 v6, v1;
	v6 =	vadd.s32 $0x4EF, v0  }
0x16a: {  	v3 =	vld.idx.msk [tilespmem:v3+s12+$0x0], $0xffff  }
0x16b: {  	v1 =	vadd.f32 v4, v1;
	v4 =	vadd.s32 $0x4F0, v0  }
0x16c: {  	v5 =	vld.idx.msk [tilespmem:v5+s12+$0x0], $0xffff  }
0x16d: {  	v1 =	vadd.f32 v2, v1;
	v2 =	vadd.s32 $0x4F1, v0  }
0x16e: {  	v6 =	vld.idx.msk [tilespmem:v6+s12+$0x0], $0xffff  }
0x16f: {  	v1 =	vadd.f32 v3, v1;
	v3 =	vadd.s32 $0x4F2, v0  }
0x170: {  	v4 =	vld.idx.msk [tilespmem:v4+s12+$0x0], $0xffff  }
0x171: {  	v1 =	vadd.f32 v5, v1;
	v5 =	vadd.s32 $0x4F3, v0  }
0x172: {  	v2 =	vld.idx.msk [tilespmem:v2+s12+$0x0], $0xffff  }
0x173: {  	v1 =	vadd.f32 v6, v1  }
0x174: {  	v6 =	vadd.s32 $0x4F4, v0;
	v3 =	vld.idx.msk [tilespmem:v3+s12+$0x0], $0xffff  }
0x175: {  	v1 =	vadd.f32 v4, v1  }
0x176: {  	v4 =	vadd.s32 $0x4F5, v0;
	v5 =	vld.idx.msk [tilespmem:v5+s12+$0x0], $0xffff  }
0x177: {  	v1 =	vadd.f32 v2, v1  }
0x178: {  	v2 =	vadd.s32 $0x4F6, v0  }
0x179: {  	v6 =	vld.idx.msk [tilespmem:v6+s12+$0x0], $0xffff;
	v1 =	vadd.f32 v3, v1  }
0x17a: {  	v3 =	vadd.s32 $0x4F7, v0  }
0x17b: {  	v4 =	vld.idx.msk [tilespmem:v4+s12+$0x0], $0xffff;
	v1 =	vadd.f32 v5, v1;
	v5 =	vadd.s32 $0x4F8, v0;
	_ =	sdelay $0x1  }
0x17c: {  	v2 =	vld.idx.msk [tilespmem:v2+s12+$0x0], $0xffff  }
0x17d: {  	v1 =	vadd.f32 v6, v1;
	v6 =	vadd.s32 $0x4F9, v0  }
0x17e: {  	v3 =	vld.idx.msk [tilespmem:v3+s12+$0x0], $0xffff  }
0x17f: {  	v1 =	vadd.f32 v4, v1;
	v4 =	vld.idx.msk [tilespmem:v5+s12+$0x0], $0xffff;
	v5 =	vmov v10  }
0x180: {  	v10 =	vmovc v12;
	v12 =	vmovc v14;
	v14 =	vmov v16;
	v16 =	vmov v18;
	v18 =	vmov v20  }
0x181: {  	v20 =	vmovc v22;
	v22 =	vmovc v24;
	v24 =	vmov v26;
	v26 =	vmov v28;
	v1 =	vadd.f32 v2, v1  }
0x182: {  	v28 =	vmovc v30;
	v30 =	vmovc v32;
	v32 =	vmov v34;
	v34 =	vmov v36;
	v36 =	vmov v38;
	v2 =	vld.idx.msk [tilespmem:v6+s12+$0x0], $0xffff  }
0x183: {  	v38 =	vmovc v40;
	v40 =	vmovc v42;
	v42 =	vmov v44;
	v44 =	vmov v46;
	v1 =	vadd.f32 v3, v1  }
0x184: {  	v46 =	vmovc v48;
	v48 =	vmovc v50;
	v50 =	vmov v52;
	v52 =	vmov v54;
	v54 =	vmov v56  }
0x185: {  	v56 =	vmovc v58;
	v58 =	vmovc v60;
	v60 =	vmov v62;
	v62 =	vmov v7;
	v1 =	vadd.f32 v4, v1  }
0x186: {  	v7 =	vmovc v8;
	v8 =	vmovc v9;
	v6 =	vmov v11;
	v11 =	vmov v13;
	v13 =	vmov v15  }
0x187: {  	v15 =	vmovc v17;
	v17 =	vmovc v19;
	v19 =	vmov v21;
	v21 =	vmov v23;
	v1 =	vadd.f32 v2, v1  }
0x188: {  	p0 =	sne.s32 s24, $0xB600;
	v23 =	vmovc v25;
	v25 =	vmovc v27;
	v27 =	vmov v29;
	v29 =	vmov v31;
	v31 =	vmov v33  }
.Ltmp0:
0x189: {  	v33 =	vmovc v35;
	v35 =	vmovc v37;
	v37 =	vmov v39;
	v39 =	vmov v41;
	v41 =	vmov v43;
	[tilespmem:$0xA2B0] =	vst v1;
	(pc) =	sbr.rel @p0 .LBB2_2-.Ltmp0, $4  }
0x18a: {  	v9 =	vld [tilespmem:$0x1FFE0];
	v43 =	vmovc v45;
	v45 =	vmovc v47;
	v47 =	vmov v49;
	v49 =	vmov v51;
	v51 =	vmov v53;
	[hbm4b:s23+s2] =	stream.linear.scatter [tilespmem:s20], [sflag:$0x2], $0x40, $0x38  }
0x18b: {  	v53 =	vmovc v55;
	v55 =	vmovc v57;
	v57 =	vmov v59;
	v59 =	vmov v61;
	v61 =	vmov v63;
	v63 =	vld [tilespmem:$0x1FFF0];
	_ =	swait.ge [sflag:s9], $0x40  }
0x18c: {  	s24 =	sadd.s32 $0x1A00, s24;
	[sflag:s9] =	ssyncset.done $0x0  }
0x18d: {  	s22 =	sadd.s32 $0xD00, s22;
	s23 =	sadd.s32 $0x8, s23;
	[sflag:s9] =	ssyncadd.s32 $0xFFFFFFC0  }
0x18e: {  	s21 =	sadd.s32 $0x1, s21  }
0x18f: {  	p0 =	sne.s32 s21, s6  }
.Ltmp1:
0x190: {  	_ = 	snop;
	(pc) =	sbr.rel @p0 .LBB2_1-.Ltmp1, $1  }
0x191: {  	_ =	sdelay $0x3  }
0x192: {  	_ =	sfence.sel $0x180000  }
0x193: {  	[bflag:$0x0] =	sbarrier.arrive $0xFFFF  }
0x194: {  	p0 =	sne.s32 s0, $0x0;
	_ =	strace $0x9000004A  }
0x195: {  	s0 =	sadd.s32 @!p0 $0x100000, s1;
	[bflag:$0x2] =	sbarrier.arrive $0xFFFF  }
0x196: {  	[sflag:s0] =	ssyncadd.tile.s32 @!p0 $0x1;
	_ =	shalt  }
.Lfunc_end2:
_tile_overlayer_lowered:
.L_overlay_start_2:
0x197: {  	(tag) =	ssettag $0x2  }
0x198: {  	s0 =	rddreg [dreg:$0x0];
	s2 =	stileid.u32  }
0x199: {  	s1 =	rddreg [dreg:$0x1];
	p0 =	sne.s32 s2, $0x0  }
0x19a: {  	s3 =	rddreg [dreg:$0x2];
	[bflag:$0x3] =	sbarrier.arrive $0xFFFF;
	s2 =	simm.s32 @!p0 $0x1C02  }
0x19b: {  	[timem:s3], [sflag:s2] =	dma.local @!p0 [hbm:s0], s1  }
0x19c: {  	s0 =	simm.s32 @!p0 $0x2  }
0x19d: {  	_ =	swait.ge @!p0 [sflag:s0], s1  }
0x19e: {  	s1 =	ssub.s32 @!p0 $0x0, s1;
	[sflag:s0] =	ssyncset.done @!p0 $0x0  }
0x19f: {  	[sflag:s0] =	ssyncadd.s32 @!p0 s1  }
0x1a0: {  	[bflag:$0x3] =	sbarrier.arrive $0xFFFF  }
0x1a1: {  	_ =	shalt  }

</sc_bundles>
